<compile_context>
chip_gen: v7x
topology: tpu7x:2x2x1
jax: 0.10.2.dev20260603
libtpu: 0.0.44.dev20260713+nightly
codegen_flags: <defaults>
</compile_context>

<pallas_src>
import functools
import math

import jax
import jax.numpy as jnp
from jax import lax
from jax.experimental import pallas as pl
from jax.experimental.pallas import tpu as pltpu
from jax.experimental.pallas import tpu_sc as plsc

VOCAB = 100000
DIM = 128
B = 4096
L = 50
SCALE = math.sqrt(DIM)

NC = 2
NS = 16
NW = NC * NS
BPW = B // NW
LANES = 16
NBUF = 3


def _scale_rows(src, dst):
    def body(i, carry):
        for r4 in range(4):
            r = i * 4 + r4
            for c in range(DIM // LANES):
                sl = pl.ds(c * LANES, LANES)
                dst[r, sl] = src[r, sl] * SCALE
        return carry

    lax.fori_loop(0, BPW // 4, body, 0, unroll=False)


def _emb_body(idx_hbm, table_hbm, out_hbm, idx_v, ibufs, obufs, gsems, osems):
    wid = lax.axis_index("s") * NC + lax.axis_index("c")
    b0 = wid * BPW

    pltpu.sync_copy(idx_hbm.at[pl.ds(wid * L * BPW, L * BPW)], idx_v)

    def gather(j, b):
        return pltpu.async_copy(
            table_hbm.at[idx_v.at[pl.ds(j * BPW, BPW)]], ibufs[b], gsems[b])

    def gather_wait(j, b):
        pltpu.make_async_copy(
            table_hbm.at[idx_v.at[pl.ds(j * BPW, BPW)]],
            ibufs[b], gsems[b]).wait()

    def outcp(j, b):
        return pltpu.async_copy(
            obufs[b], out_hbm.at[pl.ds(j * B + b0, BPW)], osems[b])

    def outcp_wait(j, b):
        pltpu.make_async_copy(
            obufs[b], out_hbm.at[pl.ds(j * B + b0, BPW)], osems[b]).wait()

    for b in range(NBUF):
        gather(b, b)

    def step(j, b):
        gather_wait(j, b)

        @pl.when(j >= NBUF)
        def _():
            outcp_wait(j - NBUF, b)

        _scale_rows(ibufs[b], obufs[b])

        @pl.when(j + NBUF < L)
        def _():
            gather(j + NBUF, b)

        outcp(j, b)

    def outer(g, carry):
        for b in range(NBUF):
            step(g * NBUF + b, b)
        return carry

    lax.fori_loop(0, L // NBUF, outer, 0, unroll=False)
    for b in range(L % NBUF):
        step((L // NBUF) * NBUF + b, b)

    for b in range(NBUF):
        outcp_wait(L - NBUF + b, (L - NBUF + b) % NBUF)


_emb = functools.partial(
    pl.kernel,
    out_type=jax.ShapeDtypeStruct((L * B, DIM), jnp.float32),
    mesh=plsc.VectorSubcoreMesh(core_axis_name="c", subcore_axis_name="s"),
    scratch_types=[
        pltpu.VMEM((L * BPW,), jnp.int32),
        [pltpu.VMEM((BPW, DIM), jnp.float32) for _ in range(NBUF)],
        [pltpu.VMEM((BPW, DIM), jnp.float32) for _ in range(NBUF)],
        [pltpu.SemaphoreType.DMA for _ in range(NBUF)],
        [pltpu.SemaphoreType.DMA for _ in range(NBUF)],
    ],
)(_emb_body)


def kernel(input_idx, table):
    idx_w = jnp.transpose(
        jnp.reshape(input_idx.astype(jnp.int32), (NW, BPW, L)), (0, 2, 1))
    out = _emb(jnp.reshape(idx_w, (B * L,)), table)
    return jnp.transpose(jnp.reshape(out, (L, B, DIM)), (1, 0, 2))

# --- scband reference (transcript-rebuilt; emitter-appended) ---
"""Pipeline reference for scband-embeddings-58729382806070 (READ-ONLY COPY).

The authoritative reference and input builder live on the scoring server;
editing this copy changes nothing except your own understanding.
"""

import jax, jax.numpy as jnp
import numpy as np
import math

VOCAB = 100000
DIM = 128
B = 4096
L = 50

def setup_inputs(seed: int = 0) -> dict:
    key = jax.random.key(seed)
    k_idx, k_tab = jax.random.split(key)
    input_idx = jax.random.randint(k_idx, (B, L), 0, VOCAB, dtype=jnp.int64 if jax.config.jax_enable_x64 else jnp.int32)
    table = jax.random.normal(k_tab, (VOCAB, DIM), dtype=jnp.float32)
    return {"input_idx": input_idx, "table": table}

def reference(input_idx, table):
    # Embeddings.forward: lut(input_idx) * sqrt(num_features)
    emb = jnp.take(table, input_idx, axis=0)
    return emb * math.sqrt(DIM)

if __name__ == "__main__":
    import jax
    _d = setup_inputs()
    print(jax.jit(kernel)(*tuple(_d.values())))

</pallas_src>

<mosaic_0001>
#map = affine_map<(d0, d1) -> (0)>
#map1 = affine_map<(d0, d1) -> (0, 0)>
module attributes {stable_mosaic.version = 14 : i64} {
  func.func @_emb_body(%arg0: i32, %arg1: i32, %arg2: memref<204800xi32, #tpu.memory_space<hbm>>, %arg3: memref<100000x128xf32, #tpu.memory_space<hbm>>, %arg4: memref<204800x128xf32, #tpu.memory_space<hbm>>, %arg5: memref<6400xi32, #tpu.memory_space<vmem>>, %arg6: memref<128x128xf32, #tpu.memory_space<vmem>>, %arg7: memref<128x128xf32, #tpu.memory_space<vmem>>, %arg8: memref<128x128xf32, #tpu.memory_space<vmem>>, %arg9: memref<128x128xf32, #tpu.memory_space<vmem>>, %arg10: memref<128x128xf32, #tpu.memory_space<vmem>>, %arg11: memref<128x128xf32, #tpu.memory_space<vmem>>, %arg12: memref<!tpu.dma_semaphore, #tpu.memory_space<semaphore_mem>>, %arg13: memref<!tpu.dma_semaphore, #tpu.memory_space<semaphore_mem>>, %arg14: memref<!tpu.dma_semaphore, #tpu.memory_space<semaphore_mem>>, %arg15: memref<!tpu.dma_semaphore, #tpu.memory_space<semaphore_mem>>, %arg16: memref<!tpu.dma_semaphore, #tpu.memory_space<semaphore_mem>>, %arg17: memref<!tpu.dma_semaphore, #tpu.memory_space<semaphore_mem>>) attributes {dimension_semantics = [#tpu.dimension_semantics<core_parallel>, #tpu.dimension_semantics<subcore_parallel>], iteration_bounds = array<i64: 2, 16>, scalar_prefetch = 0 : i64, scratch_operands = 13 : i64, tpu.core_type = #tpu.core_type<sc_vector_subcore>, window_params = [{transform_indices = #map}, {transform_indices = #map1}, {transform_indices = #map1}]} {
    %mul3A = arith.constant 2 : i32
    %mul3A_0 = arith.muli %arg1, %mul3A : i32
    %add3A = arith.addi %mul3A_0, %arg0 : i32
    %mul3A_1 = arith.constant 128 : i32
    %mul3A_2 = arith.muli %add3A, %mul3A_1 : i32
    %mul3A_3 = arith.constant 50 : i32
    %mul3A_4 = arith.muli %add3A, %mul3A_3 : i32
    %mul3A_5 = arith.constant 128 : i32
    %mul3A_6 = arith.muli %mul3A_4, %mul3A_5 : i32
    "tpu.region"() ({
      %run_scoped3A = tpu.sem_alloc : memref<!tpu.dma_semaphore, #tpu.memory_space<semaphore_mem>>
      %dma_start3A_89 = tpu.memref_slice %arg2[%mul3A_6] : memref<204800xi32, #tpu.memory_space<hbm>> -> memref<6400xi32, #tpu.memory_space<hbm>>
      %dma_start3A_90 = tpu.memref_slice %arg2[%mul3A_6] : memref<204800xi32, #tpu.memory_space<hbm>> -> memref<6400xi32, #tpu.memory_space<hbm>>
      tpu.enqueue_dma source(%dma_start3A_90 : memref<6400xi32, #tpu.memory_space<hbm>>) target(%arg5 : memref<6400xi32, #tpu.memory_space<vmem>>) target_semaphore(%run_scoped3A : memref<!tpu.dma_semaphore, #tpu.memory_space<semaphore_mem>>)
      %dma_wait3A_91 = tpu.memref_slice %arg2[%mul3A_6] : memref<204800xi32, #tpu.memory_space<hbm>> -> memref<6400xi32, #tpu.memory_space<hbm>>
      %dma_wait3A_92 = tpu.memref_slice %arg2[%mul3A_6] : memref<204800xi32, #tpu.memory_space<hbm>> -> memref<6400xi32, #tpu.memory_space<hbm>>
      tpu.wait_dma2 semaphore(%run_scoped3A : memref<!tpu.dma_semaphore, #tpu.memory_space<semaphore_mem>>) src(%dma_wait3A_92 : memref<6400xi32, #tpu.memory_space<hbm>>) dst(%arg5 : memref<6400xi32, #tpu.memory_space<vmem>>)
      tpu.yield
    }) : () -> ()
    %dma_start3A = arith.constant 0 : i32
    %dma_start3A_7 = tpu.memref_slice %arg5[%dma_start3A] : memref<6400xi32, #tpu.memory_space<vmem>> -> memref<128xi32, #tpu.memory_space<vmem>>
    %dma_start3A_8 = arith.constant 0 : i32
    %dma_start3A_9 = arith.constant 0 : i32
    %dma_start3A_10 = tpu.memref_slice %arg3[%dma_start3A_8, %dma_start3A_9] : memref<100000x128xf32, #tpu.memory_space<hbm>> -> memref<100000x128xf32, #tpu.memory_space<hbm>>
    tpu.enqueue_indirect_dma source(%dma_start3A_10 : memref<100000x128xf32, #tpu.memory_space<hbm>>) target(%arg6 : memref<128x128xf32, #tpu.memory_space<vmem>>) offsets(%dma_start3A_7 : memref<128xi32, #tpu.memory_space<vmem>>) semaphore(%arg12 : memref<!tpu.dma_semaphore, #tpu.memory_space<semaphore_mem>>)
    %dma_start3A_11 = arith.constant 128 : i32
    %dma_start3A_12 = tpu.memref_slice %arg5[%dma_start3A_11] : memref<6400xi32, #tpu.memory_space<vmem>> -> memref<128xi32, #tpu.memory_space<vmem>>
    %dma_start3A_13 = arith.constant 0 : i32
    %dma_start3A_14 = arith.constant 0 : i32
    %dma_start3A_15 = tpu.memref_slice %arg3[%dma_start3A_13, %dma_start3A_14] : memref<100000x128xf32, #tpu.memory_space<hbm>> -> memref<100000x128xf32, #tpu.memory_space<hbm>>
    tpu.enqueue_indirect_dma source(%dma_start3A_15 : memref<100000x128xf32, #tpu.memory_space<hbm>>) target(%arg7 : memref<128x128xf32, #tpu.memory_space<vmem>>) offsets(%dma_start3A_12 : memref<128xi32, #tpu.memory_space<vmem>>) semaphore(%arg13 : memref<!tpu.dma_semaphore, #tpu.memory_space<semaphore_mem>>)
    %dma_start3A_16 = arith.constant 256 : i32
    %dma_start3A_17 = tpu.memref_slice %arg5[%dma_start3A_16] : memref<6400xi32, #tpu.memory_space<vmem>> -> memref<128xi32, #tpu.memory_space<vmem>>
    %dma_start3A_18 = arith.constant 0 : i32
    %dma_start3A_19 = arith.constant 0 : i32
    %dma_start3A_20 = tpu.memref_slice %arg3[%dma_start3A_18, %dma_start3A_19] : memref<100000x128xf32, #tpu.memory_space<hbm>> -> memref<100000x128xf32, #tpu.memory_space<hbm>>
    tpu.enqueue_indirect_dma source(%dma_start3A_20 : memref<100000x128xf32, #tpu.memory_space<hbm>>) target(%arg8 : memref<128x128xf32, #tpu.memory_space<vmem>>) offsets(%dma_start3A_17 : memref<128xi32, #tpu.memory_space<vmem>>) semaphore(%arg14 : memref<!tpu.dma_semaphore, #tpu.memory_space<semaphore_mem>>)
    %scan3A = arith.constant 0 : i32
    %scan3A_21 = arith.constant 0 : i32
    %scan3A_22 = arith.constant 16 : i32
    %scan3A_23 = arith.addi %scan3A_21, %scan3A_22 : i32
    %scan3A_24 = arith.constant 1 : i32
    scf.for %scan3A_89 = %scan3A_21 to %scan3A_23 step %scan3A_24  : i32 {
      %mul3A_90 = arith.constant 3 : i32
      %mul3A_91 = arith.muli %scan3A_89, %mul3A_90 : i32
      %add3A_92 = arith.constant 0 : i32
      %add3A_93 = arith.addi %mul3A_91, %add3A_92 : i32
      %mul3A_94 = arith.constant 128 : i32
      %mul3A_95 = arith.muli %add3A_93, %mul3A_94 : i32
      %dma_wait3A_96 = tpu.memref_slice %arg5[%mul3A_95] : memref<6400xi32, #tpu.memory_space<vmem>> -> memref<128xi32, #tpu.memory_space<vmem>>
      %dma_wait3A_97 = arith.constant 0 : i32
      %dma_wait3A_98 = arith.constant 0 : i32
      %dma_wait3A_99 = tpu.memref_slice %arg3[%dma_wait3A_97, %dma_wait3A_98] : memref<100000x128xf32, #tpu.memory_space<hbm>> -> memref<100000x128xf32, #tpu.memory_space<hbm>>
      tpu.wait_indirect_dma semaphore(%arg12 : memref<!tpu.dma_semaphore, #tpu.memory_space<semaphore_mem>>) src(%dma_wait3A_99 : memref<100000x128xf32, #tpu.memory_space<hbm>>) dst(%arg6 : memref<128x128xf32, #tpu.memory_space<vmem>>)
      %ge3A = arith.constant 3 : i32
      %ge3A_100 = arith.cmpi sge, %add3A_93, %ge3A : i32
      %convert_element_type3A = arith.extui %ge3A_100 : i1 to i32
      %cond3A = arith.constant 0 : i32
      %cond3A_101 = arith.cmpi ne, %convert_element_type3A, %cond3A : i32
      scf.if %cond3A_101 {
        %sub3A = arith.constant 3 : i32
        %sub3A_191 = arith.subi %add3A_93, %sub3A : i32
        %mul3A_192 = arith.constant 4096 : i32
        %mul3A_193 = arith.muli %sub3A_191, %mul3A_192 : i32
        %add3A_194 = arith.addi %mul3A_193, %mul3A_2 : i32
        %dma_wait3A_195 = arith.constant 0 : i32
        %dma_wait3A_196 = tpu.memref_slice %arg4[%add3A_194, %dma_wait3A_195] : memref<204800x128xf32, #tpu.memory_space<hbm>> -> memref<128x128xf32, #tpu.memory_space<hbm>>
        %dma_wait3A_197 = arith.constant 0 : i32
        %dma_wait3A_198 = tpu.memref_slice %arg4[%add3A_194, %dma_wait3A_197] : memref<204800x128xf32, #tpu.memory_space<hbm>> -> memref<128x128xf32, #tpu.memory_space<hbm>>
        tpu.wait_dma2 semaphore(%arg15 : memref<!tpu.dma_semaphore, #tpu.memory_space<semaphore_mem>>) src(%arg9 : memref<128x128xf32, #tpu.memory_space<vmem>>) dst(%dma_wait3A_198 : memref<128x128xf32, #tpu.memory_space<hbm>>)
      } else {
      }
      %scan3A_102 = arith.constant 0 : i32
      %scan3A_103 = arith.constant 0 : i32
      %scan3A_104 = arith.constant 32 : i32
      %scan3A_105 = arith.addi %scan3A_103, %scan3A_104 : i32
      %scan3A_106 = arith.constant 1 : i32
      scf.for %scan3A_191 = %scan3A_103 to %scan3A_105 step %scan3A_106  : i32 {
        %mul3A_192 = arith.constant 4 : i32
        %mul3A_193 = arith.muli %scan3A_191, %mul3A_192 : i32
        %add3A_194 = arith.constant 0 : i32
        %add3A_195 = arith.addi %mul3A_193, %add3A_194 : i32
        %get3A = arith.index_cast %add3A_195 : i32 to index
        %get3A_196 = arith.constant 0 : index
        %get3A_197 = tpu.vector_load %arg6[%get3A, %get3A_196] {strides = array<i32>} : memref<128x128xf32, #tpu.memory_space<vmem>>, vector<1x16xf32>,
        %get3A_198 = vector.shape_cast %get3A_197 : vector<1x16xf32> to vector<16xf32>
        %mul3A_199 = arith.constant 11.3137083 : f32
        %mul3A_200 = vector.broadcast %mul3A_199 : f32 to vector<16xf32>
        %mul3A_201 = arith.mulf %get3A_198, %mul3A_200 : vector<16xf32>
        %swap3A = arith.index_cast %add3A_195 : i32 to index
        %swap3A_202 = arith.constant 0 : index
        %swap3A_203 = tpu.vector_load %arg9[%swap3A, %swap3A_202] {strides = array<i32>} : memref<128x128xf32, #tpu.memory_space<vmem>>, vector<1x16xf32>,
        %swap3A_204 = vector.shape_cast %swap3A_203 : vector<1x16xf32> to vector<16xf32>
        %swap3A_205 = vector.shape_cast %mul3A_201 : vector<16xf32> to vector<1x16xf32>
        tpu.vector_store %arg9[%swap3A, %swap3A_202], %swap3A_205 {strides = array<i32>} : memref<128x128xf32, #tpu.memory_space<vmem>>, vector<1x16xf32>,
        %get3A_206 = arith.index_cast %add3A_195 : i32 to index
        %get3A_207 = arith.constant 16 : index
        %get3A_208 = tpu.vector_load %arg6[%get3A_206, %get3A_207] {strides = array<i32>} : memref<128x128xf32, #tpu.memory_space<vmem>>, vector<1x16xf32>,
        %get3A_209 = vector.shape_cast %get3A_208 : vector<1x16xf32> to vector<16xf32>
        %mul3A_210 = arith.constant 11.3137083 : f32
        %mul3A_211 = vector.broadcast %mul3A_210 : f32 to vector<16xf32>
        %mul3A_212 = arith.mulf %get3A_209, %mul3A_211 : vector<16xf32>
        %swap3A_213 = arith.index_cast %add3A_195 : i32 to index
        %swap3A_214 = arith.constant 16 : index
        %swap3A_215 = tpu.vector_load %arg9[%swap3A_213, %swap3A_214] {strides = array<i32>} : memref<128x128xf32, #tpu.memory_space<vmem>>, vector<1x16xf32>,
        %swap3A_216 = vector.shape_cast %swap3A_215 : vector<1x16xf32> to vector<16xf32>
        %swap3A_217 = vector.shape_cast %mul3A_212 : vector<16xf32> to vector<1x16xf32>
        tpu.vector_store %arg9[%swap3A_213, %swap3A_214], %swap3A_217 {strides = array<i32>} : memref<128x128xf32, #tpu.memory_space<vmem>>, vector<1x16xf32>,
        %get3A_218 = arith.index_cast %add3A_195 : i32 to index
        %get3A_219 = arith.constant 32 : index
        %get3A_220 = tpu.vector_load %arg6[%get3A_218, %get3A_219] {strides = array<i32>} : memref<128x128xf32, #tpu.memory_space<vmem>>, vector<1x16xf32>,
        %get3A_221 = vector.shape_cast %get3A_220 : vector<1x16xf32> to vector<16xf32>
        %mul3A_222 = arith.constant 11.3137083 : f32
        %mul3A_223 = vector.broadcast %mul3A_222 : f32 to vector<16xf32>
        %mul3A_224 = arith.mulf %get3A_221, %mul3A_223 : vector<16xf32>
        %swap3A_225 = arith.index_cast %add3A_195 : i32 to index
        %swap3A_226 = arith.constant 32 : index
        %swap3A_227 = tpu.vector_load %arg9[%swap3A_225, %swap3A_226] {strides = array<i32>} : memref<128x128xf32, #tpu.memory_space<vmem>>, vector<1x16xf32>,
        %swap3A_228 = vector.shape_cast %swap3A_227 : vector<1x16xf32> to vector<16xf32>
        %swap3A_229 = vector.shape_cast %mul3A_224 : vector<16xf32> to vector<1x16xf32>
        tpu.vector_store %arg9[%swap3A_225, %swap3A_226], %swap3A_229 {strides = array<i32>} : memref<128x128xf32, #tpu.memory_space<vmem>>, vector<1x16xf32>,
        %get3A_230 = arith.index_cast %add3A_195 : i32 to index
        %get3A_231 = arith.constant 48 : index
        %get3A_232 = tpu.vector_load %arg6[%get3A_230, %get3A_231] {strides = array<i32>} : memref<128x128xf32, #tpu.memory_space<vmem>>, vector<1x16xf32>,
        %get3A_233 = vector.shape_cast %get3A_232 : vector<1x16xf32> to vector<16xf32>
        %mul3A_234 = arith.constant 11.3137083 : f32
        %mul3A_235 = vector.broadcast %mul3A_234 : f32 to vector<16xf32>
        %mul3A_236 = arith.mulf %get3A_233, %mul3A_235 : vector<16xf32>
        %swap3A_237 = arith.index_cast %add3A_195 : i32 to index
        %swap3A_238 = arith.constant 48 : index
        %swap3A_239 = tpu.vector_load %arg9[%swap3A_237, %swap3A_238] {strides = array<i32>} : memref<128x128xf32, #tpu.memory_space<vmem>>, vector<1x16xf32>,
        %swap3A_240 = vector.shape_cast %swap3A_239 : vector<1x16xf32> to vector<16xf32>
        %swap3A_241 = vector.shape_cast %mul3A_236 : vector<16xf32> to vector<1x16xf32>
        tpu.vector_store %arg9[%swap3A_237, %swap3A_238], %swap3A_241 {strides = array<i32>} : memref<128x128xf32, #tpu.memory_space<vmem>>, vector<1x16xf32>,
        %get3A_242 = arith.index_cast %add3A_195 : i32 to index
        %get3A_243 = arith.constant 64 : index
        %get3A_244 = tpu.vector_load %arg6[%get3A_242, %get3A_243] {strides = array<i32>} : memref<128x128xf32, #tpu.memory_space<vmem>>, vector<1x16xf32>,
        %get3A_245 = vector.shape_cast %get3A_244 : vector<1x16xf32> to vector<16xf32>
        %mul3A_246 = arith.constant 11.3137083 : f32
        %mul3A_247 = vector.broadcast %mul3A_246 : f32 to vector<16xf32>
        %mul3A_248 = arith.mulf %get3A_245, %mul3A_247 : vector<16xf32>
        %swap3A_249 = arith.index_cast %add3A_195 : i32 to index
        %swap3A_250 = arith.constant 64 : index
        %swap3A_251 = tpu.vector_load %arg9[%swap3A_249, %swap3A_250] {strides = array<i32>} : memref<128x128xf32, #tpu.memory_space<vmem>>, vector<1x16xf32>,
        %swap3A_252 = vector.shape_cast %swap3A_251 : vector<1x16xf32> to vector<16xf32>
        %swap3A_253 = vector.shape_cast %mul3A_248 : vector<16xf32> to vector<1x16xf32>
        tpu.vector_store %arg9[%swap3A_249, %swap3A_250], %swap3A_253 {strides = array<i32>} : memref<128x128xf32, #tpu.memory_space<vmem>>, vector<1x16xf32>,
        %get3A_254 = arith.index_cast %add3A_195 : i32 to index
        %get3A_255 = arith.constant 80 : index
        %get3A_256 = tpu.vector_load %arg6[%get3A_254, %get3A_255] {strides = array<i32>} : memref<128x128xf32, #tpu.memory_space<vmem>>, vector<1x16xf32>,
        %get3A_257 = vector.shape_cast %get3A_256 : vector<1x16xf32> to vector<16xf32>
        %mul3A_258 = arith.constant 11.3137083 : f32
        %mul3A_259 = vector.broadcast %mul3A_258 : f32 to vector<16xf32>
        %mul3A_260 = arith.mulf %get3A_257, %mul3A_259 : vector<16xf32>
        %swap3A_261 = arith.index_cast %add3A_195 : i32 to index
        %swap3A_262 = arith.constant 80 : index
        %swap3A_263 = tpu.vector_load %arg9[%swap3A_261, %swap3A_262] {strides = array<i32>} : memref<128x128xf32, #tpu.memory_space<vmem>>, vector<1x16xf32>,
        %swap3A_264 = vector.shape_cast %swap3A_263 : vector<1x16xf32> to vector<16xf32>
        %swap3A_265 = vector.shape_cast %mul3A_260 : vector<16xf32> to vector<1x16xf32>
        tpu.vector_store %arg9[%swap3A_261, %swap3A_262], %swap3A_265 {strides = array<i32>} : memref<128x128xf32, #tpu.memory_space<vmem>>, vector<1x16xf32>,
        %get3A_266 = arith.index_cast %add3A_195 : i32 to index
        %get3A_267 = arith.constant 96 : index
        %get3A_268 = tpu.vector_load %arg6[%get3A_266, %get3A_267] {strides = array<i32>} : memref<128x128xf32, #tpu.memory_space<vmem>>, vector<1x16xf32>,
        %get3A_269 = vector.shape_cast %get3A_268 : vector<1x16xf32> to vector<16xf32>
        %mul3A_270 = arith.constant 11.3137083 : f32
        %mul3A_271 = vector.broadcast %mul3A_270 : f32 to vector<16xf32>
        %mul3A_272 = arith.mulf %get3A_269, %mul3A_271 : vector<16xf32>
        %swap3A_273 = arith.index_cast %add3A_195 : i32 to index
        %swap3A_274 = arith.constant 96 : index
        %swap3A_275 = tpu.vector_load %arg9[%swap3A_273, %swap3A_274] {strides = array<i32>} : memref<128x128xf32, #tpu.memory_space<vmem>>, vector<1x16xf32>,
        %swap3A_276 = vector.shape_cast %swap3A_275 : vector<1x16xf32> to vector<16xf32>
        %swap3A_277 = vector.shape_cast %mul3A_272 : vector<16xf32> to vector<1x16xf32>
        tpu.vector_store %arg9[%swap3A_273, %swap3A_274], %swap3A_277 {strides = array<i32>} : memref<128x128xf32, #tpu.memory_space<vmem>>, vector<1x16xf32>,
        %get3A_278 = arith.index_cast %add3A_195 : i32 to index
        %get3A_279 = arith.constant 112 : index
        %get3A_280 = tpu.vector_load %arg6[%get3A_278, %get3A_279] {strides = array<i32>} : memref<128x128xf32, #tpu.memory_space<vmem>>, vector<1x16xf32>,
        %get3A_281 = vector.shape_cast %get3A_280 : vector<1x16xf32> to vector<16xf32>
        %mul3A_282 = arith.constant 11.3137083 : f32
        %mul3A_283 = vector.broadcast %mul3A_282 : f32 to vector<16xf32>
        %mul3A_284 = arith.mulf %get3A_281, %mul3A_283 : vector<16xf32>
        %swap3A_285 = arith.index_cast %add3A_195 : i32 to index
        %swap3A_286 = arith.constant 112 : index
        %swap3A_287 = tpu.vector_load %arg9[%swap3A_285, %swap3A_286] {strides = array<i32>} : memref<128x128xf32, #tpu.memory_space<vmem>>, vector<1x16xf32>,
        %swap3A_288 = vector.shape_cast %swap3A_287 : vector<1x16xf32> to vector<16xf32>
        %swap3A_289 = vector.shape_cast %mul3A_284 : vector<16xf32> to vector<1x16xf32>
        tpu.vector_store %arg9[%swap3A_285, %swap3A_286], %swap3A_289 {strides = array<i32>} : memref<128x128xf32, #tpu.memory_space<vmem>>, vector<1x16xf32>,
        %mul3A_290 = arith.constant 4 : i32
        %mul3A_291 = arith.muli %scan3A_191, %mul3A_290 : i32
        %add3A_292 = arith.constant 1 : i32
        %add3A_293 = arith.addi %mul3A_291, %add3A_292 : i32
        %get3A_294 = arith.index_cast %add3A_293 : i32 to index
        %get3A_295 = arith.constant 0 : index
        %get3A_296 = tpu.vector_load %arg6[%get3A_294, %get3A_295] {strides = array<i32>} : memref<128x128xf32, #tpu.memory_space<vmem>>, vector<1x16xf32>,
        %get3A_297 = vector.shape_cast %get3A_296 : vector<1x16xf32> to vector<16xf32>
        %mul3A_298 = arith.constant 11.3137083 : f32
        %mul3A_299 = vector.broadcast %mul3A_298 : f32 to vector<16xf32>
        %mul3A_300 = arith.mulf %get3A_297, %mul3A_299 : vector<16xf32>
        %swap3A_301 = arith.index_cast %add3A_293 : i32 to index
        %swap3A_302 = arith.constant 0 : index
        %swap3A_303 = tpu.vector_load %arg9[%swap3A_301, %swap3A_302] {strides = array<i32>} : memref<128x128xf32, #tpu.memory_space<vmem>>, vector<1x16xf32>,
        %swap3A_304 = vector.shape_cast %swap3A_303 : vector<1x16xf32> to vector<16xf32>
        %swap3A_305 = vector.shape_cast %mul3A_300 : vector<16xf32> to vector<1x16xf32>
        tpu.vector_store %arg9[%swap3A_301, %swap3A_302], %swap3A_305 {strides = array<i32>} : memref<128x128xf32, #tpu.memory_space<vmem>>, vector<1x16xf32>,
        %get3A_306 = arith.index_cast %add3A_293 : i32 to index
        %get3A_307 = arith.constant 16 : index
        %get3A_308 = tpu.vector_load %arg6[%get3A_306, %get3A_307] {strides = array<i32>} : memref<128x128xf32, #tpu.memory_space<vmem>>, vector<1x16xf32>,
        %get3A_309 = vector.shape_cast %get3A_308 : vector<1x16xf32> to vector<16xf32>
        %mul3A_310 = arith.constant 11.3137083 : f32
        %mul3A_311 = vector.broadcast %mul3A_310 : f32 to vector<16xf32>
        %mul3A_312 = arith.mulf %get3A_309, %mul3A_311 : vector<16xf32>
        %swap3A_313 = arith.index_cast %add3A_293 : i32 to index
        %swap3A_314 = arith.constant 16 : index
        %swap3A_315 = tpu.vector_load %arg9[%swap3A_313, %swap3A_314] {strides = array<i32>} : memref<128x128xf32, #tpu.memory_space<vmem>>, vector<1x16xf32>,
        %swap3A_316 = vector.shape_cast %swap3A_315 : vector<1x16xf32> to vector<16xf32>
        %swap3A_317 = vector.shape_cast %mul3A_312 : vector<16xf32> to vector<1x16xf32>
        tpu.vector_store %arg9[%swap3A_313, %swap3A_314], %swap3A_317 {strides = array<i32>} : memref<128x128xf32, #tpu.memory_space<vmem>>, vector<1x16xf32>,
        %get3A_318 = arith.index_cast %add3A_293 : i32 to index
        %get3A_319 = arith.constant 32 : index
        %get3A_320 = tpu.vector_load %arg6[%get3A_318, %get3A_319] {strides = array<i32>} : memref<128x128xf32, #tpu.memory_space<vmem>>, vector<1x16xf32>,
        %get3A_321 = vector.shape_cast %get3A_320 : vector<1x16xf32> to vector<16xf32>
        %mul3A_322 = arith.constant 11.3137083 : f32
        %mul3A_323 = vector.broadcast %mul3A_322 : f32 to vector<16xf32>
        %mul3A_324 = arith.mulf %get3A_321, %mul3A_323 : vector<16xf32>
        %swap3A_325 = arith.index_cast %add3A_293 : i32 to index
        %swap3A_326 = arith.constant 32 : index
        %swap3A_327 = tpu.vector_load %arg9[%swap3A_325, %swap3A_326] {strides = array<i32>} : memref<128x128xf32, #tpu.memory_space<vmem>>, vector<1x16xf32>,
        %swap3A_328 = vector.shape_cast %swap3A_327 : vector<1x16xf32> to vector<16xf32>
        %swap3A_329 = vector.shape_cast %mul3A_324 : vector<16xf32> to vector<1x16xf32>
        tpu.vector_store %arg9[%swap3A_325, %swap3A_326], %swap3A_329 {strides = array<i32>} : memref<128x128xf32, #tpu.memory_space<vmem>>, vector<1x16xf32>,
        %get3A_330 = arith.index_cast %add3A_293 : i32 to index
        %get3A_331 = arith.constant 48 : index
        %get3A_332 = tpu.vector_load %arg6[%get3A_330, %get3A_331] {strides = array<i32>} : memref<128x128xf32, #tpu.memory_space<vmem>>, vector<1x16xf32>,
        %get3A_333 = vector.shape_cast %get3A_332 : vector<1x16xf32> to vector<16xf32>
        %mul3A_334 = arith.constant 11.3137083 : f32
        %mul3A_335 = vector.broadcast %mul3A_334 : f32 to vector<16xf32>
        %mul3A_336 = arith.mulf %get3A_333, %mul3A_335 : vector<16xf32>
        %swap3A_337 = arith.index_cast %add3A_293 : i32 to index
        %swap3A_338 = arith.constant 48 : index
        %swap3A_339 = tpu.vector_load %arg9[%swap3A_337, %swap3A_338] {strides = array<i32>} : memref<128x128xf32, #tpu.memory_space<vmem>>, vector<1x16xf32>,
        %swap3A_340 = vector.shape_cast %swap3A_339 : vector<1x16xf32> to vector<16xf32>
        %swap3A_341 = vector.shape_cast %mul3A_336 : vector<16xf32> to vector<1x16xf32>
        tpu.vector_store %arg9[%swap3A_337, %swap3A_338], %swap3A_341 {strides = array<i32>} : memref<128x128xf32, #tpu.memory_space<vmem>>, vector<1x16xf32>,
        %get3A_342 = arith.index_cast %add3A_293 : i32 to index
        %get3A_343 = arith.constant 64 : index
        %get3A_344 = tpu.vector_load %arg6[%get3A_342, %get3A_343] {strides = array<i32>} : memref<128x128xf32, #tpu.memory_space<vmem>>, vector<1x16xf32>,
        %get3A_345 = vector.shape_cast %get3A_344 : vector<1x16xf32> to vector<16xf32>
        %mul3A_346 = arith.constant 11.3137083 : f32
        %mul3A_347 = vector.broadcast %mul3A_346 : f32 to vector<16xf32>
        %mul3A_348 = arith.mulf %get3A_345, %mul3A_347 : vector<16xf32>
        %swap3A_349 = arith.index_cast %add3A_293 : i32 to index
        %swap3A_350 = arith.constant 64 : index
        %swap3A_351 = tpu.vector_load %arg9[%swap3A_349, %swap3A_350] {strides = array<i32>} : memref<128x128xf32, #tpu.memory_space<vmem>>, vector<1x16xf32>,
        %swap3A_352 = vector.shape_cast %swap3A_351 : vector<1x16xf32> to vector<16xf32>
        %swap3A_353 = vector.shape_cast %mul3A_348 : vector<16xf32> to vector<1x16xf32>
        tpu.vector_store %arg9[%swap3A_349, %swap3A_350], %swap3A_353 {strides = array<i32>} : memref<128x128xf32, #tpu.memory_space<vmem>>, vector<1x16xf32>,
        %get3A_354 = arith.index_cast %add3A_293 : i32 to index
        %get3A_355 = arith.constant 80 : index
        %get3A_356 = tpu.vector_load %arg6[%get3A_354, %get3A_355] {strides = array<i32>} : memref<128x128xf32, #tpu.memory_space<vmem>>, vector<1x16xf32>,
        %get3A_357 = vector.shape_cast %get3A_356 : vector<1x16xf32> to vector<16xf32>
        %mul3A_358 = arith.constant 11.3137083 : f32
        %mul3A_359 = vector.broadcast %mul3A_358 : f32 to vector<16xf32>
        %mul3A_360 = arith.mulf %get3A_357, %mul3A_359 : vector<16xf32>
        %swap3A_361 = arith.index_cast %add3A_293 : i32 to index
        %swap3A_362 = arith.constant 80 : index
        %swap3A_363 = tpu.vector_load %arg9[%swap3A_361, %swap3A_362] {strides = array<i32>} : memref<128x128xf32, #tpu.memory_space<vmem>>, vector<1x16xf32>,
        %swap3A_364 = vector.shape_cast %swap3A_363 : vector<1x16xf32> to vector<16xf32>
        %swap3A_365 = vector.shape_cast %mul3A_360 : vector<16xf32> to vector<1x16xf32>
        tpu.vector_store %arg9[%swap3A_361, %swap3A_362], %swap3A_365 {strides = array<i32>} : memref<128x128xf32, #tpu.memory_space<vmem>>, vector<1x16xf32>,
        %get3A_366 = arith.index_cast %add3A_293 : i32 to index
        %get3A_367 = arith.constant 96 : index
        %get3A_368 = tpu.vector_load %arg6[%get3A_366, %get3A_367] {strides = array<i32>} : memref<128x128xf32, #tpu.memory_space<vmem>>, vector<1x16xf32>,
        %get3A_369 = vector.shape_cast %get3A_368 : vector<1x16xf32> to vector<16xf32>
        %mul3A_370 = arith.constant 11.3137083 : f32
        %mul3A_371 = vector.broadcast %mul3A_370 : f32 to vector<16xf32>
        %mul3A_372 = arith.mulf %get3A_369, %mul3A_371 : vector<16xf32>
        %swap3A_373 = arith.index_cast %add3A_293 : i32 to index
        %swap3A_374 = arith.constant 96 : index
        %swap3A_375 = tpu.vector_load %arg9[%swap3A_373, %swap3A_374] {strides = array<i32>} : memref<128x128xf32, #tpu.memory_space<vmem>>, vector<1x16xf32>,
        %swap3A_376 = vector.shape_cast %swap3A_375 : vector<1x16xf32> to vector<16xf32>
        %swap3A_377 = vector.shape_cast %mul3A_372 : vector<16xf32> to vector<1x16xf32>
        tpu.vector_store %arg9[%swap3A_373, %swap3A_374], %swap3A_377 {strides = array<i32>} : memref<128x128xf32, #tpu.memory_space<vmem>>, vector<1x16xf32>,
        %get3A_378 = arith.index_cast %add3A_293 : i32 to index
        %get3A_379 = arith.constant 112 : index
        %get3A_380 = tpu.vector_load %arg6[%get3A_378, %get3A_379] {strides = array<i32>} : memref<128x128xf32, #tpu.memory_space<vmem>>, vector<1x16xf32>,
        %get3A_381 = vector.shape_cast %get3A_380 : vector<1x16xf32> to vector<16xf32>
        %mul3A_382 = arith.constant 11.3137083 : f32
        %mul3A_383 = vector.broadcast %mul3A_382 : f32 to vector<16xf32>
        %mul3A_384 = arith.mulf %get3A_381, %mul3A_383 : vector<16xf32>
        %swap3A_385 = arith.index_cast %add3A_293 : i32 to index
        %swap3A_386 = arith.constant 112 : index
        %swap3A_387 = tpu.vector_load %arg9[%swap3A_385, %swap3A_386] {strides = array<i32>} : memref<128x128xf32, #tpu.memory_space<vmem>>, vector<1x16xf32>,
        %swap3A_388 = vector.shape_cast %swap3A_387 : vector<1x16xf32> to vector<16xf32>
        %swap3A_389 = vector.shape_cast %mul3A_384 : vector<16xf32> to vector<1x16xf32>
        tpu.vector_store %arg9[%swap3A_385, %swap3A_386], %swap3A_389 {strides = array<i32>} : memref<128x128xf32, #tpu.memory_space<vmem>>, vector<1x16xf32>,
        %mul3A_390 = arith.constant 4 : i32
        %mul3A_391 = arith.muli %scan3A_191, %mul3A_390 : i32
        %add3A_392 = arith.constant 2 : i32
        %add3A_393 = arith.addi %mul3A_391, %add3A_392 : i32
        %get3A_394 = arith.index_cast %add3A_393 : i32 to index
        %get3A_395 = arith.constant 0 : index
        %get3A_396 = tpu.vector_load %arg6[%get3A_394, %get3A_395] {strides = array<i32>} : memref<128x128xf32, #tpu.memory_space<vmem>>, vector<1x16xf32>,
        %get3A_397 = vector.shape_cast %get3A_396 : vector<1x16xf32> to vector<16xf32>
        %mul3A_398 = arith.constant 11.3137083 : f32
        %mul3A_399 = vector.broadcast %mul3A_398 : f32 to vector<16xf32>
        %mul3A_400 = arith.mulf %get3A_397, %mul3A_399 : vector<16xf32>
        %swap3A_401 = arith.index_cast %add3A_393 : i32 to index
        %swap3A_402 = arith.constant 0 : index
        %swap3A_403 = tpu.vector_load %arg9[%swap3A_401, %swap3A_402] {strides = array<i32>} : memref<128x128xf32, #tpu.memory_space<vmem>>, vector<1x16xf32>,
        %swap3A_404 = vector.shape_cast %swap3A_403 : vector<1x16xf32> to vector<16xf32>
        %swap3A_405 = vector.shape_cast %mul3A_400 : vector<16xf32> to vector<1x16xf32>
        tpu.vector_store %arg9[%swap3A_401, %swap3A_402], %swap3A_405 {strides = array<i32>} : memref<128x128xf32, #tpu.memory_space<vmem>>, vector<1x16xf32>,
        %get3A_406 = arith.index_cast %add3A_393 : i32 to index
        %get3A_407 = arith.constant 16 : index
        %get3A_408 = tpu.vector_load %arg6[%get3A_406, %get3A_407] {strides = array<i32>} : memref<128x128xf32, #tpu.memory_space<vmem>>, vector<1x16xf32>,
        %get3A_409 = vector.shape_cast %get3A_408 : vector<1x16xf32> to vector<16xf32>
        %mul3A_410 = arith.constant 11.3137083 : f32
        %mul3A_411 = vector.broadcast %mul3A_410 : f32 to vector<16xf32>
        %mul3A_412 = arith.mulf %get3A_409, %mul3A_411 : vector<16xf32>
        %swap3A_413 = arith.index_cast %add3A_393 : i32 to index
        %swap3A_414 = arith.constant 16 : index
        %swap3A_415 = tpu.vector_load %arg9[%swap3A_413, %swap3A_414] {strides = array<i32>} : memref<128x128xf32, #tpu.memory_space<vmem>>, vector<1x16xf32>,
        %swap3A_416 = vector.shape_cast %swap3A_415 : vector<1x16xf32> to vector<16xf32>
        %swap3A_417 = vector.shape_cast %mul3A_412 : vector<16xf32> to vector<1x16xf32>
        tpu.vector_store %arg9[%swap3A_413, %swap3A_414], %swap3A_417 {strides = array<i32>} : memref<128x128xf32, #tpu.memory_space<vmem>>, vector<1x16xf32>,
        %get3A_418 = arith.index_cast %add3A_393 : i32 to index
        %get3A_419 = arith.constant 32 : index
        %get3A_420 = tpu.vector_load %arg6[%get3A_418, %get3A_419] {strides = array<i32>} : memref<128x128xf32, #tpu.memory_space<vmem>>, vector<1x16xf32>,
        %get3A_421 = vector.shape_cast %get3A_420 : vector<1x16xf32> to vector<16xf32>
        %mul3A_422 = arith.constant 11.3137083 : f32
        %mul3A_423 = vector.broadcast %mul3A_422 : f32 to vector<16xf32>
        %mul3A_424 = arith.mulf %get3A_421, %mul3A_423 : vector<16xf32>
        %swap3A_425 = arith.index_cast %add3A_393 : i32 to index
        %swap3A_426 = arith.constant 32 : index
        %swap3A_427 = tpu.vector_load %arg9[%swap3A_425, %swap3A_426] {strides = array<i32>} : memref<128x128xf32, #tpu.memory_space<vmem>>, vector<1x16xf32>,
        %swap3A_428 = vector.shape_cast %swap3A_427 : vector<1x16xf32> to vector<16xf32>
        %swap3A_429 = vector.shape_cast %mul3A_424 : vector<16xf32> to vector<1x16xf32>
        tpu.vector_store %arg9[%swap3A_425, %swap3A_426], %swap3A_429 {strides = array<i32>} : memref<128x128xf32, #tpu.memory_space<vmem>>, vector<1x16xf32>,
        %get3A_430 = arith.index_cast %add3A_393 : i32 to index
        %get3A_431 = arith.constant 48 : index
        %get3A_432 = tpu.vector_load %arg6[%get3A_430, %get3A_431] {strides = array<i32>} : memref<128x128xf32, #tpu.memory_space<vmem>>, vector<1x16xf32>,
        %get3A_433 = vector.shape_cast %get3A_432 : vector<1x16xf32> to vector<16xf32>
        %mul3A_434 = arith.constant 11.3137083 : f32
        %mul3A_435 = vector.broadcast %mul3A_434 : f32 to vector<16xf32>
        %mul3A_436 = arith.mulf %get3A_433, %mul3A_435 : vector<16xf32>
        %swap3A_437 = arith.index_cast %add3A_393 : i32 to index
        %swap3A_438 = arith.constant 48 : index
        %swap3A_439 = tpu.vector_load %arg9[%swap3A_437, %swap3A_438] {strides = array<i32>} : memref<128x128xf32, #tpu.memory_space<vmem>>, vector<1x16xf32>,
        %swap3A_440 = vector.shape_cast %swap3A_439 : vector<1x16xf32> to vector<16xf32>
        %swap3A_441 = vector.shape_cast %mul3A_436 : vector<16xf32> to vector<1x16xf32>
        tpu.vector_store %arg9[%swap3A_437, %swap3A_438], %swap3A_441 {strides = array<i32>} : memref<128x128xf32, #tpu.memory_space<vmem>>, vector<1x16xf32>,
        %get3A_442 = arith.index_cast %add3A_393 : i32 to index
        %get3A_443 = arith.constant 64 : index
        %get3A_444 = tpu.vector_load %arg6[%get3A_442, %get3A_443] {strides = array<i32>} : memref<128x128xf32, #tpu.memory_space<vmem>>, vector<1x16xf32>,
        %get3A_445 = vector.shape_cast %get3A_444 : vector<1x16xf32> to vector<16xf32>
        %mul3A_446 = arith.constant 11.3137083 : f32
        %mul3A_447 = vector.broadcast %mul3A_446 : f32 to vector<16xf32>
        %mul3A_448 = arith.mulf %get3A_445, %mul3A_447 : vector<16xf32>
        %swap3A_449 = arith.index_cast %add3A_393 : i32 to index
        %swap3A_450 = arith.constant 64 : index
        %swap3A_451 = tpu.vector_load %arg9[%swap3A_449, %swap3A_450] {strides = array<i32>} : memref<128x128xf32, #tpu.memory_space<vmem>>, vector<1x16xf32>,
        %swap3A_452 = vector.shape_cast %swap3A_451 : vector<1x16xf32> to vector<16xf32>
        %swap3A_453 = vector.shape_cast %mul3A_448 : vector<16xf32> to vector<1x16xf32>
        tpu.vector_store %arg9[%swap3A_449, %swap3A_450], %swap3A_453 {strides = array<i32>} : memref<128x128xf32, #tpu.memory_space<vmem>>, vector<1x16xf32>,
        %get3A_454 = arith.index_cast %add3A_393 : i32 to index
        %get3A_455 = arith.constant 80 : index
        %get3A_456 = tpu.vector_load %arg6[%get3A_454, %get3A_455] {strides = array<i32>} : memref<128x128xf32, #tpu.memory_space<vmem>>, vector<1x16xf32>,
        %get3A_457 = vector.shape_cast %get3A_456 : vector<1x16xf32> to vector<16xf32>
        %mul3A_458 = arith.constant 11.3137083 : f32
        %mul3A_459 = vector.broadcast %mul3A_458 : f32 to vector<16xf32>
        %mul3A_460 = arith.mulf %get3A_457, %mul3A_459 : vector<16xf32>
        %swap3A_461 = arith.index_cast %add3A_393 : i32 to index
        %swap3A_462 = arith.constant 80 : index
        %swap3A_463 = tpu.vector_load %arg9[%swap3A_461, %swap3A_462] {strides = array<i32>} : memref<128x128xf32, #tpu.memory_space<vmem>>, vector<1x16xf32>,
        %swap3A_464 = vector.shape_cast %swap3A_463 : vector<1x16xf32> to vector<16xf32>
        %swap3A_465 = vector.shape_cast %mul3A_460 : vector<16xf32> to vector<1x16xf32>
        tpu.vector_store %arg9[%swap3A_461, %swap3A_462], %swap3A_465 {strides = array<i32>} : memref<128x128xf32, #tpu.memory_space<vmem>>, vector<1x16xf32>,
        %get3A_466 = arith.index_cast %add3A_393 : i32 to index
        %get3A_467 = arith.constant 96 : index
        %get3A_468 = tpu.vector_load %arg6[%get3A_466, %get3A_467] {strides = array<i32>} : memref<128x128xf32, #tpu.memory_space<vmem>>, vector<1x16xf32>,
        %get3A_469 = vector.shape_cast %get3A_468 : vector<1x16xf32> to vector<16xf32>
        %mul3A_470 = arith.constant 11.3137083 : f32
        %mul3A_471 = vector.broadcast %mul3A_470 : f32 to vector<16xf32>
        %mul3A_472 = arith.mulf %get3A_469, %mul3A_471 : vector<16xf32>
        %swap3A_473 = arith.index_cast %add3A_393 : i32 to index
        %swap3A_474 = arith.constant 96 : index
        %swap3A_475 = tpu.vector_load %arg9[%swap3A_473, %swap3A_474] {strides = array<i32>} : memref<128x128xf32, #tpu.memory_space<vmem>>, vector<1x16xf32>,
        %swap3A_476 = vector.shape_cast %swap3A_475 : vector<1x16xf32> to vector<16xf32>
        %swap3A_477 = vector.shape_cast %mul3A_472 : vector<16xf32> to vector<1x16xf32>
        tpu.vector_store %arg9[%swap3A_473, %swap3A_474], %swap3A_477 {strides = array<i32>} : memref<128x128xf32, #tpu.memory_space<vmem>>, vector<1x16xf32>,
        %get3A_478 = arith.index_cast %add3A_393 : i32 to index
        %get3A_479 = arith.constant 112 : index
        %get3A_480 = tpu.vector_load %arg6[%get3A_478, %get3A_479] {strides = array<i32>} : memref<128x128xf32, #tpu.memory_space<vmem>>, vector<1x16xf32>,
        %get3A_481 = vector.shape_cast %get3A_480 : vector<1x16xf32> to vector<16xf32>
        %mul3A_482 = arith.constant 11.3137083 : f32
        %mul3A_483 = vector.broadcast %mul3A_482 : f32 to vector<16xf32>
        %mul3A_484 = arith.mulf %get3A_481, %mul3A_483 : vector<16xf32>
        %swap3A_485 = arith.index_cast %add3A_393 : i32 to index
        %swap3A_486 = arith.constant 112 : index
        %swap3A_487 = tpu.vector_load %arg9[%swap3A_485, %swap3A_486] {strides = array<i32>} : memref<128x128xf32, #tpu.memory_space<vmem>>, vector<1x16xf32>,
        %swap3A_488 = vector.shape_cast %swap3A_487 : vector<1x16xf32> to vector<16xf32>
        %swap3A_489 = vector.shape_cast %mul3A_484 : vector<16xf32> to vector<1x16xf32>
        tpu.vector_store %arg9[%swap3A_485, %swap3A_486], %swap3A_489 {strides = array<i32>} : memref<128x128xf32, #tpu.memory_space<vmem>>, vector<1x16xf32>,
        %mul3A_490 = arith.constant 4 : i32
        %mul3A_491 = arith.muli %scan3A_191, %mul3A_490 : i32
        %add3A_492 = arith.constant 3 : i32
        %add3A_493 = arith.addi %mul3A_491, %add3A_492 : i32
        %get3A_494 = arith.index_cast %add3A_493 : i32 to index
        %get3A_495 = arith.constant 0 : index
        %get3A_496 = tpu.vector_load %arg6[%get3A_494, %get3A_495] {strides = array<i32>} : memref<128x128xf32, #tpu.memory_space<vmem>>, vector<1x16xf32>,
        %get3A_497 = vector.shape_cast %get3A_496 : vector<1x16xf32> to vector<16xf32>
        %mul3A_498 = arith.constant 11.3137083 : f32
        %mul3A_499 = vector.broadcast %mul3A_498 : f32 to vector<16xf32>
        %mul3A_500 = arith.mulf %get3A_497, %mul3A_499 : vector<16xf32>
        %swap3A_501 = arith.index_cast %add3A_493 : i32 to index
        %swap3A_502 = arith.constant 0 : index
        %swap3A_503 = tpu.vector_load %arg9[%swap3A_501, %swap3A_502] {strides = array<i32>} : memref<128x128xf32, #tpu.memory_space<vmem>>, vector<1x16xf32>,
        %swap3A_504 = vector.shape_cast %swap3A_503 : vector<1x16xf32> to vector<16xf32>
        %swap3A_505 = vector.shape_cast %mul3A_500 : vector<16xf32> to vector<1x16xf32>
        tpu.vector_store %arg9[%swap3A_501, %swap3A_502], %swap3A_505 {strides = array<i32>} : memref<128x128xf32, #tpu.memory_space<vmem>>, vector<1x16xf32>,
        %get3A_506 = arith.index_cast %add3A_493 : i32 to index
        %get3A_507 = arith.constant 16 : index
        %get3A_508 = tpu.vector_load %arg6[%get3A_506, %get3A_507] {strides = array<i32>} : memref<128x128xf32, #tpu.memory_space<vmem>>, vector<1x16xf32>,
        %get3A_509 = vector.shape_cast %get3A_508 : vector<1x16xf32> to vector<16xf32>
        %mul3A_510 = arith.constant 11.3137083 : f32
        %mul3A_511 = vector.broadcast %mul3A_510 : f32 to vector<16xf32>
        %mul3A_512 = arith.mulf %get3A_509, %mul3A_511 : vector<16xf32>
        %swap3A_513 = arith.index_cast %add3A_493 : i32 to index
        %swap3A_514 = arith.constant 16 : index
        %swap3A_515 = tpu.vector_load %arg9[%swap3A_513, %swap3A_514] {strides = array<i32>} : memref<128x128xf32, #tpu.memory_space<vmem>>, vector<1x16xf32>,
        %swap3A_516 = vector.shape_cast %swap3A_515 : vector<1x16xf32> to vector<16xf32>
        %swap3A_517 = vector.shape_cast %mul3A_512 : vector<16xf32> to vector<1x16xf32>
        tpu.vector_store %arg9[%swap3A_513, %swap3A_514], %swap3A_517 {strides = array<i32>} : memref<128x128xf32, #tpu.memory_space<vmem>>, vector<1x16xf32>,
        %get3A_518 = arith.index_cast %add3A_493 : i32 to index
        %get3A_519 = arith.constant 32 : index
        %get3A_520 = tpu.vector_load %arg6[%get3A_518, %get3A_519] {strides = array<i32>} : memref<128x128xf32, #tpu.memory_space<vmem>>, vector<1x16xf32>,
        %get3A_521 = vector.shape_cast %get3A_520 : vector<1x16xf32> to vector<16xf32>
        %mul3A_522 = arith.constant 11.3137083 : f32
        %mul3A_523 = vector.broadcast %mul3A_522 : f32 to vector<16xf32>
        %mul3A_524 = arith.mulf %get3A_521, %mul3A_523 : vector<16xf32>
        %swap3A_525 = arith.index_cast %add3A_493 : i32 to index
        %swap3A_526 = arith.constant 32 : index
        %swap3A_527 = tpu.vector_load %arg9[%swap3A_525, %swap3A_526] {strides = array<i32>} : memref<128x128xf32, #tpu.memory_space<vmem>>, vector<1x16xf32>,
        %swap3A_528 = vector.shape_cast %swap3A_527 : vector<1x16xf32> to vector<16xf32>
        %swap3A_529 = vector.shape_cast %mul3A_524 : vector<16xf32> to vector<1x16xf32>
        tpu.vector_store %arg9[%swap3A_525, %swap3A_526], %swap3A_529 {strides = array<i32>} : memref<128x128xf32, #tpu.memory_space<vmem>>, vector<1x16xf32>,
        %get3A_530 = arith.index_cast %add3A_493 : i32 to index
        %get3A_531 = arith.constant 48 : index
        %get3A_532 = tpu.vector_load %arg6[%get3A_530, %get3A_531] {strides = array<i32>} : memref<128x128xf32, #tpu.memory_space<vmem>>, vector<1x16xf32>,
        %get3A_533 = vector.shape_cast %get3A_532 : vector<1x16xf32> to vector<16xf32>
        %mul3A_534 = arith.constant 11.3137083 : f32
        %mul3A_535 = vector.broadcast %mul3A_534 : f32 to vector<16xf32>
        %mul3A_536 = arith.mulf %get3A_533, %mul3A_535 : vector<16xf32>
        %swap3A_537 = arith.index_cast %add3A_493 : i32 to index
        %swap3A_538 = arith.constant 48 : index
        %swap3A_539 = tpu.vector_load %arg9[%swap3A_537, %swap3A_538] {strides = array<i32>} : memref<128x128xf32, #tpu.memory_space<vmem>>, vector<1x16xf32>,
        %swap3A_540 = vector.shape_cast %swap3A_539 : vector<1x16xf32> to vector<16xf32>
        %swap3A_541 = vector.shape_cast %mul3A_536 : vector<16xf32> to vector<1x16xf32>
        tpu.vector_store %arg9[%swap3A_537, %swap3A_538], %swap3A_541 {strides = array<i32>} : memref<128x128xf32, #tpu.memory_space<vmem>>, vector<1x16xf32>,
        %get3A_542 = arith.index_cast %add3A_493 : i32 to index
        %get3A_543 = arith.constant 64 : index
        %get3A_544 = tpu.vector_load %arg6[%get3A_542, %get3A_543] {strides = array<i32>} : memref<128x128xf32, #tpu.memory_space<vmem>>, vector<1x16xf32>,
        %get3A_545 = vector.shape_cast %get3A_544 : vector<1x16xf32> to vector<16xf32>
        %mul3A_546 = arith.constant 11.3137083 : f32
        %mul3A_547 = vector.broadcast %mul3A_546 : f32 to vector<16xf32>
        %mul3A_548 = arith.mulf %get3A_545, %mul3A_547 : vector<16xf32>
        %swap3A_549 = arith.index_cast %add3A_493 : i32 to index
        %swap3A_550 = arith.constant 64 : index
        %swap3A_551 = tpu.vector_load %arg9[%swap3A_549, %swap3A_550] {strides = array<i32>} : memref<128x128xf32, #tpu.memory_space<vmem>>, vector<1x16xf32>,
        %swap3A_552 = vector.shape_cast %swap3A_551 : vector<1x16xf32> to vector<16xf32>
        %swap3A_553 = vector.shape_cast %mul3A_548 : vector<16xf32> to vector<1x16xf32>
        tpu.vector_store %arg9[%swap3A_549, %swap3A_550], %swap3A_553 {strides = array<i32>} : memref<128x128xf32, #tpu.memory_space<vmem>>, vector<1x16xf32>,
        %get3A_554 = arith.index_cast %add3A_493 : i32 to index
        %get3A_555 = arith.constant 80 : index
        %get3A_556 = tpu.vector_load %arg6[%get3A_554, %get3A_555] {strides = array<i32>} : memref<128x128xf32, #tpu.memory_space<vmem>>, vector<1x16xf32>,
        %get3A_557 = vector.shape_cast %get3A_556 : vector<1x16xf32> to vector<16xf32>
        %mul3A_558 = arith.constant 11.3137083 : f32
        %mul3A_559 = vector.broadcast %mul3A_558 : f32 to vector<16xf32>
        %mul3A_560 = arith.mulf %get3A_557, %mul3A_559 : vector<16xf32>
        %swap3A_561 = arith.index_cast %add3A_493 : i32 to index
        %swap3A_562 = arith.constant 80 : index
        %swap3A_563 = tpu.vector_load %arg9[%swap3A_561, %swap3A_562] {strides = array<i32>} : memref<128x128xf32, #tpu.memory_space<vmem>>, vector<1x16xf32>,
        %swap3A_564 = vector.shape_cast %swap3A_563 : vector<1x16xf32> to vector<16xf32>
        %swap3A_565 = vector.shape_cast %mul3A_560 : vector<16xf32> to vector<1x16xf32>
        tpu.vector_store %arg9[%swap3A_561, %swap3A_562], %swap3A_565 {strides = array<i32>} : memref<128x128xf32, #tpu.memory_space<vmem>>, vector<1x16xf32>,
        %get3A_566 = arith.index_cast %add3A_493 : i32 to index
        %get3A_567 = arith.constant 96 : index
        %get3A_568 = tpu.vector_load %arg6[%get3A_566, %get3A_567] {strides = array<i32>} : memref<128x128xf32, #tpu.memory_space<vmem>>, vector<1x16xf32>,
        %get3A_569 = vector.shape_cast %get3A_568 : vector<1x16xf32> to vector<16xf32>
        %mul3A_570 = arith.constant 11.3137083 : f32
        %mul3A_571 = vector.broadcast %mul3A_570 : f32 to vector<16xf32>
        %mul3A_572 = arith.mulf %get3A_569, %mul3A_571 : vector<16xf32>
        %swap3A_573 = arith.index_cast %add3A_493 : i32 to index
        %swap3A_574 = arith.constant 96 : index
        %swap3A_575 = tpu.vector_load %arg9[%swap3A_573, %swap3A_574] {strides = array<i32>} : memref<128x128xf32, #tpu.memory_space<vmem>>, vector<1x16xf32>,
        %swap3A_576 = vector.shape_cast %swap3A_575 : vector<1x16xf32> to vector<16xf32>
        %swap3A_577 = vector.shape_cast %mul3A_572 : vector<16xf32> to vector<1x16xf32>
        tpu.vector_store %arg9[%swap3A_573, %swap3A_574], %swap3A_577 {strides = array<i32>} : memref<128x128xf32, #tpu.memory_space<vmem>>, vector<1x16xf32>,
        %get3A_578 = arith.index_cast %add3A_493 : i32 to index
        %get3A_579 = arith.constant 112 : index
        %get3A_580 = tpu.vector_load %arg6[%get3A_578, %get3A_579] {strides = array<i32>} : memref<128x128xf32, #tpu.memory_space<vmem>>, vector<1x16xf32>,
        %get3A_581 = vector.shape_cast %get3A_580 : vector<1x16xf32> to vector<16xf32>
        %mul3A_582 = arith.constant 11.3137083 : f32
        %mul3A_583 = vector.broadcast %mul3A_582 : f32 to vector<16xf32>
        %mul3A_584 = arith.mulf %get3A_581, %mul3A_583 : vector<16xf32>
        %swap3A_585 = arith.index_cast %add3A_493 : i32 to index
        %swap3A_586 = arith.constant 112 : index
        %swap3A_587 = tpu.vector_load %arg9[%swap3A_585, %swap3A_586] {strides = array<i32>} : memref<128x128xf32, #tpu.memory_space<vmem>>, vector<1x16xf32>,
        %swap3A_588 = vector.shape_cast %swap3A_587 : vector<1x16xf32> to vector<16xf32>
        %swap3A_589 = vector.shape_cast %mul3A_584 : vector<16xf32> to vector<1x16xf32>
        tpu.vector_store %arg9[%swap3A_585, %swap3A_586], %swap3A_589 {strides = array<i32>} : memref<128x128xf32, #tpu.memory_space<vmem>>, vector<1x16xf32>,
      }
      %scan3A_107 = arith.constant 32 : i32
      %add3A_108 = arith.constant 3 : i32
      %add3A_109 = arith.addi %add3A_93, %add3A_108 : i32
      %lt3A = arith.constant 50 : i32
      %lt3A_110 = arith.cmpi slt, %add3A_109, %lt3A : i32
      %convert_element_type3A_111 = arith.extui %lt3A_110 : i1 to i32
      %cond3A_112 = arith.constant 0 : i32
      %cond3A_113 = arith.cmpi ne, %convert_element_type3A_111, %cond3A_112 : i32
      scf.if %cond3A_113 {
        %add3A_191 = arith.constant 3 : i32
        %add3A_192 = arith.addi %add3A_93, %add3A_191 : i32
        %mul3A_193 = arith.constant 128 : i32
        %mul3A_194 = arith.muli %add3A_192, %mul3A_193 : i32
        %dma_start3A_195 = tpu.memref_slice %arg5[%mul3A_194] : memref<6400xi32, #tpu.memory_space<vmem>> -> memref<128xi32, #tpu.memory_space<vmem>>
        %dma_start3A_196 = arith.constant 0 : i32
        %dma_start3A_197 = arith.constant 0 : i32
        %dma_start3A_198 = tpu.memref_slice %arg3[%dma_start3A_196, %dma_start3A_197] : memref<100000x128xf32, #tpu.memory_space<hbm>> -> memref<100000x128xf32, #tpu.memory_space<hbm>>
        tpu.enqueue_indirect_dma source(%dma_start3A_198 : memref<100000x128xf32, #tpu.memory_space<hbm>>) target(%arg6 : memref<128x128xf32, #tpu.memory_space<vmem>>) offsets(%dma_start3A_195 : memref<128xi32, #tpu.memory_space<vmem>>) semaphore(%arg12 : memref<!tpu.dma_semaphore, #tpu.memory_space<semaphore_mem>>)
      } else {
      }
      %mul3A_114 = arith.constant 4096 : i32
      %mul3A_115 = arith.muli %add3A_93, %mul3A_114 : i32
      %add3A_116 = arith.addi %mul3A_115, %mul3A_2 : i32
      %dma_start3A_117 = arith.constant 0 : i32
      %dma_start3A_118 = tpu.memref_slice %arg4[%add3A_116, %dma_start3A_117] : memref<204800x128xf32, #tpu.memory_space<hbm>> -> memref<128x128xf32, #tpu.memory_space<hbm>>
      %dma_start3A_119 = arith.constant 0 : i32
      %dma_start3A_120 = tpu.memref_slice %arg4[%add3A_116, %dma_start3A_119] : memref<204800x128xf32, #tpu.memory_space<hbm>> -> memref<128x128xf32, #tpu.memory_space<hbm>>
      tpu.enqueue_dma source(%arg9 : memref<128x128xf32, #tpu.memory_space<vmem>>) target(%dma_start3A_120 : memref<128x128xf32, #tpu.memory_space<hbm>>) target_semaphore(%arg15 : memref<!tpu.dma_semaphore, #tpu.memory_space<semaphore_mem>>)
      %mul3A_121 = arith.constant 3 : i32
      %mul3A_122 = arith.muli %scan3A_89, %mul3A_121 : i32
      %add3A_123 = arith.constant 1 : i32
      %add3A_124 = arith.addi %mul3A_122, %add3A_123 : i32
      %mul3A_125 = arith.constant 128 : i32
      %mul3A_126 = arith.muli %add3A_124, %mul3A_125 : i32
      %dma_wait3A_127 = tpu.memref_slice %arg5[%mul3A_126] : memref<6400xi32, #tpu.memory_space<vmem>> -> memref<128xi32, #tpu.memory_space<vmem>>
      %dma_wait3A_128 = arith.constant 0 : i32
      %dma_wait3A_129 = arith.constant 0 : i32
      %dma_wait3A_130 = tpu.memref_slice %arg3[%dma_wait3A_128, %dma_wait3A_129] : memref<100000x128xf32, #tpu.memory_space<hbm>> -> memref<100000x128xf32, #tpu.memory_space<hbm>>
      tpu.wait_indirect_dma semaphore(%arg13 : memref<!tpu.dma_semaphore, #tpu.memory_space<semaphore_mem>>) src(%dma_wait3A_130 : memref<100000x128xf32, #tpu.memory_space<hbm>>) dst(%arg7 : memref<128x128xf32, #tpu.memory_space<vmem>>)
      %ge3A_131 = arith.constant 3 : i32
      %ge3A_132 = arith.cmpi sge, %add3A_124, %ge3A_131 : i32
      %convert_element_type3A_133 = arith.extui %ge3A_132 : i1 to i32
      %cond3A_134 = arith.constant 0 : i32
      %cond3A_135 = arith.cmpi ne, %convert_element_type3A_133, %cond3A_134 : i32
      scf.if %cond3A_135 {
        %sub3A = arith.constant 3 : i32
        %sub3A_191 = arith.subi %add3A_124, %sub3A : i32
        %mul3A_192 = arith.constant 4096 : i32
        %mul3A_193 = arith.muli %sub3A_191, %mul3A_192 : i32
        %add3A_194 = arith.addi %mul3A_193, %mul3A_2 : i32
        %dma_wait3A_195 = arith.constant 0 : i32
        %dma_wait3A_196 = tpu.memref_slice %arg4[%add3A_194, %dma_wait3A_195] : memref<204800x128xf32, #tpu.memory_space<hbm>> -> memref<128x128xf32, #tpu.memory_space<hbm>>
        %dma_wait3A_197 = arith.constant 0 : i32
        %dma_wait3A_198 = tpu.memref_slice %arg4[%add3A_194, %dma_wait3A_197] : memref<204800x128xf32, #tpu.memory_space<hbm>> -> memref<128x128xf32, #tpu.memory_space<hbm>>
        tpu.wait_dma2 semaphore(%arg16 : memref<!tpu.dma_semaphore, #tpu.memory_space<semaphore_mem>>) src(%arg10 : memref<128x128xf32, #tpu.memory_space<vmem>>) dst(%dma_wait3A_198 : memref<128x128xf32, #tpu.memory_space<hbm>>)
      } else {
      }
      %scan3A_136 = arith.constant 0 : i32
      %scan3A_137 = arith.constant 0 : i32
      %scan3A_138 = arith.constant 32 : i32
      %scan3A_139 = arith.addi %scan3A_137, %scan3A_138 : i32
      %scan3A_140 = arith.constant 1 : i32
      scf.for %scan3A_191 = %scan3A_137 to %scan3A_139 step %scan3A_140  : i32 {
        %mul3A_192 = arith.constant 4 : i32
        %mul3A_193 = arith.muli %scan3A_191, %mul3A_192 : i32
        %add3A_194 = arith.constant 0 : i32
        %add3A_195 = arith.addi %mul3A_193, %add3A_194 : i32
        %get3A = arith.index_cast %add3A_195 : i32 to index
        %get3A_196 = arith.constant 0 : index
        %get3A_197 = tpu.vector_load %arg7[%get3A, %get3A_196] {strides = array<i32>} : memref<128x128xf32, #tpu.memory_space<vmem>>, vector<1x16xf32>,
        %get3A_198 = vector.shape_cast %get3A_197 : vector<1x16xf32> to vector<16xf32>
        %mul3A_199 = arith.constant 11.3137083 : f32
        %mul3A_200 = vector.broadcast %mul3A_199 : f32 to vector<16xf32>
        %mul3A_201 = arith.mulf %get3A_198, %mul3A_200 : vector<16xf32>
        %swap3A = arith.index_cast %add3A_195 : i32 to index
        %swap3A_202 = arith.constant 0 : index
        %swap3A_203 = tpu.vector_load %arg10[%swap3A, %swap3A_202] {strides = array<i32>} : memref<128x128xf32, #tpu.memory_space<vmem>>, vector<1x16xf32>,
        %swap3A_204 = vector.shape_cast %swap3A_203 : vector<1x16xf32> to vector<16xf32>
        %swap3A_205 = vector.shape_cast %mul3A_201 : vector<16xf32> to vector<1x16xf32>
        tpu.vector_store %arg10[%swap3A, %swap3A_202], %swap3A_205 {strides = array<i32>} : memref<128x128xf32, #tpu.memory_space<vmem>>, vector<1x16xf32>,
        %get3A_206 = arith.index_cast %add3A_195 : i32 to index
        %get3A_207 = arith.constant 16 : index
        %get3A_208 = tpu.vector_load %arg7[%get3A_206, %get3A_207] {strides = array<i32>} : memref<128x128xf32, #tpu.memory_space<vmem>>, vector<1x16xf32>,
        %get3A_209 = vector.shape_cast %get3A_208 : vector<1x16xf32> to vector<16xf32>
        %mul3A_210 = arith.constant 11.3137083 : f32
        %mul3A_211 = vector.broadcast %mul3A_210 : f32 to vector<16xf32>
        %mul3A_212 = arith.mulf %get3A_209, %mul3A_211 : vector<16xf32>
        %swap3A_213 = arith.index_cast %add3A_195 : i32 to index
        %swap3A_214 = arith.constant 16 : index
        %swap3A_215 = tpu.vector_load %arg10[%swap3A_213, %swap3A_214] {strides = array<i32>} : memref<128x128xf32, #tpu.memory_space<vmem>>, vector<1x16xf32>,
        %swap3A_216 = vector.shape_cast %swap3A_215 : vector<1x16xf32> to vector<16xf32>
        %swap3A_217 = vector.shape_cast %mul3A_212 : vector<16xf32> to vector<1x16xf32>
        tpu.vector_store %arg10[%swap3A_213, %swap3A_214], %swap3A_217 {strides = array<i32>} : memref<128x128xf32, #tpu.memory_space<vmem>>, vector<1x16xf32>,
        %get3A_218 = arith.index_cast %add3A_195 : i32 to index
        %get3A_219 = arith.constant 32 : index
        %get3A_220 = tpu.vector_load %arg7[%get3A_218, %get3A_219] {strides = array<i32>} : memref<128x128xf32, #tpu.memory_space<vmem>>, vector<1x16xf32>,
        %get3A_221 = vector.shape_cast %get3A_220 : vector<1x16xf32> to vector<16xf32>
        %mul3A_222 = arith.constant 11.3137083 : f32
        %mul3A_223 = vector.broadcast %mul3A_222 : f32 to vector<16xf32>
        %mul3A_224 = arith.mulf %get3A_221, %mul3A_223 : vector<16xf32>
        %swap3A_225 = arith.index_cast %add3A_195 : i32 to index
        %swap3A_226 = arith.constant 32 : index
        %swap3A_227 = tpu.vector_load %arg10[%swap3A_225, %swap3A_226] {strides = array<i32>} : memref<128x128xf32, #tpu.memory_space<vmem>>, vector<1x16xf32>,
        %swap3A_228 = vector.shape_cast %swap3A_227 : vector<1x16xf32> to vector<16xf32>
        %swap3A_229 = vector.shape_cast %mul3A_224 : vector<16xf32> to vector<1x16xf32>
        tpu.vector_store %arg10[%swap3A_225, %swap3A_226], %swap3A_229 {strides = array<i32>} : memref<128x128xf32, #tpu.memory_space<vmem>>, vector<1x16xf32>,
        %get3A_230 = arith.index_cast %add3A_195 : i32 to index
        %get3A_231 = arith.constant 48 : index
        %get3A_232 = tpu.vector_load %arg7[%get3A_230, %get3A_231] {strides = array<i32>} : memref<128x128xf32, #tpu.memory_space<vmem>>, vector<1x16xf32>,
        %get3A_233 = vector.shape_cast %get3A_232 : vector<1x16xf32> to vector<16xf32>
        %mul3A_234 = arith.constant 11.3137083 : f32
        %mul3A_235 = vector.broadcast %mul3A_234 : f32 to vector<16xf32>
        %mul3A_236 = arith.mulf %get3A_233, %mul3A_235 : vector<16xf32>
        %swap3A_237 = arith.index_cast %add3A_195 : i32 to index
        %swap3A_238 = arith.constant 48 : index
        %swap3A_239 = tpu.vector_load %arg10[%swap3A_237, %swap3A_238] {strides = array<i32>} : memref<128x128xf32, #tpu.memory_space<vmem>>, vector<1x16xf32>,
        %swap3A_240 = vector.shape_cast %swap3A_239 : vector<1x16xf32> to vector<16xf32>
        %swap3A_241 = vector.shape_cast %mul3A_236 : vector<16xf32> to vector<1x16xf32>
        tpu.vector_store %arg10[%swap3A_237, %swap3A_238], %swap3A_241 {strides = array<i32>} : memref<128x128xf32, #tpu.memory_space<vmem>>, vector<1x16xf32>,
        %get3A_242 = arith.index_cast %add3A_195 : i32 to index
        %get3A_243 = arith.constant 64 : index
        %get3A_244 = tpu.vector_load %arg7[%get3A_242, %get3A_243] {strides = array<i32>} : memref<128x128xf32, #tpu.memory_space<vmem>>, vector<1x16xf32>,
        %get3A_245 = vector.shape_cast %get3A_244 : vector<1x16xf32> to vector<16xf32>
        %mul3A_246 = arith.constant 11.3137083 : f32
        %mul3A_247 = vector.broadcast %mul3A_246 : f32 to vector<16xf32>
        %mul3A_248 = arith.mulf %get3A_245, %mul3A_247 : vector<16xf32>
        %swap3A_249 = arith.index_cast %add3A_195 : i32 to index
        %swap3A_250 = arith.constant 64 : index
        %swap3A_251 = tpu.vector_load %arg10[%swap3A_249, %swap3A_250] {strides = array<i32>} : memref<128x128xf32, #tpu.memory_space<vmem>>, vector<1x16xf32>,
        %swap3A_252 = vector.shape_cast %swap3A_251 : vector<1x16xf32> to vector<16xf32>
        %swap3A_253 = vector.shape_cast %mul3A_248 : vector<16xf32> to vector<1x16xf32>
        tpu.vector_store %arg10[%swap3A_249, %swap3A_250], %swap3A_253 {strides = array<i32>} : memref<128x128xf32, #tpu.memory_space<vmem>>, vector<1x16xf32>,
        %get3A_254 = arith.index_cast %add3A_195 : i32 to index
        %get3A_255 = arith.constant 80 : index
        %get3A_256 = tpu.vector_load %arg7[%get3A_254, %get3A_255] {strides = array<i32>} : memref<128x128xf32, #tpu.memory_space<vmem>>, vector<1x16xf32>,
        %get3A_257 = vector.shape_cast %get3A_256 : vector<1x16xf32> to vector<16xf32>
        %mul3A_258 = arith.constant 11.3137083 : f32
        %mul3A_259 = vector.broadcast %mul3A_258 : f32 to vector<16xf32>
        %mul3A_260 = arith.mulf %get3A_257, %mul3A_259 : vector<16xf32>
        %swap3A_261 = arith.index_cast %add3A_195 : i32 to index
        %swap3A_262 = arith.constant 80 : index
        %swap3A_263 = tpu.vector_load %arg10[%swap3A_261, %swap3A_262] {strides = array<i32>} : memref<128x128xf32, #tpu.memory_space<vmem>>, vector<1x16xf32>,
        %swap3A_264 = vector.shape_cast %swap3A_263 : vector<1x16xf32> to vector<16xf32>
        %swap3A_265 = vector.shape_cast %mul3A_260 : vector<16xf32> to vector<1x16xf32>
        tpu.vector_store %arg10[%swap3A_261, %swap3A_262], %swap3A_265 {strides = array<i32>} : memref<128x128xf32, #tpu.memory_space<vmem>>, vector<1x16xf32>,
        %get3A_266 = arith.index_cast %add3A_195 : i32 to index
        %get3A_267 = arith.constant 96 : index
        %get3A_268 = tpu.vector_load %arg7[%get3A_266, %get3A_267] {strides = array<i32>} : memref<128x128xf32, #tpu.memory_space<vmem>>, vector<1x16xf32>,
        %get3A_269 = vector.shape_cast %get3A_268 : vector<1x16xf32> to vector<16xf32>
        %mul3A_270 = arith.constant 11.3137083 : f32
        %mul3A_271 = vector.broadcast %mul3A_270 : f32 to vector<16xf32>
        %mul3A_272 = arith.mulf %get3A_269, %mul3A_271 : vector<16xf32>
        %swap3A_273 = arith.index_cast %add3A_195 : i32 to index
        %swap3A_274 = arith.constant 96 : index
        %swap3A_275 = tpu.vector_load %arg10[%swap3A_273, %swap3A_274] {strides = array<i32>} : memref<128x128xf32, #tpu.memory_space<vmem>>, vector<1x16xf32>,
        %swap3A_276 = vector.shape_cast %swap3A_275 : vector<1x16xf32> to vector<16xf32>
        %swap3A_277 = vector.shape_cast %mul3A_272 : vector<16xf32> to vector<1x16xf32>
        tpu.vector_store %arg10[%swap3A_273, %swap3A_274], %swap3A_277 {strides = array<i32>} : memref<128x128xf32, #tpu.memory_space<vmem>>, vector<1x16xf32>,
        %get3A_278 = arith.index_cast %add3A_195 : i32 to index
        %get3A_279 = arith.constant 112 : index
        %get3A_280 = tpu.vector_load %arg7[%get3A_278, %get3A_279] {strides = array<i32>} : memref<128x128xf32, #tpu.memory_space<vmem>>, vector<1x16xf32>,
        %get3A_281 = vector.shape_cast %get3A_280 : vector<1x16xf32> to vector<16xf32>
        %mul3A_282 = arith.constant 11.3137083 : f32
        %mul3A_283 = vector.broadcast %mul3A_282 : f32 to vector<16xf32>
        %mul3A_284 = arith.mulf %get3A_281, %mul3A_283 : vector<16xf32>
        %swap3A_285 = arith.index_cast %add3A_195 : i32 to index
        %swap3A_286 = arith.constant 112 : index
        %swap3A_287 = tpu.vector_load %arg10[%swap3A_285, %swap3A_286] {strides = array<i32>} : memref<128x128xf32, #tpu.memory_space<vmem>>, vector<1x16xf32>,
        %swap3A_288 = vector.shape_cast %swap3A_287 : vector<1x16xf32> to vector<16xf32>
        %swap3A_289 = vector.shape_cast %mul3A_284 : vector<16xf32> to vector<1x16xf32>
        tpu.vector_store %arg10[%swap3A_285, %swap3A_286], %swap3A_289 {strides = array<i32>} : memref<128x128xf32, #tpu.memory_space<vmem>>, vector<1x16xf32>,
        %mul3A_290 = arith.constant 4 : i32
        %mul3A_291 = arith.muli %scan3A_191, %mul3A_290 : i32
        %add3A_292 = arith.constant 1 : i32
        %add3A_293 = arith.addi %mul3A_291, %add3A_292 : i32
        %get3A_294 = arith.index_cast %add3A_293 : i32 to index
        %get3A_295 = arith.constant 0 : index
        %get3A_296 = tpu.vector_load %arg7[%get3A_294, %get3A_295] {strides = array<i32>} : memref<128x128xf32, #tpu.memory_space<vmem>>, vector<1x16xf32>,
        %get3A_297 = vector.shape_cast %get3A_296 : vector<1x16xf32> to vector<16xf32>
        %mul3A_298 = arith.constant 11.3137083 : f32
        %mul3A_299 = vector.broadcast %mul3A_298 : f32 to vector<16xf32>
        %mul3A_300 = arith.mulf %get3A_297, %mul3A_299 : vector<16xf32>
        %swap3A_301 = arith.index_cast %add3A_293 : i32 to index
        %swap3A_302 = arith.constant 0 : index
        %swap3A_303 = tpu.vector_load %arg10[%swap3A_301, %swap3A_302] {strides = array<i32>} : memref<128x128xf32, #tpu.memory_space<vmem>>, vector<1x16xf32>,
        %swap3A_304 = vector.shape_cast %swap3A_303 : vector<1x16xf32> to vector<16xf32>
        %swap3A_305 = vector.shape_cast %mul3A_300 : vector<16xf32> to vector<1x16xf32>
        tpu.vector_store %arg10[%swap3A_301, %swap3A_302], %swap3A_305 {strides = array<i32>} : memref<128x128xf32, #tpu.memory_space<vmem>>, vector<1x16xf32>,
        %get3A_306 = arith.index_cast %add3A_293 : i32 to index
        %get3A_307 = arith.constant 16 : index
        %get3A_308 = tpu.vector_load %arg7[%get3A_306, %get3A_307] {strides = array<i32>} : memref<128x128xf32, #tpu.memory_space<vmem>>, vector<1x16xf32>,
        %get3A_309 = vector.shape_cast %get3A_308 : vector<1x16xf32> to vector<16xf32>
        %mul3A_310 = arith.constant 11.3137083 : f32
        %mul3A_311 = vector.broadcast %mul3A_310 : f32 to vector<16xf32>
        %mul3A_312 = arith.mulf %get3A_309, %mul3A_311 : vector<16xf32>
        %swap3A_313 = arith.index_cast %add3A_293 : i32 to index
        %swap3A_314 = arith.constant 16 : index
        %swap3A_315 = tpu.vector_load %arg10[%swap3A_313, %swap3A_314] {strides = array<i32>} : memref<128x128xf32, #tpu.memory_space<vmem>>, vector<1x16xf32>,
        %swap3A_316 = vector.shape_cast %swap3A_315 : vector<1x16xf32> to vector<16xf32>
        %swap3A_317 = vector.shape_cast %mul3A_312 : vector<16xf32> to vector<1x16xf32>
        tpu.vector_store %arg10[%swap3A_313, %swap3A_314], %swap3A_317 {strides = array<i32>} : memref<128x128xf32, #tpu.memory_space<vmem>>, vector<1x16xf32>,
        %get3A_318 = arith.index_cast %add3A_293 : i32 to index
        %get3A_319 = arith.constant 32 : index
        %get3A_320 = tpu.vector_load %arg7[%get3A_318, %get3A_319] {strides = array<i32>} : memref<128x128xf32, #tpu.memory_space<vmem>>, vector<1x16xf32>,
        %get3A_321 = vector.shape_cast %get3A_320 : vector<1x16xf32> to vector<16xf32>
        %mul3A_322 = arith.constant 11.3137083 : f32
        %mul3A_323 = vector.broadcast %mul3A_322 : f32 to vector<16xf32>
        %mul3A_324 = arith.mulf %get3A_321, %mul3A_323 : vector<16xf32>
        %swap3A_325 = arith.index_cast %add3A_293 : i32 to index
        %swap3A_326 = arith.constant 32 : index
        %swap3A_327 = tpu.vector_load %arg10[%swap3A_325, %swap3A_326] {strides = array<i32>} : memref<128x128xf32, #tpu.memory_space<vmem>>, vector<1x16xf32>,
        %swap3A_328 = vector.shape_cast %swap3A_327 : vector<1x16xf32> to vector<16xf32>
        %swap3A_329 = vector.shape_cast %mul3A_324 : vector<16xf32> to vector<1x16xf32>
        tpu.vector_store %arg10[%swap3A_325, %swap3A_326], %swap3A_329 {strides = array<i32>} : memref<128x128xf32, #tpu.memory_space<vmem>>, vector<1x16xf32>,
        %get3A_330 = arith.index_cast %add3A_293 : i32 to index
        %get3A_331 = arith.constant 48 : index
        %get3A_332 = tpu.vector_load %arg7[%get3A_330, %get3A_331] {strides = array<i32>} : memref<128x128xf32, #tpu.memory_space<vmem>>, vector<1x16xf32>,
        %get3A_333 = vector.shape_cast %get3A_332 : vector<1x16xf32> to vector<16xf32>
        %mul3A_334 = arith.constant 11.3137083 : f32
        %mul3A_335 = vector.broadcast %mul3A_334 : f32 to vector<16xf32>
        %mul3A_336 = arith.mulf %get3A_333, %mul3A_335 : vector<16xf32>
        %swap3A_337 = arith.index_cast %add3A_293 : i32 to index
        %swap3A_338 = arith.constant 48 : index
        %swap3A_339 = tpu.vector_load %arg10[%swap3A_337, %swap3A_338] {strides = array<i32>} : memref<128x128xf32, #tpu.memory_space<vmem>>, vector<1x16xf32>,
        %swap3A_340 = vector.shape_cast %swap3A_339 : vector<1x16xf32> to vector<16xf32>
        %swap3A_341 = vector.shape_cast %mul3A_336 : vector<16xf32> to vector<1x16xf32>
        tpu.vector_store %arg10[%swap3A_337, %swap3A_338], %swap3A_341 {strides = array<i32>} : memref<128x128xf32, #tpu.memory_space<vmem>>, vector<1x16xf32>,
        %get3A_342 = arith.index_cast %add3A_293 : i32 to index
        %get3A_343 = arith.constant 64 : index
        %get3A_344 = tpu.vector_load %arg7[%get3A_342, %get3A_343] {strides = array<i32>} : memref<128x128xf32, #tpu.memory_space<vmem>>, vector<1x16xf32>,
        %get3A_345 = vector.shape_cast %get3A_344 : vector<1x16xf32> to vector<16xf32>
        %mul3A_346 = arith.constant 11.3137083 : f32
        %mul3A_347 = vector.broadcast %mul3A_346 : f32 to vector<16xf32>
        %mul3A_348 = arith.mulf %get3A_345, %mul3A_347 : vector<16xf32>
        %swap3A_349 = arith.index_cast %add3A_293 : i32 to index
        %swap3A_350 = arith.constant 64 : index
        %swap3A_351 = tpu.vector_load %arg10[%swap3A_349, %swap3A_350] {strides = array<i32>} : memref<128x128xf32, #tpu.memory_space<vmem>>, vector<1x16xf32>,
        %swap3A_352 = vector.shape_cast %swap3A_351 : vector<1x16xf32> to vector<16xf32>
        %swap3A_353 = vector.shape_cast %mul3A_348 : vector<16xf32> to vector<1x16xf32>
        tpu.vector_store %arg10[%swap3A_349, %swap3A_350], %swap3A_353 {strides = array<i32>} : memref<128x128xf32, #tpu.memory_space<vmem>>, vector<1x16xf32>,
        %get3A_354 = arith.index_cast %add3A_293 : i32 to index
        %get3A_355 = arith.constant 80 : index
        %get3A_356 = tpu.vector_load %arg7[%get3A_354, %get3A_355] {strides = array<i32>} : memref<128x128xf32, #tpu.memory_space<vmem>>, vector<1x16xf32>,
        %get3A_357 = vector.shape_cast %get3A_356 : vector<1x16xf32> to vector<16xf32>
        %mul3A_358 = arith.constant 11.3137083 : f32
        %mul3A_359 = vector.broadcast %mul3A_358 : f32 to vector<16xf32>
        %mul3A_360 = arith.mulf %get3A_357, %mul3A_359 : vector<16xf32>
        %swap3A_361 = arith.index_cast %add3A_293 : i32 to index
        %swap3A_362 = arith.constant 80 : index
        %swap3A_363 = tpu.vector_load %arg10[%swap3A_361, %swap3A_362] {strides = array<i32>} : memref<128x128xf32, #tpu.memory_space<vmem>>, vector<1x16xf32>,
        %swap3A_364 = vector.shape_cast %swap3A_363 : vector<1x16xf32> to vector<16xf32>
        %swap3A_365 = vector.shape_cast %mul3A_360 : vector<16xf32> to vector<1x16xf32>
        tpu.vector_store %arg10[%swap3A_361, %swap3A_362], %swap3A_365 {strides = array<i32>} : memref<128x128xf32, #tpu.memory_space<vmem>>, vector<1x16xf32>,
        %get3A_366 = arith.index_cast %add3A_293 : i32 to index
        %get3A_367 = arith.constant 96 : index
        %get3A_368 = tpu.vector_load %arg7[%get3A_366, %get3A_367] {strides = array<i32>} : memref<128x128xf32, #tpu.memory_space<vmem>>, vector<1x16xf32>,
        %get3A_369 = vector.shape_cast %get3A_368 : vector<1x16xf32> to vector<16xf32>
        %mul3A_370 = arith.constant 11.3137083 : f32
        %mul3A_371 = vector.broadcast %mul3A_370 : f32 to vector<16xf32>
        %mul3A_372 = arith.mulf %get3A_369, %mul3A_371 : vector<16xf32>
        %swap3A_373 = arith.index_cast %add3A_293 : i32 to index
        %swap3A_374 = arith.constant 96 : index
        %swap3A_375 = tpu.vector_load %arg10[%swap3A_373, %swap3A_374] {strides = array<i32>} : memref<128x128xf32, #tpu.memory_space<vmem>>, vector<1x16xf32>,
        %swap3A_376 = vector.shape_cast %swap3A_375 : vector<1x16xf32> to vector<16xf32>
        %swap3A_377 = vector.shape_cast %mul3A_372 : vector<16xf32> to vector<1x16xf32>
        tpu.vector_store %arg10[%swap3A_373, %swap3A_374], %swap3A_377 {strides = array<i32>} : memref<128x128xf32, #tpu.memory_space<vmem>>, vector<1x16xf32>,
        %get3A_378 = arith.index_cast %add3A_293 : i32 to index
        %get3A_379 = arith.constant 112 : index
        %get3A_380 = tpu.vector_load %arg7[%get3A_378, %get3A_379] {strides = array<i32>} : memref<128x128xf32, #tpu.memory_space<vmem>>, vector<1x16xf32>,
        %get3A_381 = vector.shape_cast %get3A_380 : vector<1x16xf32> to vector<16xf32>
        %mul3A_382 = arith.constant 11.3137083 : f32
        %mul3A_383 = vector.broadcast %mul3A_382 : f32 to vector<16xf32>
        %mul3A_384 = arith.mulf %get3A_381, %mul3A_383 : vector<16xf32>
        %swap3A_385 = arith.index_cast %add3A_293 : i32 to index
        %swap3A_386 = arith.constant 112 : index
        %swap3A_387 = tpu.vector_load %arg10[%swap3A_385, %swap3A_386] {strides = array<i32>} : memref<128x128xf32, #tpu.memory_space<vmem>>, vector<1x16xf32>,
        %swap3A_388 = vector.shape_cast %swap3A_387 : vector<1x16xf32> to vector<16xf32>
        %swap3A_389 = vector.shape_cast %mul3A_384 : vector<16xf32> to vector<1x16xf32>
        tpu.vector_store %arg10[%swap3A_385, %swap3A_386], %swap3A_389 {strides = array<i32>} : memref<128x128xf32, #tpu.memory_space<vmem>>, vector<1x16xf32>,
        %mul3A_390 = arith.constant 4 : i32
        %mul3A_391 = arith.muli %scan3A_191, %mul3A_390 : i32
        %add3A_392 = arith.constant 2 : i32
        %add3A_393 = arith.addi %mul3A_391, %add3A_392 : i32
        %get3A_394 = arith.index_cast %add3A_393 : i32 to index
        %get3A_395 = arith.constant 0 : index
        %get3A_396 = tpu.vector_load %arg7[%get3A_394, %get3A_395] {strides = array<i32>} : memref<128x128xf32, #tpu.memory_space<vmem>>, vector<1x16xf32>,
        %get3A_397 = vector.shape_cast %get3A_396 : vector<1x16xf32> to vector<16xf32>
        %mul3A_398 = arith.constant 11.3137083 : f32
        %mul3A_399 = vector.broadcast %mul3A_398 : f32 to vector<16xf32>
        %mul3A_400 = arith.mulf %get3A_397, %mul3A_399 : vector<16xf32>
        %swap3A_401 = arith.index_cast %add3A_393 : i32 to index
        %swap3A_402 = arith.constant 0 : index
        %swap3A_403 = tpu.vector_load %arg10[%swap3A_401, %swap3A_402] {strides = array<i32>} : memref<128x128xf32, #tpu.memory_space<vmem>>, vector<1x16xf32>,
        %swap3A_404 = vector.shape_cast %swap3A_403 : vector<1x16xf32> to vector<16xf32>
        %swap3A_405 = vector.shape_cast %mul3A_400 : vector<16xf32> to vector<1x16xf32>
        tpu.vector_store %arg10[%swap3A_401, %swap3A_402], %swap3A_405 {strides = array<i32>} : memref<128x128xf32, #tpu.memory_space<vmem>>, vector<1x16xf32>,
        %get3A_406 = arith.index_cast %add3A_393 : i32 to index
        %get3A_407 = arith.constant 16 : index
        %get3A_408 = tpu.vector_load %arg7[%get3A_406, %get3A_407] {strides = array<i32>} : memref<128x128xf32, #tpu.memory_space<vmem>>, vector<1x16xf32>,
        %get3A_409 = vector.shape_cast %get3A_408 : vector<1x16xf32> to vector<16xf32>
        %mul3A_410 = arith.constant 11.3137083 : f32
        %mul3A_411 = vector.broadcast %mul3A_410 : f32 to vector<16xf32>
        %mul3A_412 = arith.mulf %get3A_409, %mul3A_411 : vector<16xf32>
        %swap3A_413 = arith.index_cast %add3A_393 : i32 to index
        %swap3A_414 = arith.constant 16 : index
        %swap3A_415 = tpu.vector_load %arg10[%swap3A_413, %swap3A_414] {strides = array<i32>} : memref<128x128xf32, #tpu.memory_space<vmem>>, vector<1x16xf32>,
        %swap3A_416 = vector.shape_cast %swap3A_415 : vector<1x16xf32> to vector<16xf32>
        %swap3A_417 = vector.shape_cast %mul3A_412 : vector<16xf32> to vector<1x16xf32>
        tpu.vector_store %arg10[%swap3A_413, %swap3A_414], %swap3A_417 {strides = array<i32>} : memref<128x128xf32, #tpu.memory_space<vmem>>, vector<1x16xf32>,
        %get3A_418 = arith.index_cast %add3A_393 : i32 to index
        %get3A_419 = arith.constant 32 : index
        %get3A_420 = tpu.vector_load %arg7[%get3A_418, %get3A_419] {strides = array<i32>} : memref<128x128xf32, #tpu.memory_space<vmem>>, vector<1x16xf32>,
        %get3A_421 = vector.shape_cast %get3A_420 : vector<1x16xf32> to vector<16xf32>
        %mul3A_422 = arith.constant 11.3137083 : f32
        %mul3A_423 = vector.broadcast %mul3A_422 : f32 to vector<16xf32>
        %mul3A_424 = arith.mulf %get3A_421, %mul3A_423 : vector<16xf32>
        %swap3A_425 = arith.index_cast %add3A_393 : i32 to index
        %swap3A_426 = arith.constant 32 : index
        %swap3A_427 = tpu.vector_load %arg10[%swap3A_425, %swap3A_426] {strides = array<i32>} : memref<128x128xf32, #tpu.memory_space<vmem>>, vector<1x16xf32>,
        %swap3A_428 = vector.shape_cast %swap3A_427 : vector<1x16xf32> to vector<16xf32>
        %swap3A_429 = vector.shape_cast %mul3A_424 : vector<16xf32> to vector<1x16xf32>
        tpu.vector_store %arg10[%swap3A_425, %swap3A_426], %swap3A_429 {strides = array<i32>} : memref<128x128xf32, #tpu.memory_space<vmem>>, vector<1x16xf32>,
        %get3A_430 = arith.index_cast %add3A_393 : i32 to index
        %get3A_431 = arith.constant 48 : index
        %get3A_432 = tpu.vector_load %arg7[%get3A_430, %get3A_431] {strides = array<i32>} : memref<128x128xf32, #tpu.memory_space<vmem>>, vector<1x16xf32>,
        %get3A_433 = vector.shape_cast %get3A_432 : vector<1x16xf32> to vector<16xf32>
        %mul3A_434 = arith.constant 11.3137083 : f32
        %mul3A_435 = vector.broadcast %mul3A_434 : f32 to vector<16xf32>
        %mul3A_436 = arith.mulf %get3A_433, %mul3A_435 : vector<16xf32>
        %swap3A_437 = arith.index_cast %add3A_393 : i32 to index
        %swap3A_438 = arith.constant 48 : index
        %swap3A_439 = tpu.vector_load %arg10[%swap3A_437, %swap3A_438] {strides = array<i32>} : memref<128x128xf32, #tpu.memory_space<vmem>>, vector<1x16xf32>,
        %swap3A_440 = vector.shape_cast %swap3A_439 : vector<1x16xf32> to vector<16xf32>
        %swap3A_441 = vector.shape_cast %mul3A_436 : vector<16xf32> to vector<1x16xf32>
        tpu.vector_store %arg10[%swap3A_437, %swap3A_438], %swap3A_441 {strides = array<i32>} : memref<128x128xf32, #tpu.memory_space<vmem>>, vector<1x16xf32>,
        %get3A_442 = arith.index_cast %add3A_393 : i32 to index
        %get3A_443 = arith.constant 64 : index
        %get3A_444 = tpu.vector_load %arg7[%get3A_442, %get3A_443] {strides = array<i32>} : memref<128x128xf32, #tpu.memory_space<vmem>>, vector<1x16xf32>,
        %get3A_445 = vector.shape_cast %get3A_444 : vector<1x16xf32> to vector<16xf32>
        %mul3A_446 = arith.constant 11.3137083 : f32
        %mul3A_447 = vector.broadcast %mul3A_446 : f32 to vector<16xf32>
        %mul3A_448 = arith.mulf %get3A_445, %mul3A_447 : vector<16xf32>
        %swap3A_449 = arith.index_cast %add3A_393 : i32 to index
        %swap3A_450 = arith.constant 64 : index
        %swap3A_451 = tpu.vector_load %arg10[%swap3A_449, %swap3A_450] {strides = array<i32>} : memref<128x128xf32, #tpu.memory_space<vmem>>, vector<1x16xf32>,
        %swap3A_452 = vector.shape_cast %swap3A_451 : vector<1x16xf32> to vector<16xf32>
        %swap3A_453 = vector.shape_cast %mul3A_448 : vector<16xf32> to vector<1x16xf32>
        tpu.vector_store %arg10[%swap3A_449, %swap3A_450], %swap3A_453 {strides = array<i32>} : memref<128x128xf32, #tpu.memory_space<vmem>>, vector<1x16xf32>,
        %get3A_454 = arith.index_cast %add3A_393 : i32 to index
        %get3A_455 = arith.constant 80 : index
        %get3A_456 = tpu.vector_load %arg7[%get3A_454, %get3A_455] {strides = array<i32>} : memref<128x128xf32, #tpu.memory_space<vmem>>, vector<1x16xf32>,
        %get3A_457 = vector.shape_cast %get3A_456 : vector<1x16xf32> to vector<16xf32>
        %mul3A_458 = arith.constant 11.3137083 : f32
        %mul3A_459 = vector.broadcast %mul3A_458 : f32 to vector<16xf32>
        %mul3A_460 = arith.mulf %get3A_457, %mul3A_459 : vector<16xf32>
        %swap3A_461 = arith.index_cast %add3A_393 : i32 to index
        %swap3A_462 = arith.constant 80 : index
        %swap3A_463 = tpu.vector_load %arg10[%swap3A_461, %swap3A_462] {strides = array<i32>} : memref<128x128xf32, #tpu.memory_space<vmem>>, vector<1x16xf32>,
        %swap3A_464 = vector.shape_cast %swap3A_463 : vector<1x16xf32> to vector<16xf32>
        %swap3A_465 = vector.shape_cast %mul3A_460 : vector<16xf32> to vector<1x16xf32>
        tpu.vector_store %arg10[%swap3A_461, %swap3A_462], %swap3A_465 {strides = array<i32>} : memref<128x128xf32, #tpu.memory_space<vmem>>, vector<1x16xf32>,
        %get3A_466 = arith.index_cast %add3A_393 : i32 to index
        %get3A_467 = arith.constant 96 : index
        %get3A_468 = tpu.vector_load %arg7[%get3A_466, %get3A_467] {strides = array<i32>} : memref<128x128xf32, #tpu.memory_space<vmem>>, vector<1x16xf32>,
        %get3A_469 = vector.shape_cast %get3A_468 : vector<1x16xf32> to vector<16xf32>
        %mul3A_470 = arith.constant 11.3137083 : f32
        %mul3A_471 = vector.broadcast %mul3A_470 : f32 to vector<16xf32>
        %mul3A_472 = arith.mulf %get3A_469, %mul3A_471 : vector<16xf32>
        %swap3A_473 = arith.index_cast %add3A_393 : i32 to index
        %swap3A_474 = arith.constant 96 : index
        %swap3A_475 = tpu.vector_load %arg10[%swap3A_473, %swap3A_474] {strides = array<i32>} : memref<128x128xf32, #tpu.memory_space<vmem>>, vector<1x16xf32>,
        %swap3A_476 = vector.shape_cast %swap3A_475 : vector<1x16xf32> to vector<16xf32>
        %swap3A_477 = vector.shape_cast %mul3A_472 : vector<16xf32> to vector<1x16xf32>
        tpu.vector_store %arg10[%swap3A_473, %swap3A_474], %swap3A_477 {strides = array<i32>} : memref<128x128xf32, #tpu.memory_space<vmem>>, vector<1x16xf32>,
        %get3A_478 = arith.index_cast %add3A_393 : i32 to index
        %get3A_479 = arith.constant 112 : index
        %get3A_480 = tpu.vector_load %arg7[%get3A_478, %get3A_479] {strides = array<i32>} : memref<128x128xf32, #tpu.memory_space<vmem>>, vector<1x16xf32>,
        %get3A_481 = vector.shape_cast %get3A_480 : vector<1x16xf32> to vector<16xf32>
        %mul3A_482 = arith.constant 11.3137083 : f32
        %mul3A_483 = vector.broadcast %mul3A_482 : f32 to vector<16xf32>
        %mul3A_484 = arith.mulf %get3A_481, %mul3A_483 : vector<16xf32>
        %swap3A_485 = arith.index_cast %add3A_393 : i32 to index
        %swap3A_486 = arith.constant 112 : index
        %swap3A_487 = tpu.vector_load %arg10[%swap3A_485, %swap3A_486] {strides = array<i32>} : memref<128x128xf32, #tpu.memory_space<vmem>>, vector<1x16xf32>,
        %swap3A_488 = vector.shape_cast %swap3A_487 : vector<1x16xf32> to vector<16xf32>
        %swap3A_489 = vector.shape_cast %mul3A_484 : vector<16xf32> to vector<1x16xf32>
        tpu.vector_store %arg10[%swap3A_485, %swap3A_486], %swap3A_489 {strides = array<i32>} : memref<128x128xf32, #tpu.memory_space<vmem>>, vector<1x16xf32>,
        %mul3A_490 = arith.constant 4 : i32
        %mul3A_491 = arith.muli %scan3A_191, %mul3A_490 : i32
        %add3A_492 = arith.constant 3 : i32
        %add3A_493 = arith.addi %mul3A_491, %add3A_492 : i32
        %get3A_494 = arith.index_cast %add3A_493 : i32 to index
        %get3A_495 = arith.constant 0 : index
        %get3A_496 = tpu.vector_load %arg7[%get3A_494, %get3A_495] {strides = array<i32>} : memref<128x128xf32, #tpu.memory_space<vmem>>, vector<1x16xf32>,
        %get3A_497 = vector.shape_cast %get3A_496 : vector<1x16xf32> to vector<16xf32>
        %mul3A_498 = arith.constant 11.3137083 : f32
        %mul3A_499 = vector.broadcast %mul3A_498 : f32 to vector<16xf32>
        %mul3A_500 = arith.mulf %get3A_497, %mul3A_499 : vector<16xf32>
        %swap3A_501 = arith.index_cast %add3A_493 : i32 to index
        %swap3A_502 = arith.constant 0 : index
        %swap3A_503 = tpu.vector_load %arg10[%swap3A_501, %swap3A_502] {strides = array<i32>} : memref<128x128xf32, #tpu.memory_space<vmem>>, vector<1x16xf32>,
        %swap3A_504 = vector.shape_cast %swap3A_503 : vector<1x16xf32> to vector<16xf32>
        %swap3A_505 = vector.shape_cast %mul3A_500 : vector<16xf32> to vector<1x16xf32>
        tpu.vector_store %arg10[%swap3A_501, %swap3A_502], %swap3A_505 {strides = array<i32>} : memref<128x128xf32, #tpu.memory_space<vmem>>, vector<1x16xf32>,
        %get3A_506 = arith.index_cast %add3A_493 : i32 to index
        %get3A_507 = arith.constant 16 : index
        %get3A_508 = tpu.vector_load %arg7[%get3A_506, %get3A_507] {strides = array<i32>} : memref<128x128xf32, #tpu.memory_space<vmem>>, vector<1x16xf32>,
        %get3A_509 = vector.shape_cast %get3A_508 : vector<1x16xf32> to vector<16xf32>
        %mul3A_510 = arith.constant 11.3137083 : f32
        %mul3A_511 = vector.broadcast %mul3A_510 : f32 to vector<16xf32>
        %mul3A_512 = arith.mulf %get3A_509, %mul3A_511 : vector<16xf32>
        %swap3A_513 = arith.index_cast %add3A_493 : i32 to index
        %swap3A_514 = arith.constant 16 : index
        %swap3A_515 = tpu.vector_load %arg10[%swap3A_513, %swap3A_514] {strides = array<i32>} : memref<128x128xf32, #tpu.memory_space<vmem>>, vector<1x16xf32>,
        %swap3A_516 = vector.shape_cast %swap3A_515 : vector<1x16xf32> to vector<16xf32>
        %swap3A_517 = vector.shape_cast %mul3A_512 : vector<16xf32> to vector<1x16xf32>
        tpu.vector_store %arg10[%swap3A_513, %swap3A_514], %swap3A_517 {strides = array<i32>} : memref<128x128xf32, #tpu.memory_space<vmem>>, vector<1x16xf32>,
        %get3A_518 = arith.index_cast %add3A_493 : i32 to index
        %get3A_519 = arith.constant 32 : index
        %get3A_520 = tpu.vector_load %arg7[%get3A_518, %get3A_519] {strides = array<i32>} : memref<128x128xf32, #tpu.memory_space<vmem>>, vector<1x16xf32>,
        %get3A_521 = vector.shape_cast %get3A_520 : vector<1x16xf32> to vector<16xf32>
        %mul3A_522 = arith.constant 11.3137083 : f32
        %mul3A_523 = vector.broadcast %mul3A_522 : f32 to vector<16xf32>
        %mul3A_524 = arith.mulf %get3A_521, %mul3A_523 : vector<16xf32>
        %swap3A_525 = arith.index_cast %add3A_493 : i32 to index
        %swap3A_526 = arith.constant 32 : index
        %swap3A_527 = tpu.vector_load %arg10[%swap3A_525, %swap3A_526] {strides = array<i32>} : memref<128x128xf32, #tpu.memory_space<vmem>>, vector<1x16xf32>,
        %swap3A_528 = vector.shape_cast %swap3A_527 : vector<1x16xf32> to vector<16xf32>
        %swap3A_529 = vector.shape_cast %mul3A_524 : vector<16xf32> to vector<1x16xf32>
        tpu.vector_store %arg10[%swap3A_525, %swap3A_526], %swap3A_529 {strides = array<i32>} : memref<128x128xf32, #tpu.memory_space<vmem>>, vector<1x16xf32>,
        %get3A_530 = arith.index_cast %add3A_493 : i32 to index
        %get3A_531 = arith.constant 48 : index
        %get3A_532 = tpu.vector_load %arg7[%get3A_530, %get3A_531] {strides = array<i32>} : memref<128x128xf32, #tpu.memory_space<vmem>>, vector<1x16xf32>,
        %get3A_533 = vector.shape_cast %get3A_532 : vector<1x16xf32> to vector<16xf32>
        %mul3A_534 = arith.constant 11.3137083 : f32
        %mul3A_535 = vector.broadcast %mul3A_534 : f32 to vector<16xf32>
        %mul3A_536 = arith.mulf %get3A_533, %mul3A_535 : vector<16xf32>
        %swap3A_537 = arith.index_cast %add3A_493 : i32 to index
        %swap3A_538 = arith.constant 48 : index
        %swap3A_539 = tpu.vector_load %arg10[%swap3A_537, %swap3A_538] {strides = array<i32>} : memref<128x128xf32, #tpu.memory_space<vmem>>, vector<1x16xf32>,
        %swap3A_540 = vector.shape_cast %swap3A_539 : vector<1x16xf32> to vector<16xf32>
        %swap3A_541 = vector.shape_cast %mul3A_536 : vector<16xf32> to vector<1x16xf32>
        tpu.vector_store %arg10[%swap3A_537, %swap3A_538], %swap3A_541 {strides = array<i32>} : memref<128x128xf32, #tpu.memory_space<vmem>>, vector<1x16xf32>,
        %get3A_542 = arith.index_cast %add3A_493 : i32 to index
        %get3A_543 = arith.constant 64 : index
        %get3A_544 = tpu.vector_load %arg7[%get3A_542, %get3A_543] {strides = array<i32>} : memref<128x128xf32, #tpu.memory_space<vmem>>, vector<1x16xf32>,
        %get3A_545 = vector.shape_cast %get3A_544 : vector<1x16xf32> to vector<16xf32>
        %mul3A_546 = arith.constant 11.3137083 : f32
        %mul3A_547 = vector.broadcast %mul3A_546 : f32 to vector<16xf32>
        %mul3A_548 = arith.mulf %get3A_545, %mul3A_547 : vector<16xf32>
        %swap3A_549 = arith.index_cast %add3A_493 : i32 to index
        %swap3A_550 = arith.constant 64 : index
        %swap3A_551 = tpu.vector_load %arg10[%swap3A_549, %swap3A_550] {strides = array<i32>} : memref<128x128xf32, #tpu.memory_space<vmem>>, vector<1x16xf32>,
        %swap3A_552 = vector.shape_cast %swap3A_551 : vector<1x16xf32> to vector<16xf32>
        %swap3A_553 = vector.shape_cast %mul3A_548 : vector<16xf32> to vector<1x16xf32>
        tpu.vector_store %arg10[%swap3A_549, %swap3A_550], %swap3A_553 {strides = array<i32>} : memref<128x128xf32, #tpu.memory_space<vmem>>, vector<1x16xf32>,
        %get3A_554 = arith.index_cast %add3A_493 : i32 to index
        %get3A_555 = arith.constant 80 : index
        %get3A_556 = tpu.vector_load %arg7[%get3A_554, %get3A_555] {strides = array<i32>} : memref<128x128xf32, #tpu.memory_space<vmem>>, vector<1x16xf32>,
        %get3A_557 = vector.shape_cast %get3A_556 : vector<1x16xf32> to vector<16xf32>
        %mul3A_558 = arith.constant 11.3137083 : f32
        %mul3A_559 = vector.broadcast %mul3A_558 : f32 to vector<16xf32>
        %mul3A_560 = arith.mulf %get3A_557, %mul3A_559 : vector<16xf32>
        %swap3A_561 = arith.index_cast %add3A_493 : i32 to index
        %swap3A_562 = arith.constant 80 : index
        %swap3A_563 = tpu.vector_load %arg10[%swap3A_561, %swap3A_562] {strides = array<i32>} : memref<128x128xf32, #tpu.memory_space<vmem>>, vector<1x16xf32>,
        %swap3A_564 = vector.shape_cast %swap3A_563 : vector<1x16xf32> to vector<16xf32>
        %swap3A_565 = vector.shape_cast %mul3A_560 : vector<16xf32> to vector<1x16xf32>
        tpu.vector_store %arg10[%swap3A_561, %swap3A_562], %swap3A_565 {strides = array<i32>} : memref<128x128xf32, #tpu.memory_space<vmem>>, vector<1x16xf32>,
        %get3A_566 = arith.index_cast %add3A_493 : i32 to index
        %get3A_567 = arith.constant 96 : index
        %get3A_568 = tpu.vector_load %arg7[%get3A_566, %get3A_567] {strides = array<i32>} : memref<128x128xf32, #tpu.memory_space<vmem>>, vector<1x16xf32>,
        %get3A_569 = vector.shape_cast %get3A_568 : vector<1x16xf32> to vector<16xf32>
        %mul3A_570 = arith.constant 11.3137083 : f32
        %mul3A_571 = vector.broadcast %mul3A_570 : f32 to vector<16xf32>
        %mul3A_572 = arith.mulf %get3A_569, %mul3A_571 : vector<16xf32>
        %swap3A_573 = arith.index_cast %add3A_493 : i32 to index
        %swap3A_574 = arith.constant 96 : index
        %swap3A_575 = tpu.vector_load %arg10[%swap3A_573, %swap3A_574] {strides = array<i32>} : memref<128x128xf32, #tpu.memory_space<vmem>>, vector<1x16xf32>,
        %swap3A_576 = vector.shape_cast %swap3A_575 : vector<1x16xf32> to vector<16xf32>
        %swap3A_577 = vector.shape_cast %mul3A_572 : vector<16xf32> to vector<1x16xf32>
        tpu.vector_store %arg10[%swap3A_573, %swap3A_574], %swap3A_577 {strides = array<i32>} : memref<128x128xf32, #tpu.memory_space<vmem>>, vector<1x16xf32>,
        %get3A_578 = arith.index_cast %add3A_493 : i32 to index
        %get3A_579 = arith.constant 112 : index
        %get3A_580 = tpu.vector_load %arg7[%get3A_578, %get3A_579] {strides = array<i32>} : memref<128x128xf32, #tpu.memory_space<vmem>>, vector<1x16xf32>,
        %get3A_581 = vector.shape_cast %get3A_580 : vector<1x16xf32> to vector<16xf32>
        %mul3A_582 = arith.constant 11.3137083 : f32
        %mul3A_583 = vector.broadcast %mul3A_582 : f32 to vector<16xf32>
        %mul3A_584 = arith.mulf %get3A_581, %mul3A_583 : vector<16xf32>
        %swap3A_585 = arith.index_cast %add3A_493 : i32 to index
        %swap3A_586 = arith.constant 112 : index
        %swap3A_587 = tpu.vector_load %arg10[%swap3A_585, %swap3A_586] {strides = array<i32>} : memref<128x128xf32, #tpu.memory_space<vmem>>, vector<1x16xf32>,
        %swap3A_588 = vector.shape_cast %swap3A_587 : vector<1x16xf32> to vector<16xf32>
        %swap3A_589 = vector.shape_cast %mul3A_584 : vector<16xf32> to vector<1x16xf32>
        tpu.vector_store %arg10[%swap3A_585, %swap3A_586], %swap3A_589 {strides = array<i32>} : memref<128x128xf32, #tpu.memory_space<vmem>>, vector<1x16xf32>,
      }
      %scan3A_141 = arith.constant 32 : i32
      %add3A_142 = arith.constant 3 : i32
      %add3A_143 = arith.addi %add3A_124, %add3A_142 : i32
      %lt3A_144 = arith.constant 50 : i32
      %lt3A_145 = arith.cmpi slt, %add3A_143, %lt3A_144 : i32
      %convert_element_type3A_146 = arith.extui %lt3A_145 : i1 to i32
      %cond3A_147 = arith.constant 0 : i32
      %cond3A_148 = arith.cmpi ne, %convert_element_type3A_146, %cond3A_147 : i32
      scf.if %cond3A_148 {
        %add3A_191 = arith.constant 3 : i32
        %add3A_192 = arith.addi %add3A_124, %add3A_191 : i32
        %mul3A_193 = arith.constant 128 : i32
        %mul3A_194 = arith.muli %add3A_192, %mul3A_193 : i32
        %dma_start3A_195 = tpu.memref_slice %arg5[%mul3A_194] : memref<6400xi32, #tpu.memory_space<vmem>> -> memref<128xi32, #tpu.memory_space<vmem>>
        %dma_start3A_196 = arith.constant 0 : i32
        %dma_start3A_197 = arith.constant 0 : i32
        %dma_start3A_198 = tpu.memref_slice %arg3[%dma_start3A_196, %dma_start3A_197] : memref<100000x128xf32, #tpu.memory_space<hbm>> -> memref<100000x128xf32, #tpu.memory_space<hbm>>
        tpu.enqueue_indirect_dma source(%dma_start3A_198 : memref<100000x128xf32, #tpu.memory_space<hbm>>) target(%arg7 : memref<128x128xf32, #tpu.memory_space<vmem>>) offsets(%dma_start3A_195 : memref<128xi32, #tpu.memory_space<vmem>>) semaphore(%arg13 : memref<!tpu.dma_semaphore, #tpu.memory_space<semaphore_mem>>)
      } else {
      }
      %mul3A_149 = arith.constant 4096 : i32
      %mul3A_150 = arith.muli %add3A_124, %mul3A_149 : i32
      %add3A_151 = arith.addi %mul3A_150, %mul3A_2 : i32
      %dma_start3A_152 = arith.constant 0 : i32
      %dma_start3A_153 = tpu.memref_slice %arg4[%add3A_151, %dma_start3A_152] : memref<204800x128xf32, #tpu.memory_space<hbm>> -> memref<128x128xf32, #tpu.memory_space<hbm>>
      %dma_start3A_154 = arith.constant 0 : i32
      %dma_start3A_155 = tpu.memref_slice %arg4[%add3A_151, %dma_start3A_154] : memref<204800x128xf32, #tpu.memory_space<hbm>> -> memref<128x128xf32, #tpu.memory_space<hbm>>
      tpu.enqueue_dma source(%arg10 : memref<128x128xf32, #tpu.memory_space<vmem>>) target(%dma_start3A_155 : memref<128x128xf32, #tpu.memory_space<hbm>>) target_semaphore(%arg16 : memref<!tpu.dma_semaphore, #tpu.memory_space<semaphore_mem>>)
      %mul3A_156 = arith.constant 3 : i32
      %mul3A_157 = arith.muli %scan3A_89, %mul3A_156 : i32
      %add3A_158 = arith.constant 2 : i32
      %add3A_159 = arith.addi %mul3A_157, %add3A_158 : i32
      %mul3A_160 = arith.constant 128 : i32
      %mul3A_161 = arith.muli %add3A_159, %mul3A_160 : i32
      %dma_wait3A_162 = tpu.memref_slice %arg5[%mul3A_161] : memref<6400xi32, #tpu.memory_space<vmem>> -> memref<128xi32, #tpu.memory_space<vmem>>
      %dma_wait3A_163 = arith.constant 0 : i32
      %dma_wait3A_164 = arith.constant 0 : i32
      %dma_wait3A_165 = tpu.memref_slice %arg3[%dma_wait3A_163, %dma_wait3A_164] : memref<100000x128xf32, #tpu.memory_space<hbm>> -> memref<100000x128xf32, #tpu.memory_space<hbm>>
      tpu.wait_indirect_dma semaphore(%arg14 : memref<!tpu.dma_semaphore, #tpu.memory_space<semaphore_mem>>) src(%dma_wait3A_165 : memref<100000x128xf32, #tpu.memory_space<hbm>>) dst(%arg8 : memref<128x128xf32, #tpu.memory_space<vmem>>)
      %ge3A_166 = arith.constant 3 : i32
      %ge3A_167 = arith.cmpi sge, %add3A_159, %ge3A_166 : i32
      %convert_element_type3A_168 = arith.extui %ge3A_167 : i1 to i32
      %cond3A_169 = arith.constant 0 : i32
      %cond3A_170 = arith.cmpi ne, %convert_element_type3A_168, %cond3A_169 : i32
      scf.if %cond3A_170 {
        %sub3A = arith.constant 3 : i32
        %sub3A_191 = arith.subi %add3A_159, %sub3A : i32
        %mul3A_192 = arith.constant 4096 : i32
        %mul3A_193 = arith.muli %sub3A_191, %mul3A_192 : i32
        %add3A_194 = arith.addi %mul3A_193, %mul3A_2 : i32
        %dma_wait3A_195 = arith.constant 0 : i32
        %dma_wait3A_196 = tpu.memref_slice %arg4[%add3A_194, %dma_wait3A_195] : memref<204800x128xf32, #tpu.memory_space<hbm>> -> memref<128x128xf32, #tpu.memory_space<hbm>>
        %dma_wait3A_197 = arith.constant 0 : i32
        %dma_wait3A_198 = tpu.memref_slice %arg4[%add3A_194, %dma_wait3A_197] : memref<204800x128xf32, #tpu.memory_space<hbm>> -> memref<128x128xf32, #tpu.memory_space<hbm>>
        tpu.wait_dma2 semaphore(%arg17 : memref<!tpu.dma_semaphore, #tpu.memory_space<semaphore_mem>>) src(%arg11 : memref<128x128xf32, #tpu.memory_space<vmem>>) dst(%dma_wait3A_198 : memref<128x128xf32, #tpu.memory_space<hbm>>)
      } else {
      }
      %scan3A_171 = arith.constant 0 : i32
      %scan3A_172 = arith.constant 0 : i32
      %scan3A_173 = arith.constant 32 : i32
      %scan3A_174 = arith.addi %scan3A_172, %scan3A_173 : i32
      %scan3A_175 = arith.constant 1 : i32
      scf.for %scan3A_191 = %scan3A_172 to %scan3A_174 step %scan3A_175  : i32 {
        %mul3A_192 = arith.constant 4 : i32
        %mul3A_193 = arith.muli %scan3A_191, %mul3A_192 : i32
        %add3A_194 = arith.constant 0 : i32
        %add3A_195 = arith.addi %mul3A_193, %add3A_194 : i32
        %get3A = arith.index_cast %add3A_195 : i32 to index
        %get3A_196 = arith.constant 0 : index
        %get3A_197 = tpu.vector_load %arg8[%get3A, %get3A_196] {strides = array<i32>} : memref<128x128xf32, #tpu.memory_space<vmem>>, vector<1x16xf32>,
        %get3A_198 = vector.shape_cast %get3A_197 : vector<1x16xf32> to vector<16xf32>
        %mul3A_199 = arith.constant 11.3137083 : f32
        %mul3A_200 = vector.broadcast %mul3A_199 : f32 to vector<16xf32>
        %mul3A_201 = arith.mulf %get3A_198, %mul3A_200 : vector<16xf32>
        %swap3A = arith.index_cast %add3A_195 : i32 to index
        %swap3A_202 = arith.constant 0 : index
        %swap3A_203 = tpu.vector_load %arg11[%swap3A, %swap3A_202] {strides = array<i32>} : memref<128x128xf32, #tpu.memory_space<vmem>>, vector<1x16xf32>,
        %swap3A_204 = vector.shape_cast %swap3A_203 : vector<1x16xf32> to vector<16xf32>
        %swap3A_205 = vector.shape_cast %mul3A_201 : vector<16xf32> to vector<1x16xf32>
        tpu.vector_store %arg11[%swap3A, %swap3A_202], %swap3A_205 {strides = array<i32>} : memref<128x128xf32, #tpu.memory_space<vmem>>, vector<1x16xf32>,
        %get3A_206 = arith.index_cast %add3A_195 : i32 to index
        %get3A_207 = arith.constant 16 : index
        %get3A_208 = tpu.vector_load %arg8[%get3A_206, %get3A_207] {strides = array<i32>} : memref<128x128xf32, #tpu.memory_space<vmem>>, vector<1x16xf32>,
        %get3A_209 = vector.shape_cast %get3A_208 : vector<1x16xf32> to vector<16xf32>
        %mul3A_210 = arith.constant 11.3137083 : f32
        %mul3A_211 = vector.broadcast %mul3A_210 : f32 to vector<16xf32>
        %mul3A_212 = arith.mulf %get3A_209, %mul3A_211 : vector<16xf32>
        %swap3A_213 = arith.index_cast %add3A_195 : i32 to index
        %swap3A_214 = arith.constant 16 : index
        %swap3A_215 = tpu.vector_load %arg11[%swap3A_213, %swap3A_214] {strides = array<i32>} : memref<128x128xf32, #tpu.memory_space<vmem>>, vector<1x16xf32>,
        %swap3A_216 = vector.shape_cast %swap3A_215 : vector<1x16xf32> to vector<16xf32>
        %swap3A_217 = vector.shape_cast %mul3A_212 : vector<16xf32> to vector<1x16xf32>
        tpu.vector_store %arg11[%swap3A_213, %swap3A_214], %swap3A_217 {strides = array<i32>} : memref<128x128xf32, #tpu.memory_space<vmem>>, vector<1x16xf32>,
        %get3A_218 = arith.index_cast %add3A_195 : i32 to index
        %get3A_219 = arith.constant 32 : index
        %get3A_220 = tpu.vector_load %arg8[%get3A_218, %get3A_219] {strides = array<i32>} : memref<128x128xf32, #tpu.memory_space<vmem>>, vector<1x16xf32>,
        %get3A_221 = vector.shape_cast %get3A_220 : vector<1x16xf32> to vector<16xf32>
        %mul3A_222 = arith.constant 11.3137083 : f32
        %mul3A_223 = vector.broadcast %mul3A_222 : f32 to vector<16xf32>
        %mul3A_224 = arith.mulf %get3A_221, %mul3A_223 : vector<16xf32>
        %swap3A_225 = arith.index_cast %add3A_195 : i32 to index
        %swap3A_226 = arith.constant 32 : index
        %swap3A_227 = tpu.vector_load %arg11[%swap3A_225, %swap3A_226] {strides = array<i32>} : memref<128x128xf32, #tpu.memory_space<vmem>>, vector<1x16xf32>,
        %swap3A_228 = vector.shape_cast %swap3A_227 : vector<1x16xf32> to vector<16xf32>
        %swap3A_229 = vector.shape_cast %mul3A_224 : vector<16xf32> to vector<1x16xf32>
        tpu.vector_store %arg11[%swap3A_225, %swap3A_226], %swap3A_229 {strides = array<i32>} : memref<128x128xf32, #tpu.memory_space<vmem>>, vector<1x16xf32>,
        %get3A_230 = arith.index_cast %add3A_195 : i32 to index
        %get3A_231 = arith.constant 48 : index
        %get3A_232 = tpu.vector_load %arg8[%get3A_230, %get3A_231] {strides = array<i32>} : memref<128x128xf32, #tpu.memory_space<vmem>>, vector<1x16xf32>,
        %get3A_233 = vector.shape_cast %get3A_232 : vector<1x16xf32> to vector<16xf32>
        %mul3A_234 = arith.constant 11.3137083 : f32
        %mul3A_235 = vector.broadcast %mul3A_234 : f32 to vector<16xf32>
        %mul3A_236 = arith.mulf %get3A_233, %mul3A_235 : vector<16xf32>
        %swap3A_237 = arith.index_cast %add3A_195 : i32 to index
        %swap3A_238 = arith.constant 48 : index
        %swap3A_239 = tpu.vector_load %arg11[%swap3A_237, %swap3A_238] {strides = array<i32>} : memref<128x128xf32, #tpu.memory_space<vmem>>, vector<1x16xf32>,
        %swap3A_240 = vector.shape_cast %swap3A_239 : vector<1x16xf32> to vector<16xf32>
        %swap3A_241 = vector.shape_cast %mul3A_236 : vector<16xf32> to vector<1x16xf32>
        tpu.vector_store %arg11[%swap3A_237, %swap3A_238], %swap3A_241 {strides = array<i32>} : memref<128x128xf32, #tpu.memory_space<vmem>>, vector<1x16xf32>,
        %get3A_242 = arith.index_cast %add3A_195 : i32 to index
        %get3A_243 = arith.constant 64 : index
        %get3A_244 = tpu.vector_load %arg8[%get3A_242, %get3A_243] {strides = array<i32>} : memref<128x128xf32, #tpu.memory_space<vmem>>, vector<1x16xf32>,
        %get3A_245 = vector.shape_cast %get3A_244 : vector<1x16xf32> to vector<16xf32>
        %mul3A_246 = arith.constant 11.3137083 : f32
        %mul3A_247 = vector.broadcast %mul3A_246 : f32 to vector<16xf32>
        %mul3A_248 = arith.mulf %get3A_245, %mul3A_247 : vector<16xf32>
        %swap3A_249 = arith.index_cast %add3A_195 : i32 to index
        %swap3A_250 = arith.constant 64 : index
        %swap3A_251 = tpu.vector_load %arg11[%swap3A_249, %swap3A_250] {strides = array<i32>} : memref<128x128xf32, #tpu.memory_space<vmem>>, vector<1x16xf32>,
        %swap3A_252 = vector.shape_cast %swap3A_251 : vector<1x16xf32> to vector<16xf32>
        %swap3A_253 = vector.shape_cast %mul3A_248 : vector<16xf32> to vector<1x16xf32>
        tpu.vector_store %arg11[%swap3A_249, %swap3A_250], %swap3A_253 {strides = array<i32>} : memref<128x128xf32, #tpu.memory_space<vmem>>, vector<1x16xf32>,
        %get3A_254 = arith.index_cast %add3A_195 : i32 to index
        %get3A_255 = arith.constant 80 : index
        %get3A_256 = tpu.vector_load %arg8[%get3A_254, %get3A_255] {strides = array<i32>} : memref<128x128xf32, #tpu.memory_space<vmem>>, vector<1x16xf32>,
        %get3A_257 = vector.shape_cast %get3A_256 : vector<1x16xf32> to vector<16xf32>
        %mul3A_258 = arith.constant 11.3137083 : f32
        %mul3A_259 = vector.broadcast %mul3A_258 : f32 to vector<16xf32>
        %mul3A_260 = arith.mulf %get3A_257, %mul3A_259 : vector<16xf32>
        %swap3A_261 = arith.index_cast %add3A_195 : i32 to index
        %swap3A_262 = arith.constant 80 : index
        %swap3A_263 = tpu.vector_load %arg11[%swap3A_261, %swap3A_262] {strides = array<i32>} : memref<128x128xf32, #tpu.memory_space<vmem>>, vector<1x16xf32>,
        %swap3A_264 = vector.shape_cast %swap3A_263 : vector<1x16xf32> to vector<16xf32>
        %swap3A_265 = vector.shape_cast %mul3A_260 : vector<16xf32> to vector<1x16xf32>
        tpu.vector_store %arg11[%swap3A_261, %swap3A_262], %swap3A_265 {strides = array<i32>} : memref<128x128xf32, #tpu.memory_space<vmem>>, vector<1x16xf32>,
        %get3A_266 = arith.index_cast %add3A_195 : i32 to index
        %get3A_267 = arith.constant 96 : index
        %get3A_268 = tpu.vector_load %arg8[%get3A_266, %get3A_267] {strides = array<i32>} : memref<128x128xf32, #tpu.memory_space<vmem>>, vector<1x16xf32>,
        %get3A_269 = vector.shape_cast %get3A_268 : vector<1x16xf32> to vector<16xf32>
        %mul3A_270 = arith.constant 11.3137083 : f32
        %mul3A_271 = vector.broadcast %mul3A_270 : f32 to vector<16xf32>
        %mul3A_272 = arith.mulf %get3A_269, %mul3A_271 : vector<16xf32>
        %swap3A_273 = arith.index_cast %add3A_195 : i32 to index
        %swap3A_274 = arith.constant 96 : index
        %swap3A_275 = tpu.vector_load %arg11[%swap3A_273, %swap3A_274] {strides = array<i32>} : memref<128x128xf32, #tpu.memory_space<vmem>>, vector<1x16xf32>,
        %swap3A_276 = vector.shape_cast %swap3A_275 : vector<1x16xf32> to vector<16xf32>
        %swap3A_277 = vector.shape_cast %mul3A_272 : vector<16xf32> to vector<1x16xf32>
        tpu.vector_store %arg11[%swap3A_273, %swap3A_274], %swap3A_277 {strides = array<i32>} : memref<128x128xf32, #tpu.memory_space<vmem>>, vector<1x16xf32>,
        %get3A_278 = arith.index_cast %add3A_195 : i32 to index
        %get3A_279 = arith.constant 112 : index
        %get3A_280 = tpu.vector_load %arg8[%get3A_278, %get3A_279] {strides = array<i32>} : memref<128x128xf32, #tpu.memory_space<vmem>>, vector<1x16xf32>,
        %get3A_281 = vector.shape_cast %get3A_280 : vector<1x16xf32> to vector<16xf32>
        %mul3A_282 = arith.constant 11.3137083 : f32
        %mul3A_283 = vector.broadcast %mul3A_282 : f32 to vector<16xf32>
        %mul3A_284 = arith.mulf %get3A_281, %mul3A_283 : vector<16xf32>
        %swap3A_285 = arith.index_cast %add3A_195 : i32 to index
        %swap3A_286 = arith.constant 112 : index
        %swap3A_287 = tpu.vector_load %arg11[%swap3A_285, %swap3A_286] {strides = array<i32>} : memref<128x128xf32, #tpu.memory_space<vmem>>, vector<1x16xf32>,
        %swap3A_288 = vector.shape_cast %swap3A_287 : vector<1x16xf32> to vector<16xf32>
        %swap3A_289 = vector.shape_cast %mul3A_284 : vector<16xf32> to vector<1x16xf32>
        tpu.vector_store %arg11[%swap3A_285, %swap3A_286], %swap3A_289 {strides = array<i32>} : memref<128x128xf32, #tpu.memory_space<vmem>>, vector<1x16xf32>,
        %mul3A_290 = arith.constant 4 : i32
        %mul3A_291 = arith.muli %scan3A_191, %mul3A_290 : i32
        %add3A_292 = arith.constant 1 : i32
        %add3A_293 = arith.addi %mul3A_291, %add3A_292 : i32
        %get3A_294 = arith.index_cast %add3A_293 : i32 to index
        %get3A_295 = arith.constant 0 : index
        %get3A_296 = tpu.vector_load %arg8[%get3A_294, %get3A_295] {strides = array<i32>} : memref<128x128xf32, #tpu.memory_space<vmem>>, vector<1x16xf32>,
        %get3A_297 = vector.shape_cast %get3A_296 : vector<1x16xf32> to vector<16xf32>
        %mul3A_298 = arith.constant 11.3137083 : f32
        %mul3A_299 = vector.broadcast %mul3A_298 : f32 to vector<16xf32>
        %mul3A_300 = arith.mulf %get3A_297, %mul3A_299 : vector<16xf32>
        %swap3A_301 = arith.index_cast %add3A_293 : i32 to index
        %swap3A_302 = arith.constant 0 : index
        %swap3A_303 = tpu.vector_load %arg11[%swap3A_301, %swap3A_302] {strides = array<i32>} : memref<128x128xf32, #tpu.memory_space<vmem>>, vector<1x16xf32>,
        %swap3A_304 = vector.shape_cast %swap3A_303 : vector<1x16xf32> to vector<16xf32>
        %swap3A_305 = vector.shape_cast %mul3A_300 : vector<16xf32> to vector<1x16xf32>
        tpu.vector_store %arg11[%swap3A_301, %swap3A_302], %swap3A_305 {strides = array<i32>} : memref<128x128xf32, #tpu.memory_space<vmem>>, vector<1x16xf32>,
        %get3A_306 = arith.index_cast %add3A_293 : i32 to index
        %get3A_307 = arith.constant 16 : index
        %get3A_308 = tpu.vector_load %arg8[%get3A_306, %get3A_307] {strides = array<i32>} : memref<128x128xf32, #tpu.memory_space<vmem>>, vector<1x16xf32>,
        %get3A_309 = vector.shape_cast %get3A_308 : vector<1x16xf32> to vector<16xf32>
        %mul3A_310 = arith.constant 11.3137083 : f32
        %mul3A_311 = vector.broadcast %mul3A_310 : f32 to vector<16xf32>
        %mul3A_312 = arith.mulf %get3A_309, %mul3A_311 : vector<16xf32>
        %swap3A_313 = arith.index_cast %add3A_293 : i32 to index
        %swap3A_314 = arith.constant 16 : index
        %swap3A_315 = tpu.vector_load %arg11[%swap3A_313, %swap3A_314] {strides = array<i32>} : memref<128x128xf32, #tpu.memory_space<vmem>>, vector<1x16xf32>,
        %swap3A_316 = vector.shape_cast %swap3A_315 : vector<1x16xf32> to vector<16xf32>
        %swap3A_317 = vector.shape_cast %mul3A_312 : vector<16xf32> to vector<1x16xf32>
        tpu.vector_store %arg11[%swap3A_313, %swap3A_314], %swap3A_317 {strides = array<i32>} : memref<128x128xf32, #tpu.memory_space<vmem>>, vector<1x16xf32>,
        %get3A_318 = arith.index_cast %add3A_293 : i32 to index
        %get3A_319 = arith.constant 32 : index
        %get3A_320 = tpu.vector_load %arg8[%get3A_318, %get3A_319] {strides = array<i32>} : memref<128x128xf32, #tpu.memory_space<vmem>>, vector<1x16xf32>,
        %get3A_321 = vector.shape_cast %get3A_320 : vector<1x16xf32> to vector<16xf32>
        %mul3A_322 = arith.constant 11.3137083 : f32
        %mul3A_323 = vector.broadcast %mul3A_322 : f32 to vector<16xf32>
        %mul3A_324 = arith.mulf %get3A_321, %mul3A_323 : vector<16xf32>
        %swap3A_325 = arith.index_cast %add3A_293 : i32 to index
        %swap3A_326 = arith.constant 32 : index
        %swap3A_327 = tpu.vector_load %arg11[%swap3A_325, %swap3A_326] {strides = array<i32>} : memref<128x128xf32, #tpu.memory_space<vmem>>, vector<1x16xf32>,
        %swap3A_328 = vector.shape_cast %swap3A_327 : vector<1x16xf32> to vector<16xf32>
        %swap3A_329 = vector.shape_cast %mul3A_324 : vector<16xf32> to vector<1x16xf32>
        tpu.vector_store %arg11[%swap3A_325, %swap3A_326], %swap3A_329 {strides = array<i32>} : memref<128x128xf32, #tpu.memory_space<vmem>>, vector<1x16xf32>,
        %get3A_330 = arith.index_cast %add3A_293 : i32 to index
        %get3A_331 = arith.constant 48 : index
        %get3A_332 = tpu.vector_load %arg8[%get3A_330, %get3A_331] {strides = array<i32>} : memref<128x128xf32, #tpu.memory_space<vmem>>, vector<1x16xf32>,
        %get3A_333 = vector.shape_cast %get3A_332 : vector<1x16xf32> to vector<16xf32>
        %mul3A_334 = arith.constant 11.3137083 : f32
        %mul3A_335 = vector.broadcast %mul3A_334 : f32 to vector<16xf32>
        %mul3A_336 = arith.mulf %get3A_333, %mul3A_335 : vector<16xf32>
        %swap3A_337 = arith.index_cast %add3A_293 : i32 to index
        %swap3A_338 = arith.constant 48 : index
        %swap3A_339 = tpu.vector_load %arg11[%swap3A_337, %swap3A_338] {strides = array<i32>} : memref<128x128xf32, #tpu.memory_space<vmem>>, vector<1x16xf32>,
        %swap3A_340 = vector.shape_cast %swap3A_339 : vector<1x16xf32> to vector<16xf32>
        %swap3A_341 = vector.shape_cast %mul3A_336 : vector<16xf32> to vector<1x16xf32>
        tpu.vector_store %arg11[%swap3A_337, %swap3A_338], %swap3A_341 {strides = array<i32>} : memref<128x128xf32, #tpu.memory_space<vmem>>, vector<1x16xf32>,
        %get3A_342 = arith.index_cast %add3A_293 : i32 to index
        %get3A_343 = arith.constant 64 : index
        %get3A_344 = tpu.vector_load %arg8[%get3A_342, %get3A_343] {strides = array<i32>} : memref<128x128xf32, #tpu.memory_space<vmem>>, vector<1x16xf32>,
        %get3A_345 = vector.shape_cast %get3A_344 : vector<1x16xf32> to vector<16xf32>
        %mul3A_346 = arith.constant 11.3137083 : f32
        %mul3A_347 = vector.broadcast %mul3A_346 : f32 to vector<16xf32>
        %mul3A_348 = arith.mulf %get3A_345, %mul3A_347 : vector<16xf32>
        %swap3A_349 = arith.index_cast %add3A_293 : i32 to index
        %swap3A_350 = arith.constant 64 : index
        %swap3A_351 = tpu.vector_load %arg11[%swap3A_349, %swap3A_350] {strides = array<i32>} : memref<128x128xf32, #tpu.memory_space<vmem>>, vector<1x16xf32>,
        %swap3A_352 = vector.shape_cast %swap3A_351 : vector<1x16xf32> to vector<16xf32>
        %swap3A_353 = vector.shape_cast %mul3A_348 : vector<16xf32> to vector<1x16xf32>
        tpu.vector_store %arg11[%swap3A_349, %swap3A_350], %swap3A_353 {strides = array<i32>} : memref<128x128xf32, #tpu.memory_space<vmem>>, vector<1x16xf32>,
        %get3A_354 = arith.index_cast %add3A_293 : i32 to index
        %get3A_355 = arith.constant 80 : index
        %get3A_356 = tpu.vector_load %arg8[%get3A_354, %get3A_355] {strides = array<i32>} : memref<128x128xf32, #tpu.memory_space<vmem>>, vector<1x16xf32>,
        %get3A_357 = vector.shape_cast %get3A_356 : vector<1x16xf32> to vector<16xf32>
        %mul3A_358 = arith.constant 11.3137083 : f32
        %mul3A_359 = vector.broadcast %mul3A_358 : f32 to vector<16xf32>
        %mul3A_360 = arith.mulf %get3A_357, %mul3A_359 : vector<16xf32>
        %swap3A_361 = arith.index_cast %add3A_293 : i32 to index
        %swap3A_362 = arith.constant 80 : index
        %swap3A_363 = tpu.vector_load %arg11[%swap3A_361, %swap3A_362] {strides = array<i32>} : memref<128x128xf32, #tpu.memory_space<vmem>>, vector<1x16xf32>,
        %swap3A_364 = vector.shape_cast %swap3A_363 : vector<1x16xf32> to vector<16xf32>
        %swap3A_365 = vector.shape_cast %mul3A_360 : vector<16xf32> to vector<1x16xf32>
        tpu.vector_store %arg11[%swap3A_361, %swap3A_362], %swap3A_365 {strides = array<i32>} : memref<128x128xf32, #tpu.memory_space<vmem>>, vector<1x16xf32>,
        %get3A_366 = arith.index_cast %add3A_293 : i32 to index
        %get3A_367 = arith.constant 96 : index
        %get3A_368 = tpu.vector_load %arg8[%get3A_366, %get3A_367] {strides = array<i32>} : memref<128x128xf32, #tpu.memory_space<vmem>>, vector<1x16xf32>,
        %get3A_369 = vector.shape_cast %get3A_368 : vector<1x16xf32> to vector<16xf32>
        %mul3A_370 = arith.constant 11.3137083 : f32
        %mul3A_371 = vector.broadcast %mul3A_370 : f32 to vector<16xf32>
        %mul3A_372 = arith.mulf %get3A_369, %mul3A_371 : vector<16xf32>
        %swap3A_373 = arith.index_cast %add3A_293 : i32 to index
        %swap3A_374 = arith.constant 96 : index
        %swap3A_375 = tpu.vector_load %arg11[%swap3A_373, %swap3A_374] {strides = array<i32>} : memref<128x128xf32, #tpu.memory_space<vmem>>, vector<1x16xf32>,
        %swap3A_376 = vector.shape_cast %swap3A_375 : vector<1x16xf32> to vector<16xf32>
        %swap3A_377 = vector.shape_cast %mul3A_372 : vector<16xf32> to vector<1x16xf32>
        tpu.vector_store %arg11[%swap3A_373, %swap3A_374], %swap3A_377 {strides = array<i32>} : memref<128x128xf32, #tpu.memory_space<vmem>>, vector<1x16xf32>,
        %get3A_378 = arith.index_cast %add3A_293 : i32 to index
        %get3A_379 = arith.constant 112 : index
        %get3A_380 = tpu.vector_load %arg8[%get3A_378, %get3A_379] {strides = array<i32>} : memref<128x128xf32, #tpu.memory_space<vmem>>, vector<1x16xf32>,
        %get3A_381 = vector.shape_cast %get3A_380 : vector<1x16xf32> to vector<16xf32>
        %mul3A_382 = arith.constant 11.3137083 : f32
        %mul3A_383 = vector.broadcast %mul3A_382 : f32 to vector<16xf32>
        %mul3A_384 = arith.mulf %get3A_381, %mul3A_383 : vector<16xf32>
        %swap3A_385 = arith.index_cast %add3A_293 : i32 to index
        %swap3A_386 = arith.constant 112 : index
        %swap3A_387 = tpu.vector_load %arg11[%swap3A_385, %swap3A_386] {strides = array<i32>} : memref<128x128xf32, #tpu.memory_space<vmem>>, vector<1x16xf32>,
        %swap3A_388 = vector.shape_cast %swap3A_387 : vector<1x16xf32> to vector<16xf32>
        %swap3A_389 = vector.shape_cast %mul3A_384 : vector<16xf32> to vector<1x16xf32>
        tpu.vector_store %arg11[%swap3A_385, %swap3A_386], %swap3A_389 {strides = array<i32>} : memref<128x128xf32, #tpu.memory_space<vmem>>, vector<1x16xf32>,
        %mul3A_390 = arith.constant 4 : i32
        %mul3A_391 = arith.muli %scan3A_191, %mul3A_390 : i32
        %add3A_392 = arith.constant 2 : i32
        %add3A_393 = arith.addi %mul3A_391, %add3A_392 : i32
        %get3A_394 = arith.index_cast %add3A_393 : i32 to index
        %get3A_395 = arith.constant 0 : index
        %get3A_396 = tpu.vector_load %arg8[%get3A_394, %get3A_395] {strides = array<i32>} : memref<128x128xf32, #tpu.memory_space<vmem>>, vector<1x16xf32>,
        %get3A_397 = vector.shape_cast %get3A_396 : vector<1x16xf32> to vector<16xf32>
        %mul3A_398 = arith.constant 11.3137083 : f32
        %mul3A_399 = vector.broadcast %mul3A_398 : f32 to vector<16xf32>
        %mul3A_400 = arith.mulf %get3A_397, %mul3A_399 : vector<16xf32>
        %swap3A_401 = arith.index_cast %add3A_393 : i32 to index
        %swap3A_402 = arith.constant 0 : index
        %swap3A_403 = tpu.vector_load %arg11[%swap3A_401, %swap3A_402] {strides = array<i32>} : memref<128x128xf32, #tpu.memory_space<vmem>>, vector<1x16xf32>,
        %swap3A_404 = vector.shape_cast %swap3A_403 : vector<1x16xf32> to vector<16xf32>
        %swap3A_405 = vector.shape_cast %mul3A_400 : vector<16xf32> to vector<1x16xf32>
        tpu.vector_store %arg11[%swap3A_401, %swap3A_402], %swap3A_405 {strides = array<i32>} : memref<128x128xf32, #tpu.memory_space<vmem>>, vector<1x16xf32>,
        %get3A_406 = arith.index_cast %add3A_393 : i32 to index
        %get3A_407 = arith.constant 16 : index
        %get3A_408 = tpu.vector_load %arg8[%get3A_406, %get3A_407] {strides = array<i32>} : memref<128x128xf32, #tpu.memory_space<vmem>>, vector<1x16xf32>,
        %get3A_409 = vector.shape_cast %get3A_408 : vector<1x16xf32> to vector<16xf32>
        %mul3A_410 = arith.constant 11.3137083 : f32
        %mul3A_411 = vector.broadcast %mul3A_410 : f32 to vector<16xf32>
        %mul3A_412 = arith.mulf %get3A_409, %mul3A_411 : vector<16xf32>
        %swap3A_413 = arith.index_cast %add3A_393 : i32 to index
        %swap3A_414 = arith.constant 16 : index
        %swap3A_415 = tpu.vector_load %arg11[%swap3A_413, %swap3A_414] {strides = array<i32>} : memref<128x128xf32, #tpu.memory_space<vmem>>, vector<1x16xf32>,
        %swap3A_416 = vector.shape_cast %swap3A_415 : vector<1x16xf32> to vector<16xf32>
        %swap3A_417 = vector.shape_cast %mul3A_412 : vector<16xf32> to vector<1x16xf32>
        tpu.vector_store %arg11[%swap3A_413, %swap3A_414], %swap3A_417 {strides = array<i32>} : memref<128x128xf32, #tpu.memory_space<vmem>>, vector<1x16xf32>,
        %get3A_418 = arith.index_cast %add3A_393 : i32 to index
        %get3A_419 = arith.constant 32 : index
        %get3A_420 = tpu.vector_load %arg8[%get3A_418, %get3A_419] {strides = array<i32>} : memref<128x128xf32, #tpu.memory_space<vmem>>, vector<1x16xf32>,
        %get3A_421 = vector.shape_cast %get3A_420 : vector<1x16xf32> to vector<16xf32>
        %mul3A_422 = arith.constant 11.3137083 : f32
        %mul3A_423 = vector.broadcast %mul3A_422 : f32 to vector<16xf32>
        %mul3A_424 = arith.mulf %get3A_421, %mul3A_423 : vector<16xf32>
        %swap3A_425 = arith.index_cast %add3A_393 : i32 to index
        %swap3A_426 = arith.constant 32 : index
        %swap3A_427 = tpu.vector_load %arg11[%swap3A_425, %swap3A_426] {strides = array<i32>} : memref<128x128xf32, #tpu.memory_space<vmem>>, vector<1x16xf32>,
        %swap3A_428 = vector.shape_cast %swap3A_427 : vector<1x16xf32> to vector<16xf32>
        %swap3A_429 = vector.shape_cast %mul3A_424 : vector<16xf32> to vector<1x16xf32>
        tpu.vector_store %arg11[%swap3A_425, %swap3A_426], %swap3A_429 {strides = array<i32>} : memref<128x128xf32, #tpu.memory_space<vmem>>, vector<1x16xf32>,
        %get3A_430 = arith.index_cast %add3A_393 : i32 to index
        %get3A_431 = arith.constant 48 : index
        %get3A_432 = tpu.vector_load %arg8[%get3A_430, %get3A_431] {strides = array<i32>} : memref<128x128xf32, #tpu.memory_space<vmem>>, vector<1x16xf32>,
        %get3A_433 = vector.shape_cast %get3A_432 : vector<1x16xf32> to vector<16xf32>
        %mul3A_434 = arith.constant 11.3137083 : f32
        %mul3A_435 = vector.broadcast %mul3A_434 : f32 to vector<16xf32>
        %mul3A_436 = arith.mulf %get3A_433, %mul3A_435 : vector<16xf32>
        %swap3A_437 = arith.index_cast %add3A_393 : i32 to index
        %swap3A_438 = arith.constant 48 : index
        %swap3A_439 = tpu.vector_load %arg11[%swap3A_437, %swap3A_438] {strides = array<i32>} : memref<128x128xf32, #tpu.memory_space<vmem>>, vector<1x16xf32>,
        %swap3A_440 = vector.shape_cast %swap3A_439 : vector<1x16xf32> to vector<16xf32>
        %swap3A_441 = vector.shape_cast %mul3A_436 : vector<16xf32> to vector<1x16xf32>
        tpu.vector_store %arg11[%swap3A_437, %swap3A_438], %swap3A_441 {strides = array<i32>} : memref<128x128xf32, #tpu.memory_space<vmem>>, vector<1x16xf32>,
        %get3A_442 = arith.index_cast %add3A_393 : i32 to index
        %get3A_443 = arith.constant 64 : index
        %get3A_444 = tpu.vector_load %arg8[%get3A_442, %get3A_443] {strides = array<i32>} : memref<128x128xf32, #tpu.memory_space<vmem>>, vector<1x16xf32>,
        %get3A_445 = vector.shape_cast %get3A_444 : vector<1x16xf32> to vector<16xf32>
        %mul3A_446 = arith.constant 11.3137083 : f32
        %mul3A_447 = vector.broadcast %mul3A_446 : f32 to vector<16xf32>
        %mul3A_448 = arith.mulf %get3A_445, %mul3A_447 : vector<16xf32>
        %swap3A_449 = arith.index_cast %add3A_393 : i32 to index
        %swap3A_450 = arith.constant 64 : index
        %swap3A_451 = tpu.vector_load %arg11[%swap3A_449, %swap3A_450] {strides = array<i32>} : memref<128x128xf32, #tpu.memory_space<vmem>>, vector<1x16xf32>,
        %swap3A_452 = vector.shape_cast %swap3A_451 : vector<1x16xf32> to vector<16xf32>
        %swap3A_453 = vector.shape_cast %mul3A_448 : vector<16xf32> to vector<1x16xf32>
        tpu.vector_store %arg11[%swap3A_449, %swap3A_450], %swap3A_453 {strides = array<i32>} : memref<128x128xf32, #tpu.memory_space<vmem>>, vector<1x16xf32>,
        %get3A_454 = arith.index_cast %add3A_393 : i32 to index
        %get3A_455 = arith.constant 80 : index
        %get3A_456 = tpu.vector_load %arg8[%get3A_454, %get3A_455] {strides = array<i32>} : memref<128x128xf32, #tpu.memory_space<vmem>>, vector<1x16xf32>,
        %get3A_457 = vector.shape_cast %get3A_456 : vector<1x16xf32> to vector<16xf32>
        %mul3A_458 = arith.constant 11.3137083 : f32
        %mul3A_459 = vector.broadcast %mul3A_458 : f32 to vector<16xf32>
        %mul3A_460 = arith.mulf %get3A_457, %mul3A_459 : vector<16xf32>
        %swap3A_461 = arith.index_cast %add3A_393 : i32 to index
        %swap3A_462 = arith.constant 80 : index
        %swap3A_463 = tpu.vector_load %arg11[%swap3A_461, %swap3A_462] {strides = array<i32>} : memref<128x128xf32, #tpu.memory_space<vmem>>, vector<1x16xf32>,
        %swap3A_464 = vector.shape_cast %swap3A_463 : vector<1x16xf32> to vector<16xf32>
        %swap3A_465 = vector.shape_cast %mul3A_460 : vector<16xf32> to vector<1x16xf32>
        tpu.vector_store %arg11[%swap3A_461, %swap3A_462], %swap3A_465 {strides = array<i32>} : memref<128x128xf32, #tpu.memory_space<vmem>>, vector<1x16xf32>,
        %get3A_466 = arith.index_cast %add3A_393 : i32 to index
        %get3A_467 = arith.constant 96 : index
        %get3A_468 = tpu.vector_load %arg8[%get3A_466, %get3A_467] {strides = array<i32>} : memref<128x128xf32, #tpu.memory_space<vmem>>, vector<1x16xf32>,
        %get3A_469 = vector.shape_cast %get3A_468 : vector<1x16xf32> to vector<16xf32>
        %mul3A_470 = arith.constant 11.3137083 : f32
        %mul3A_471 = vector.broadcast %mul3A_470 : f32 to vector<16xf32>
        %mul3A_472 = arith.mulf %get3A_469, %mul3A_471 : vector<16xf32>
        %swap3A_473 = arith.index_cast %add3A_393 : i32 to index
        %swap3A_474 = arith.constant 96 : index
        %swap3A_475 = tpu.vector_load %arg11[%swap3A_473, %swap3A_474] {strides = array<i32>} : memref<128x128xf32, #tpu.memory_space<vmem>>, vector<1x16xf32>,
        %swap3A_476 = vector.shape_cast %swap3A_475 : vector<1x16xf32> to vector<16xf32>
        %swap3A_477 = vector.shape_cast %mul3A_472 : vector<16xf32> to vector<1x16xf32>
        tpu.vector_store %arg11[%swap3A_473, %swap3A_474], %swap3A_477 {strides = array<i32>} : memref<128x128xf32, #tpu.memory_space<vmem>>, vector<1x16xf32>,
        %get3A_478 = arith.index_cast %add3A_393 : i32 to index
        %get3A_479 = arith.constant 112 : index
        %get3A_480 = tpu.vector_load %arg8[%get3A_478, %get3A_479] {strides = array<i32>} : memref<128x128xf32, #tpu.memory_space<vmem>>, vector<1x16xf32>,
        %get3A_481 = vector.shape_cast %get3A_480 : vector<1x16xf32> to vector<16xf32>
        %mul3A_482 = arith.constant 11.3137083 : f32
        %mul3A_483 = vector.broadcast %mul3A_482 : f32 to vector<16xf32>
        %mul3A_484 = arith.mulf %get3A_481, %mul3A_483 : vector<16xf32>
        %swap3A_485 = arith.index_cast %add3A_393 : i32 to index
        %swap3A_486 = arith.constant 112 : index
        %swap3A_487 = tpu.vector_load %arg11[%swap3A_485, %swap3A_486] {strides = array<i32>} : memref<128x128xf32, #tpu.memory_space<vmem>>, vector<1x16xf32>,
        %swap3A_488 = vector.shape_cast %swap3A_487 : vector<1x16xf32> to vector<16xf32>
        %swap3A_489 = vector.shape_cast %mul3A_484 : vector<16xf32> to vector<1x16xf32>
        tpu.vector_store %arg11[%swap3A_485, %swap3A_486], %swap3A_489 {strides = array<i32>} : memref<128x128xf32, #tpu.memory_space<vmem>>, vector<1x16xf32>,
        %mul3A_490 = arith.constant 4 : i32
        %mul3A_491 = arith.muli %scan3A_191, %mul3A_490 : i32
        %add3A_492 = arith.constant 3 : i32
        %add3A_493 = arith.addi %mul3A_491, %add3A_492 : i32
        %get3A_494 = arith.index_cast %add3A_493 : i32 to index
        %get3A_495 = arith.constant 0 : index
        %get3A_496 = tpu.vector_load %arg8[%get3A_494, %get3A_495] {strides = array<i32>} : memref<128x128xf32, #tpu.memory_space<vmem>>, vector<1x16xf32>,
        %get3A_497 = vector.shape_cast %get3A_496 : vector<1x16xf32> to vector<16xf32>
        %mul3A_498 = arith.constant 11.3137083 : f32
        %mul3A_499 = vector.broadcast %mul3A_498 : f32 to vector<16xf32>
        %mul3A_500 = arith.mulf %get3A_497, %mul3A_499 : vector<16xf32>
        %swap3A_501 = arith.index_cast %add3A_493 : i32 to index
        %swap3A_502 = arith.constant 0 : index
        %swap3A_503 = tpu.vector_load %arg11[%swap3A_501, %swap3A_502] {strides = array<i32>} : memref<128x128xf32, #tpu.memory_space<vmem>>, vector<1x16xf32>,
        %swap3A_504 = vector.shape_cast %swap3A_503 : vector<1x16xf32> to vector<16xf32>
        %swap3A_505 = vector.shape_cast %mul3A_500 : vector<16xf32> to vector<1x16xf32>
        tpu.vector_store %arg11[%swap3A_501, %swap3A_502], %swap3A_505 {strides = array<i32>} : memref<128x128xf32, #tpu.memory_space<vmem>>, vector<1x16xf32>,
        %get3A_506 = arith.index_cast %add3A_493 : i32 to index
        %get3A_507 = arith.constant 16 : index
        %get3A_508 = tpu.vector_load %arg8[%get3A_506, %get3A_507] {strides = array<i32>} : memref<128x128xf32, #tpu.memory_space<vmem>>, vector<1x16xf32>,
        %get3A_509 = vector.shape_cast %get3A_508 : vector<1x16xf32> to vector<16xf32>
        %mul3A_510 = arith.constant 11.3137083 : f32
        %mul3A_511 = vector.broadcast %mul3A_510 : f32 to vector<16xf32>
        %mul3A_512 = arith.mulf %get3A_509, %mul3A_511 : vector<16xf32>
        %swap3A_513 = arith.index_cast %add3A_493 : i32 to index
        %swap3A_514 = arith.constant 16 : index
        %swap3A_515 = tpu.vector_load %arg11[%swap3A_513, %swap3A_514] {strides = array<i32>} : memref<128x128xf32, #tpu.memory_space<vmem>>, vector<1x16xf32>,
        %swap3A_516 = vector.shape_cast %swap3A_515 : vector<1x16xf32> to vector<16xf32>
        %swap3A_517 = vector.shape_cast %mul3A_512 : vector<16xf32> to vector<1x16xf32>
        tpu.vector_store %arg11[%swap3A_513, %swap3A_514], %swap3A_517 {strides = array<i32>} : memref<128x128xf32, #tpu.memory_space<vmem>>, vector<1x16xf32>,
        %get3A_518 = arith.index_cast %add3A_493 : i32 to index
        %get3A_519 = arith.constant 32 : index
        %get3A_520 = tpu.vector_load %arg8[%get3A_518, %get3A_519] {strides = array<i32>} : memref<128x128xf32, #tpu.memory_space<vmem>>, vector<1x16xf32>,
        %get3A_521 = vector.shape_cast %get3A_520 : vector<1x16xf32> to vector<16xf32>
        %mul3A_522 = arith.constant 11.3137083 : f32
        %mul3A_523 = vector.broadcast %mul3A_522 : f32 to vector<16xf32>
        %mul3A_524 = arith.mulf %get3A_521, %mul3A_523 : vector<16xf32>
        %swap3A_525 = arith.index_cast %add3A_493 : i32 to index
        %swap3A_526 = arith.constant 32 : index
        %swap3A_527 = tpu.vector_load %arg11[%swap3A_525, %swap3A_526] {strides = array<i32>} : memref<128x128xf32, #tpu.memory_space<vmem>>, vector<1x16xf32>,
        %swap3A_528 = vector.shape_cast %swap3A_527 : vector<1x16xf32> to vector<16xf32>
        %swap3A_529 = vector.shape_cast %mul3A_524 : vector<16xf32> to vector<1x16xf32>
        tpu.vector_store %arg11[%swap3A_525, %swap3A_526], %swap3A_529 {strides = array<i32>} : memref<128x128xf32, #tpu.memory_space<vmem>>, vector<1x16xf32>,
        %get3A_530 = arith.index_cast %add3A_493 : i32 to index
        %get3A_531 = arith.constant 48 : index
        %get3A_532 = tpu.vector_load %arg8[%get3A_530, %get3A_531] {strides = array<i32>} : memref<128x128xf32, #tpu.memory_space<vmem>>, vector<1x16xf32>,
        %get3A_533 = vector.shape_cast %get3A_532 : vector<1x16xf32> to vector<16xf32>
        %mul3A_534 = arith.constant 11.3137083 : f32
        %mul3A_535 = vector.broadcast %mul3A_534 : f32 to vector<16xf32>
        %mul3A_536 = arith.mulf %get3A_533, %mul3A_535 : vector<16xf32>
        %swap3A_537 = arith.index_cast %add3A_493 : i32 to index
        %swap3A_538 = arith.constant 48 : index
        %swap3A_539 = tpu.vector_load %arg11[%swap3A_537, %swap3A_538] {strides = array<i32>} : memref<128x128xf32, #tpu.memory_space<vmem>>, vector<1x16xf32>,
        %swap3A_540 = vector.shape_cast %swap3A_539 : vector<1x16xf32> to vector<16xf32>
        %swap3A_541 = vector.shape_cast %mul3A_536 : vector<16xf32> to vector<1x16xf32>
        tpu.vector_store %arg11[%swap3A_537, %swap3A_538], %swap3A_541 {strides = array<i32>} : memref<128x128xf32, #tpu.memory_space<vmem>>, vector<1x16xf32>,
        %get3A_542 = arith.index_cast %add3A_493 : i32 to index
        %get3A_543 = arith.constant 64 : index
        %get3A_544 = tpu.vector_load %arg8[%get3A_542, %get3A_543] {strides = array<i32>} : memref<128x128xf32, #tpu.memory_space<vmem>>, vector<1x16xf32>,
        %get3A_545 = vector.shape_cast %get3A_544 : vector<1x16xf32> to vector<16xf32>
        %mul3A_546 = arith.constant 11.3137083 : f32
        %mul3A_547 = vector.broadcast %mul3A_546 : f32 to vector<16xf32>
        %mul3A_548 = arith.mulf %get3A_545, %mul3A_547 : vector<16xf32>
        %swap3A_549 = arith.index_cast %add3A_493 : i32 to index
        %swap3A_550 = arith.constant 64 : index
        %swap3A_551 = tpu.vector_load %arg11[%swap3A_549, %swap3A_550] {strides = array<i32>} : memref<128x128xf32, #tpu.memory_space<vmem>>, vector<1x16xf32>,
        %swap3A_552 = vector.shape_cast %swap3A_551 : vector<1x16xf32> to vector<16xf32>
        %swap3A_553 = vector.shape_cast %mul3A_548 : vector<16xf32> to vector<1x16xf32>
        tpu.vector_store %arg11[%swap3A_549, %swap3A_550], %swap3A_553 {strides = array<i32>} : memref<128x128xf32, #tpu.memory_space<vmem>>, vector<1x16xf32>,
        %get3A_554 = arith.index_cast %add3A_493 : i32 to index
        %get3A_555 = arith.constant 80 : index
        %get3A_556 = tpu.vector_load %arg8[%get3A_554, %get3A_555] {strides = array<i32>} : memref<128x128xf32, #tpu.memory_space<vmem>>, vector<1x16xf32>,
        %get3A_557 = vector.shape_cast %get3A_556 : vector<1x16xf32> to vector<16xf32>
        %mul3A_558 = arith.constant 11.3137083 : f32
        %mul3A_559 = vector.broadcast %mul3A_558 : f32 to vector<16xf32>
        %mul3A_560 = arith.mulf %get3A_557, %mul3A_559 : vector<16xf32>
        %swap3A_561 = arith.index_cast %add3A_493 : i32 to index
        %swap3A_562 = arith.constant 80 : index
        %swap3A_563 = tpu.vector_load %arg11[%swap3A_561, %swap3A_562] {strides = array<i32>} : memref<128x128xf32, #tpu.memory_space<vmem>>, vector<1x16xf32>,
        %swap3A_564 = vector.shape_cast %swap3A_563 : vector<1x16xf32> to vector<16xf32>
        %swap3A_565 = vector.shape_cast %mul3A_560 : vector<16xf32> to vector<1x16xf32>
        tpu.vector_store %arg11[%swap3A_561, %swap3A_562], %swap3A_565 {strides = array<i32>} : memref<128x128xf32, #tpu.memory_space<vmem>>, vector<1x16xf32>,
        %get3A_566 = arith.index_cast %add3A_493 : i32 to index
        %get3A_567 = arith.constant 96 : index
        %get3A_568 = tpu.vector_load %arg8[%get3A_566, %get3A_567] {strides = array<i32>} : memref<128x128xf32, #tpu.memory_space<vmem>>, vector<1x16xf32>,
        %get3A_569 = vector.shape_cast %get3A_568 : vector<1x16xf32> to vector<16xf32>
        %mul3A_570 = arith.constant 11.3137083 : f32
        %mul3A_571 = vector.broadcast %mul3A_570 : f32 to vector<16xf32>
        %mul3A_572 = arith.mulf %get3A_569, %mul3A_571 : vector<16xf32>
        %swap3A_573 = arith.index_cast %add3A_493 : i32 to index
        %swap3A_574 = arith.constant 96 : index
        %swap3A_575 = tpu.vector_load %arg11[%swap3A_573, %swap3A_574] {strides = array<i32>} : memref<128x128xf32, #tpu.memory_space<vmem>>, vector<1x16xf32>,
        %swap3A_576 = vector.shape_cast %swap3A_575 : vector<1x16xf32> to vector<16xf32>
        %swap3A_577 = vector.shape_cast %mul3A_572 : vector<16xf32> to vector<1x16xf32>
        tpu.vector_store %arg11[%swap3A_573, %swap3A_574], %swap3A_577 {strides = array<i32>} : memref<128x128xf32, #tpu.memory_space<vmem>>, vector<1x16xf32>,
        %get3A_578 = arith.index_cast %add3A_493 : i32 to index
        %get3A_579 = arith.constant 112 : index
        %get3A_580 = tpu.vector_load %arg8[%get3A_578, %get3A_579] {strides = array<i32>} : memref<128x128xf32, #tpu.memory_space<vmem>>, vector<1x16xf32>,
        %get3A_581 = vector.shape_cast %get3A_580 : vector<1x16xf32> to vector<16xf32>
        %mul3A_582 = arith.constant 11.3137083 : f32
        %mul3A_583 = vector.broadcast %mul3A_582 : f32 to vector<16xf32>
        %mul3A_584 = arith.mulf %get3A_581, %mul3A_583 : vector<16xf32>
        %swap3A_585 = arith.index_cast %add3A_493 : i32 to index
        %swap3A_586 = arith.constant 112 : index
        %swap3A_587 = tpu.vector_load %arg11[%swap3A_585, %swap3A_586] {strides = array<i32>} : memref<128x128xf32, #tpu.memory_space<vmem>>, vector<1x16xf32>,
        %swap3A_588 = vector.shape_cast %swap3A_587 : vector<1x16xf32> to vector<16xf32>
        %swap3A_589 = vector.shape_cast %mul3A_584 : vector<16xf32> to vector<1x16xf32>
        tpu.vector_store %arg11[%swap3A_585, %swap3A_586], %swap3A_589 {strides = array<i32>} : memref<128x128xf32, #tpu.memory_space<vmem>>, vector<1x16xf32>,
      }
      %scan3A_176 = arith.constant 32 : i32
      %add3A_177 = arith.constant 3 : i32
      %add3A_178 = arith.addi %add3A_159, %add3A_177 : i32
      %lt3A_179 = arith.constant 50 : i32
      %lt3A_180 = arith.cmpi slt, %add3A_178, %lt3A_179 : i32
      %convert_element_type3A_181 = arith.extui %lt3A_180 : i1 to i32
      %cond3A_182 = arith.constant 0 : i32
      %cond3A_183 = arith.cmpi ne, %convert_element_type3A_181, %cond3A_182 : i32
      scf.if %cond3A_183 {
        %add3A_191 = arith.constant 3 : i32
        %add3A_192 = arith.addi %add3A_159, %add3A_191 : i32
        %mul3A_193 = arith.constant 128 : i32
        %mul3A_194 = arith.muli %add3A_192, %mul3A_193 : i32
        %dma_start3A_195 = tpu.memref_slice %arg5[%mul3A_194] : memref<6400xi32, #tpu.memory_space<vmem>> -> memref<128xi32, #tpu.memory_space<vmem>>
        %dma_start3A_196 = arith.constant 0 : i32
        %dma_start3A_197 = arith.constant 0 : i32
        %dma_start3A_198 = tpu.memref_slice %arg3[%dma_start3A_196, %dma_start3A_197] : memref<100000x128xf32, #tpu.memory_space<hbm>> -> memref<100000x128xf32, #tpu.memory_space<hbm>>
        tpu.enqueue_indirect_dma source(%dma_start3A_198 : memref<100000x128xf32, #tpu.memory_space<hbm>>) target(%arg8 : memref<128x128xf32, #tpu.memory_space<vmem>>) offsets(%dma_start3A_195 : memref<128xi32, #tpu.memory_space<vmem>>) semaphore(%arg14 : memref<!tpu.dma_semaphore, #tpu.memory_space<semaphore_mem>>)
      } else {
      }
      %mul3A_184 = arith.constant 4096 : i32
      %mul3A_185 = arith.muli %add3A_159, %mul3A_184 : i32
      %add3A_186 = arith.addi %mul3A_185, %mul3A_2 : i32
      %dma_start3A_187 = arith.constant 0 : i32
      %dma_start3A_188 = tpu.memref_slice %arg4[%add3A_186, %dma_start3A_187] : memref<204800x128xf32, #tpu.memory_space<hbm>> -> memref<128x128xf32, #tpu.memory_space<hbm>>
      %dma_start3A_189 = arith.constant 0 : i32
      %dma_start3A_190 = tpu.memref_slice %arg4[%add3A_186, %dma_start3A_189] : memref<204800x128xf32, #tpu.memory_space<hbm>> -> memref<128x128xf32, #tpu.memory_space<hbm>>
      tpu.enqueue_dma source(%arg11 : memref<128x128xf32, #tpu.memory_space<vmem>>) target(%dma_start3A_190 : memref<128x128xf32, #tpu.memory_space<hbm>>) target_semaphore(%arg17 : memref<!tpu.dma_semaphore, #tpu.memory_space<semaphore_mem>>)
    }
    %scan3A_25 = arith.constant 16 : i32
    %dma_wait3A = arith.constant 6144 : i32
    %dma_wait3A_26 = tpu.memref_slice %arg5[%dma_wait3A] : memref<6400xi32, #tpu.memory_space<vmem>> -> memref<128xi32, #tpu.memory_space<vmem>>
    %dma_wait3A_27 = arith.constant 0 : i32
    %dma_wait3A_28 = arith.constant 0 : i32
    %dma_wait3A_29 = tpu.memref_slice %arg3[%dma_wait3A_27, %dma_wait3A_28] : memref<100000x128xf32, #tpu.memory_space<hbm>> -> memref<100000x128xf32, #tpu.memory_space<hbm>>
    tpu.wait_indirect_dma semaphore(%arg12 : memref<!tpu.dma_semaphore, #tpu.memory_space<semaphore_mem>>) src(%dma_wait3A_29 : memref<100000x128xf32, #tpu.memory_space<hbm>>) dst(%arg6 : memref<128x128xf32, #tpu.memory_space<vmem>>)
    %add3A_30 = arith.constant 184320 : i32
    %add3A_31 = arith.addi %add3A_30, %mul3A_2 : i32
    %dma_wait3A_32 = arith.constant 0 : i32
    %dma_wait3A_33 = tpu.memref_slice %arg4[%add3A_31, %dma_wait3A_32] : memref<204800x128xf32, #tpu.memory_space<hbm>> -> memref<128x128xf32, #tpu.memory_space<hbm>>
    %dma_wait3A_34 = arith.constant 0 : i32
    %dma_wait3A_35 = tpu.memref_slice %arg4[%add3A_31, %dma_wait3A_34] : memref<204800x128xf32, #tpu.memory_space<hbm>> -> memref<128x128xf32, #tpu.memory_space<hbm>>
    tpu.wait_dma2 semaphore(%arg15 : memref<!tpu.dma_semaphore, #tpu.memory_space<semaphore_mem>>) src(%arg9 : memref<128x128xf32, #tpu.memory_space<vmem>>) dst(%dma_wait3A_35 : memref<128x128xf32, #tpu.memory_space<hbm>>)
    %scan3A_36 = arith.constant 0 : i32
    %scan3A_37 = arith.constant 0 : i32
    %scan3A_38 = arith.constant 32 : i32
    %scan3A_39 = arith.addi %scan3A_37, %scan3A_38 : i32
    %scan3A_40 = arith.constant 1 : i32
    scf.for %scan3A_89 = %scan3A_37 to %scan3A_39 step %scan3A_40  : i32 {
      %mul3A_90 = arith.constant 4 : i32
      %mul3A_91 = arith.muli %scan3A_89, %mul3A_90 : i32
      %add3A_92 = arith.constant 0 : i32
      %add3A_93 = arith.addi %mul3A_91, %add3A_92 : i32
      %get3A = arith.index_cast %add3A_93 : i32 to index
      %get3A_94 = arith.constant 0 : index
      %get3A_95 = tpu.vector_load %arg6[%get3A, %get3A_94] {strides = array<i32>} : memref<128x128xf32, #tpu.memory_space<vmem>>, vector<1x16xf32>,
      %get3A_96 = vector.shape_cast %get3A_95 : vector<1x16xf32> to vector<16xf32>
      %mul3A_97 = arith.constant 11.3137083 : f32
      %mul3A_98 = vector.broadcast %mul3A_97 : f32 to vector<16xf32>
      %mul3A_99 = arith.mulf %get3A_96, %mul3A_98 : vector<16xf32>
      %swap3A = arith.index_cast %add3A_93 : i32 to index
      %swap3A_100 = arith.constant 0 : index
      %swap3A_101 = tpu.vector_load %arg9[%swap3A, %swap3A_100] {strides = array<i32>} : memref<128x128xf32, #tpu.memory_space<vmem>>, vector<1x16xf32>,
      %swap3A_102 = vector.shape_cast %swap3A_101 : vector<1x16xf32> to vector<16xf32>
      %swap3A_103 = vector.shape_cast %mul3A_99 : vector<16xf32> to vector<1x16xf32>
      tpu.vector_store %arg9[%swap3A, %swap3A_100], %swap3A_103 {strides = array<i32>} : memref<128x128xf32, #tpu.memory_space<vmem>>, vector<1x16xf32>,
      %get3A_104 = arith.index_cast %add3A_93 : i32 to index
      %get3A_105 = arith.constant 16 : index
      %get3A_106 = tpu.vector_load %arg6[%get3A_104, %get3A_105] {strides = array<i32>} : memref<128x128xf32, #tpu.memory_space<vmem>>, vector<1x16xf32>,
      %get3A_107 = vector.shape_cast %get3A_106 : vector<1x16xf32> to vector<16xf32>
      %mul3A_108 = arith.constant 11.3137083 : f32
      %mul3A_109 = vector.broadcast %mul3A_108 : f32 to vector<16xf32>
      %mul3A_110 = arith.mulf %get3A_107, %mul3A_109 : vector<16xf32>
      %swap3A_111 = arith.index_cast %add3A_93 : i32 to index
      %swap3A_112 = arith.constant 16 : index
      %swap3A_113 = tpu.vector_load %arg9[%swap3A_111, %swap3A_112] {strides = array<i32>} : memref<128x128xf32, #tpu.memory_space<vmem>>, vector<1x16xf32>,
      %swap3A_114 = vector.shape_cast %swap3A_113 : vector<1x16xf32> to vector<16xf32>
      %swap3A_115 = vector.shape_cast %mul3A_110 : vector<16xf32> to vector<1x16xf32>
      tpu.vector_store %arg9[%swap3A_111, %swap3A_112], %swap3A_115 {strides = array<i32>} : memref<128x128xf32, #tpu.memory_space<vmem>>, vector<1x16xf32>,
      %get3A_116 = arith.index_cast %add3A_93 : i32 to index
      %get3A_117 = arith.constant 32 : index
      %get3A_118 = tpu.vector_load %arg6[%get3A_116, %get3A_117] {strides = array<i32>} : memref<128x128xf32, #tpu.memory_space<vmem>>, vector<1x16xf32>,
      %get3A_119 = vector.shape_cast %get3A_118 : vector<1x16xf32> to vector<16xf32>
      %mul3A_120 = arith.constant 11.3137083 : f32
      %mul3A_121 = vector.broadcast %mul3A_120 : f32 to vector<16xf32>
      %mul3A_122 = arith.mulf %get3A_119, %mul3A_121 : vector<16xf32>
      %swap3A_123 = arith.index_cast %add3A_93 : i32 to index
      %swap3A_124 = arith.constant 32 : index
      %swap3A_125 = tpu.vector_load %arg9[%swap3A_123, %swap3A_124] {strides = array<i32>} : memref<128x128xf32, #tpu.memory_space<vmem>>, vector<1x16xf32>,
      %swap3A_126 = vector.shape_cast %swap3A_125 : vector<1x16xf32> to vector<16xf32>
      %swap3A_127 = vector.shape_cast %mul3A_122 : vector<16xf32> to vector<1x16xf32>
      tpu.vector_store %arg9[%swap3A_123, %swap3A_124], %swap3A_127 {strides = array<i32>} : memref<128x128xf32, #tpu.memory_space<vmem>>, vector<1x16xf32>,
      %get3A_128 = arith.index_cast %add3A_93 : i32 to index
      %get3A_129 = arith.constant 48 : index
      %get3A_130 = tpu.vector_load %arg6[%get3A_128, %get3A_129] {strides = array<i32>} : memref<128x128xf32, #tpu.memory_space<vmem>>, vector<1x16xf32>,
      %get3A_131 = vector.shape_cast %get3A_130 : vector<1x16xf32> to vector<16xf32>
      %mul3A_132 = arith.constant 11.3137083 : f32
      %mul3A_133 = vector.broadcast %mul3A_132 : f32 to vector<16xf32>
      %mul3A_134 = arith.mulf %get3A_131, %mul3A_133 : vector<16xf32>
      %swap3A_135 = arith.index_cast %add3A_93 : i32 to index
      %swap3A_136 = arith.constant 48 : index
      %swap3A_137 = tpu.vector_load %arg9[%swap3A_135, %swap3A_136] {strides = array<i32>} : memref<128x128xf32, #tpu.memory_space<vmem>>, vector<1x16xf32>,
      %swap3A_138 = vector.shape_cast %swap3A_137 : vector<1x16xf32> to vector<16xf32>
      %swap3A_139 = vector.shape_cast %mul3A_134 : vector<16xf32> to vector<1x16xf32>
      tpu.vector_store %arg9[%swap3A_135, %swap3A_136], %swap3A_139 {strides = array<i32>} : memref<128x128xf32, #tpu.memory_space<vmem>>, vector<1x16xf32>,
      %get3A_140 = arith.index_cast %add3A_93 : i32 to index
      %get3A_141 = arith.constant 64 : index
      %get3A_142 = tpu.vector_load %arg6[%get3A_140, %get3A_141] {strides = array<i32>} : memref<128x128xf32, #tpu.memory_space<vmem>>, vector<1x16xf32>,
      %get3A_143 = vector.shape_cast %get3A_142 : vector<1x16xf32> to vector<16xf32>
      %mul3A_144 = arith.constant 11.3137083 : f32
      %mul3A_145 = vector.broadcast %mul3A_144 : f32 to vector<16xf32>
      %mul3A_146 = arith.mulf %get3A_143, %mul3A_145 : vector<16xf32>
      %swap3A_147 = arith.index_cast %add3A_93 : i32 to index
      %swap3A_148 = arith.constant 64 : index
      %swap3A_149 = tpu.vector_load %arg9[%swap3A_147, %swap3A_148] {strides = array<i32>} : memref<128x128xf32, #tpu.memory_space<vmem>>, vector<1x16xf32>,
      %swap3A_150 = vector.shape_cast %swap3A_149 : vector<1x16xf32> to vector<16xf32>
      %swap3A_151 = vector.shape_cast %mul3A_146 : vector<16xf32> to vector<1x16xf32>
      tpu.vector_store %arg9[%swap3A_147, %swap3A_148], %swap3A_151 {strides = array<i32>} : memref<128x128xf32, #tpu.memory_space<vmem>>, vector<1x16xf32>,
      %get3A_152 = arith.index_cast %add3A_93 : i32 to index
      %get3A_153 = arith.constant 80 : index
      %get3A_154 = tpu.vector_load %arg6[%get3A_152, %get3A_153] {strides = array<i32>} : memref<128x128xf32, #tpu.memory_space<vmem>>, vector<1x16xf32>,
      %get3A_155 = vector.shape_cast %get3A_154 : vector<1x16xf32> to vector<16xf32>
      %mul3A_156 = arith.constant 11.3137083 : f32
      %mul3A_157 = vector.broadcast %mul3A_156 : f32 to vector<16xf32>
      %mul3A_158 = arith.mulf %get3A_155, %mul3A_157 : vector<16xf32>
      %swap3A_159 = arith.index_cast %add3A_93 : i32 to index
      %swap3A_160 = arith.constant 80 : index
      %swap3A_161 = tpu.vector_load %arg9[%swap3A_159, %swap3A_160] {strides = array<i32>} : memref<128x128xf32, #tpu.memory_space<vmem>>, vector<1x16xf32>,
      %swap3A_162 = vector.shape_cast %swap3A_161 : vector<1x16xf32> to vector<16xf32>
      %swap3A_163 = vector.shape_cast %mul3A_158 : vector<16xf32> to vector<1x16xf32>
      tpu.vector_store %arg9[%swap3A_159, %swap3A_160], %swap3A_163 {strides = array<i32>} : memref<128x128xf32, #tpu.memory_space<vmem>>, vector<1x16xf32>,
      %get3A_164 = arith.index_cast %add3A_93 : i32 to index
      %get3A_165 = arith.constant 96 : index
      %get3A_166 = tpu.vector_load %arg6[%get3A_164, %get3A_165] {strides = array<i32>} : memref<128x128xf32, #tpu.memory_space<vmem>>, vector<1x16xf32>,
      %get3A_167 = vector.shape_cast %get3A_166 : vector<1x16xf32> to vector<16xf32>
      %mul3A_168 = arith.constant 11.3137083 : f32
      %mul3A_169 = vector.broadcast %mul3A_168 : f32 to vector<16xf32>
      %mul3A_170 = arith.mulf %get3A_167, %mul3A_169 : vector<16xf32>
      %swap3A_171 = arith.index_cast %add3A_93 : i32 to index
      %swap3A_172 = arith.constant 96 : index
      %swap3A_173 = tpu.vector_load %arg9[%swap3A_171, %swap3A_172] {strides = array<i32>} : memref<128x128xf32, #tpu.memory_space<vmem>>, vector<1x16xf32>,
      %swap3A_174 = vector.shape_cast %swap3A_173 : vector<1x16xf32> to vector<16xf32>
      %swap3A_175 = vector.shape_cast %mul3A_170 : vector<16xf32> to vector<1x16xf32>
      tpu.vector_store %arg9[%swap3A_171, %swap3A_172], %swap3A_175 {strides = array<i32>} : memref<128x128xf32, #tpu.memory_space<vmem>>, vector<1x16xf32>,
      %get3A_176 = arith.index_cast %add3A_93 : i32 to index
      %get3A_177 = arith.constant 112 : index
      %get3A_178 = tpu.vector_load %arg6[%get3A_176, %get3A_177] {strides = array<i32>} : memref<128x128xf32, #tpu.memory_space<vmem>>, vector<1x16xf32>,
      %get3A_179 = vector.shape_cast %get3A_178 : vector<1x16xf32> to vector<16xf32>
      %mul3A_180 = arith.constant 11.3137083 : f32
      %mul3A_181 = vector.broadcast %mul3A_180 : f32 to vector<16xf32>
      %mul3A_182 = arith.mulf %get3A_179, %mul3A_181 : vector<16xf32>
      %swap3A_183 = arith.index_cast %add3A_93 : i32 to index
      %swap3A_184 = arith.constant 112 : index
      %swap3A_185 = tpu.vector_load %arg9[%swap3A_183, %swap3A_184] {strides = array<i32>} : memref<128x128xf32, #tpu.memory_space<vmem>>, vector<1x16xf32>,
      %swap3A_186 = vector.shape_cast %swap3A_185 : vector<1x16xf32> to vector<16xf32>
      %swap3A_187 = vector.shape_cast %mul3A_182 : vector<16xf32> to vector<1x16xf32>
      tpu.vector_store %arg9[%swap3A_183, %swap3A_184], %swap3A_187 {strides = array<i32>} : memref<128x128xf32, #tpu.memory_space<vmem>>, vector<1x16xf32>,
      %mul3A_188 = arith.constant 4 : i32
      %mul3A_189 = arith.muli %scan3A_89, %mul3A_188 : i32
      %add3A_190 = arith.constant 1 : i32
      %add3A_191 = arith.addi %mul3A_189, %add3A_190 : i32
      %get3A_192 = arith.index_cast %add3A_191 : i32 to index
      %get3A_193 = arith.constant 0 : index
      %get3A_194 = tpu.vector_load %arg6[%get3A_192, %get3A_193] {strides = array<i32>} : memref<128x128xf32, #tpu.memory_space<vmem>>, vector<1x16xf32>,
      %get3A_195 = vector.shape_cast %get3A_194 : vector<1x16xf32> to vector<16xf32>
      %mul3A_196 = arith.constant 11.3137083 : f32
      %mul3A_197 = vector.broadcast %mul3A_196 : f32 to vector<16xf32>
      %mul3A_198 = arith.mulf %get3A_195, %mul3A_197 : vector<16xf32>
      %swap3A_199 = arith.index_cast %add3A_191 : i32 to index
      %swap3A_200 = arith.constant 0 : index
      %swap3A_201 = tpu.vector_load %arg9[%swap3A_199, %swap3A_200] {strides = array<i32>} : memref<128x128xf32, #tpu.memory_space<vmem>>, vector<1x16xf32>,
      %swap3A_202 = vector.shape_cast %swap3A_201 : vector<1x16xf32> to vector<16xf32>
      %swap3A_203 = vector.shape_cast %mul3A_198 : vector<16xf32> to vector<1x16xf32>
      tpu.vector_store %arg9[%swap3A_199, %swap3A_200], %swap3A_203 {strides = array<i32>} : memref<128x128xf32, #tpu.memory_space<vmem>>, vector<1x16xf32>,
      %get3A_204 = arith.index_cast %add3A_191 : i32 to index
      %get3A_205 = arith.constant 16 : index
      %get3A_206 = tpu.vector_load %arg6[%get3A_204, %get3A_205] {strides = array<i32>} : memref<128x128xf32, #tpu.memory_space<vmem>>, vector<1x16xf32>,
      %get3A_207 = vector.shape_cast %get3A_206 : vector<1x16xf32> to vector<16xf32>
      %mul3A_208 = arith.constant 11.3137083 : f32
      %mul3A_209 = vector.broadcast %mul3A_208 : f32 to vector<16xf32>
      %mul3A_210 = arith.mulf %get3A_207, %mul3A_209 : vector<16xf32>
      %swap3A_211 = arith.index_cast %add3A_191 : i32 to index
      %swap3A_212 = arith.constant 16 : index
      %swap3A_213 = tpu.vector_load %arg9[%swap3A_211, %swap3A_212] {strides = array<i32>} : memref<128x128xf32, #tpu.memory_space<vmem>>, vector<1x16xf32>,
      %swap3A_214 = vector.shape_cast %swap3A_213 : vector<1x16xf32> to vector<16xf32>
      %swap3A_215 = vector.shape_cast %mul3A_210 : vector<16xf32> to vector<1x16xf32>
      tpu.vector_store %arg9[%swap3A_211, %swap3A_212], %swap3A_215 {strides = array<i32>} : memref<128x128xf32, #tpu.memory_space<vmem>>, vector<1x16xf32>,
      %get3A_216 = arith.index_cast %add3A_191 : i32 to index
      %get3A_217 = arith.constant 32 : index
      %get3A_218 = tpu.vector_load %arg6[%get3A_216, %get3A_217] {strides = array<i32>} : memref<128x128xf32, #tpu.memory_space<vmem>>, vector<1x16xf32>,
      %get3A_219 = vector.shape_cast %get3A_218 : vector<1x16xf32> to vector<16xf32>
      %mul3A_220 = arith.constant 11.3137083 : f32
      %mul3A_221 = vector.broadcast %mul3A_220 : f32 to vector<16xf32>
      %mul3A_222 = arith.mulf %get3A_219, %mul3A_221 : vector<16xf32>
      %swap3A_223 = arith.index_cast %add3A_191 : i32 to index
      %swap3A_224 = arith.constant 32 : index
      %swap3A_225 = tpu.vector_load %arg9[%swap3A_223, %swap3A_224] {strides = array<i32>} : memref<128x128xf32, #tpu.memory_space<vmem>>, vector<1x16xf32>,
      %swap3A_226 = vector.shape_cast %swap3A_225 : vector<1x16xf32> to vector<16xf32>
      %swap3A_227 = vector.shape_cast %mul3A_222 : vector<16xf32> to vector<1x16xf32>
      tpu.vector_store %arg9[%swap3A_223, %swap3A_224], %swap3A_227 {strides = array<i32>} : memref<128x128xf32, #tpu.memory_space<vmem>>, vector<1x16xf32>,
      %get3A_228 = arith.index_cast %add3A_191 : i32 to index
      %get3A_229 = arith.constant 48 : index
      %get3A_230 = tpu.vector_load %arg6[%get3A_228, %get3A_229] {strides = array<i32>} : memref<128x128xf32, #tpu.memory_space<vmem>>, vector<1x16xf32>,
      %get3A_231 = vector.shape_cast %get3A_230 : vector<1x16xf32> to vector<16xf32>
      %mul3A_232 = arith.constant 11.3137083 : f32
      %mul3A_233 = vector.broadcast %mul3A_232 : f32 to vector<16xf32>
      %mul3A_234 = arith.mulf %get3A_231, %mul3A_233 : vector<16xf32>
      %swap3A_235 = arith.index_cast %add3A_191 : i32 to index
      %swap3A_236 = arith.constant 48 : index
      %swap3A_237 = tpu.vector_load %arg9[%swap3A_235, %swap3A_236] {strides = array<i32>} : memref<128x128xf32, #tpu.memory_space<vmem>>, vector<1x16xf32>,
      %swap3A_238 = vector.shape_cast %swap3A_237 : vector<1x16xf32> to vector<16xf32>
      %swap3A_239 = vector.shape_cast %mul3A_234 : vector<16xf32> to vector<1x16xf32>
      tpu.vector_store %arg9[%swap3A_235, %swap3A_236], %swap3A_239 {strides = array<i32>} : memref<128x128xf32, #tpu.memory_space<vmem>>, vector<1x16xf32>,
      %get3A_240 = arith.index_cast %add3A_191 : i32 to index
      %get3A_241 = arith.constant 64 : index
      %get3A_242 = tpu.vector_load %arg6[%get3A_240, %get3A_241] {strides = array<i32>} : memref<128x128xf32, #tpu.memory_space<vmem>>, vector<1x16xf32>,
      %get3A_243 = vector.shape_cast %get3A_242 : vector<1x16xf32> to vector<16xf32>
      %mul3A_244 = arith.constant 11.3137083 : f32
      %mul3A_245 = vector.broadcast %mul3A_244 : f32 to vector<16xf32>
      %mul3A_246 = arith.mulf %get3A_243, %mul3A_245 : vector<16xf32>
      %swap3A_247 = arith.index_cast %add3A_191 : i32 to index
      %swap3A_248 = arith.constant 64 : index
      %swap3A_249 = tpu.vector_load %arg9[%swap3A_247, %swap3A_248] {strides = array<i32>} : memref<128x128xf32, #tpu.memory_space<vmem>>, vector<1x16xf32>,
      %swap3A_250 = vector.shape_cast %swap3A_249 : vector<1x16xf32> to vector<16xf32>
      %swap3A_251 = vector.shape_cast %mul3A_246 : vector<16xf32> to vector<1x16xf32>
      tpu.vector_store %arg9[%swap3A_247, %swap3A_248], %swap3A_251 {strides = array<i32>} : memref<128x128xf32, #tpu.memory_space<vmem>>, vector<1x16xf32>,
      %get3A_252 = arith.index_cast %add3A_191 : i32 to index
      %get3A_253 = arith.constant 80 : index
      %get3A_254 = tpu.vector_load %arg6[%get3A_252, %get3A_253] {strides = array<i32>} : memref<128x128xf32, #tpu.memory_space<vmem>>, vector<1x16xf32>,
      %get3A_255 = vector.shape_cast %get3A_254 : vector<1x16xf32> to vector<16xf32>
      %mul3A_256 = arith.constant 11.3137083 : f32
      %mul3A_257 = vector.broadcast %mul3A_256 : f32 to vector<16xf32>
      %mul3A_258 = arith.mulf %get3A_255, %mul3A_257 : vector<16xf32>
      %swap3A_259 = arith.index_cast %add3A_191 : i32 to index
      %swap3A_260 = arith.constant 80 : index
      %swap3A_261 = tpu.vector_load %arg9[%swap3A_259, %swap3A_260] {strides = array<i32>} : memref<128x128xf32, #tpu.memory_space<vmem>>, vector<1x16xf32>,
      %swap3A_262 = vector.shape_cast %swap3A_261 : vector<1x16xf32> to vector<16xf32>
      %swap3A_263 = vector.shape_cast %mul3A_258 : vector<16xf32> to vector<1x16xf32>
      tpu.vector_store %arg9[%swap3A_259, %swap3A_260], %swap3A_263 {strides = array<i32>} : memref<128x128xf32, #tpu.memory_space<vmem>>, vector<1x16xf32>,
      %get3A_264 = arith.index_cast %add3A_191 : i32 to index
      %get3A_265 = arith.constant 96 : index
      %get3A_266 = tpu.vector_load %arg6[%get3A_264, %get3A_265] {strides = array<i32>} : memref<128x128xf32, #tpu.memory_space<vmem>>, vector<1x16xf32>,
      %get3A_267 = vector.shape_cast %get3A_266 : vector<1x16xf32> to vector<16xf32>
      %mul3A_268 = arith.constant 11.3137083 : f32
      %mul3A_269 = vector.broadcast %mul3A_268 : f32 to vector<16xf32>
      %mul3A_270 = arith.mulf %get3A_267, %mul3A_269 : vector<16xf32>
      %swap3A_271 = arith.index_cast %add3A_191 : i32 to index
      %swap3A_272 = arith.constant 96 : index
      %swap3A_273 = tpu.vector_load %arg9[%swap3A_271, %swap3A_272] {strides = array<i32>} : memref<128x128xf32, #tpu.memory_space<vmem>>, vector<1x16xf32>,
      %swap3A_274 = vector.shape_cast %swap3A_273 : vector<1x16xf32> to vector<16xf32>
      %swap3A_275 = vector.shape_cast %mul3A_270 : vector<16xf32> to vector<1x16xf32>
      tpu.vector_store %arg9[%swap3A_271, %swap3A_272], %swap3A_275 {strides = array<i32>} : memref<128x128xf32, #tpu.memory_space<vmem>>, vector<1x16xf32>,
      %get3A_276 = arith.index_cast %add3A_191 : i32 to index
      %get3A_277 = arith.constant 112 : index
      %get3A_278 = tpu.vector_load %arg6[%get3A_276, %get3A_277] {strides = array<i32>} : memref<128x128xf32, #tpu.memory_space<vmem>>, vector<1x16xf32>,
      %get3A_279 = vector.shape_cast %get3A_278 : vector<1x16xf32> to vector<16xf32>
      %mul3A_280 = arith.constant 11.3137083 : f32
      %mul3A_281 = vector.broadcast %mul3A_280 : f32 to vector<16xf32>
      %mul3A_282 = arith.mulf %get3A_279, %mul3A_281 : vector<16xf32>
      %swap3A_283 = arith.index_cast %add3A_191 : i32 to index
      %swap3A_284 = arith.constant 112 : index
      %swap3A_285 = tpu.vector_load %arg9[%swap3A_283, %swap3A_284] {strides = array<i32>} : memref<128x128xf32, #tpu.memory_space<vmem>>, vector<1x16xf32>,
      %swap3A_286 = vector.shape_cast %swap3A_285 : vector<1x16xf32> to vector<16xf32>
      %swap3A_287 = vector.shape_cast %mul3A_282 : vector<16xf32> to vector<1x16xf32>
      tpu.vector_store %arg9[%swap3A_283, %swap3A_284], %swap3A_287 {strides = array<i32>} : memref<128x128xf32, #tpu.memory_space<vmem>>, vector<1x16xf32>,
      %mul3A_288 = arith.constant 4 : i32
      %mul3A_289 = arith.muli %scan3A_89, %mul3A_288 : i32
      %add3A_290 = arith.constant 2 : i32
      %add3A_291 = arith.addi %mul3A_289, %add3A_290 : i32
      %get3A_292 = arith.index_cast %add3A_291 : i32 to index
      %get3A_293 = arith.constant 0 : index
      %get3A_294 = tpu.vector_load %arg6[%get3A_292, %get3A_293] {strides = array<i32>} : memref<128x128xf32, #tpu.memory_space<vmem>>, vector<1x16xf32>,
      %get3A_295 = vector.shape_cast %get3A_294 : vector<1x16xf32> to vector<16xf32>
      %mul3A_296 = arith.constant 11.3137083 : f32
      %mul3A_297 = vector.broadcast %mul3A_296 : f32 to vector<16xf32>
      %mul3A_298 = arith.mulf %get3A_295, %mul3A_297 : vector<16xf32>
      %swap3A_299 = arith.index_cast %add3A_291 : i32 to index
      %swap3A_300 = arith.constant 0 : index
      %swap3A_301 = tpu.vector_load %arg9[%swap3A_299, %swap3A_300] {strides = array<i32>} : memref<128x128xf32, #tpu.memory_space<vmem>>, vector<1x16xf32>,
      %swap3A_302 = vector.shape_cast %swap3A_301 : vector<1x16xf32> to vector<16xf32>
      %swap3A_303 = vector.shape_cast %mul3A_298 : vector<16xf32> to vector<1x16xf32>
      tpu.vector_store %arg9[%swap3A_299, %swap3A_300], %swap3A_303 {strides = array<i32>} : memref<128x128xf32, #tpu.memory_space<vmem>>, vector<1x16xf32>,
      %get3A_304 = arith.index_cast %add3A_291 : i32 to index
      %get3A_305 = arith.constant 16 : index
      %get3A_306 = tpu.vector_load %arg6[%get3A_304, %get3A_305] {strides = array<i32>} : memref<128x128xf32, #tpu.memory_space<vmem>>, vector<1x16xf32>,
      %get3A_307 = vector.shape_cast %get3A_306 : vector<1x16xf32> to vector<16xf32>
      %mul3A_308 = arith.constant 11.3137083 : f32
      %mul3A_309 = vector.broadcast %mul3A_308 : f32 to vector<16xf32>
      %mul3A_310 = arith.mulf %get3A_307, %mul3A_309 : vector<16xf32>
      %swap3A_311 = arith.index_cast %add3A_291 : i32 to index
      %swap3A_312 = arith.constant 16 : index
      %swap3A_313 = tpu.vector_load %arg9[%swap3A_311, %swap3A_312] {strides = array<i32>} : memref<128x128xf32, #tpu.memory_space<vmem>>, vector<1x16xf32>,
      %swap3A_314 = vector.shape_cast %swap3A_313 : vector<1x16xf32> to vector<16xf32>
      %swap3A_315 = vector.shape_cast %mul3A_310 : vector<16xf32> to vector<1x16xf32>
      tpu.vector_store %arg9[%swap3A_311, %swap3A_312], %swap3A_315 {strides = array<i32>} : memref<128x128xf32, #tpu.memory_space<vmem>>, vector<1x16xf32>,
      %get3A_316 = arith.index_cast %add3A_291 : i32 to index
      %get3A_317 = arith.constant 32 : index
      %get3A_318 = tpu.vector_load %arg6[%get3A_316, %get3A_317] {strides = array<i32>} : memref<128x128xf32, #tpu.memory_space<vmem>>, vector<1x16xf32>,
      %get3A_319 = vector.shape_cast %get3A_318 : vector<1x16xf32> to vector<16xf32>
      %mul3A_320 = arith.constant 11.3137083 : f32
      %mul3A_321 = vector.broadcast %mul3A_320 : f32 to vector<16xf32>
      %mul3A_322 = arith.mulf %get3A_319, %mul3A_321 : vector<16xf32>
      %swap3A_323 = arith.index_cast %add3A_291 : i32 to index
      %swap3A_324 = arith.constant 32 : index
      %swap3A_325 = tpu.vector_load %arg9[%swap3A_323, %swap3A_324] {strides = array<i32>} : memref<128x128xf32, #tpu.memory_space<vmem>>, vector<1x16xf32>,
      %swap3A_326 = vector.shape_cast %swap3A_325 : vector<1x16xf32> to vector<16xf32>
      %swap3A_327 = vector.shape_cast %mul3A_322 : vector<16xf32> to vector<1x16xf32>
      tpu.vector_store %arg9[%swap3A_323, %swap3A_324], %swap3A_327 {strides = array<i32>} : memref<128x128xf32, #tpu.memory_space<vmem>>, vector<1x16xf32>,
      %get3A_328 = arith.index_cast %add3A_291 : i32 to index
      %get3A_329 = arith.constant 48 : index
      %get3A_330 = tpu.vector_load %arg6[%get3A_328, %get3A_329] {strides = array<i32>} : memref<128x128xf32, #tpu.memory_space<vmem>>, vector<1x16xf32>,
      %get3A_331 = vector.shape_cast %get3A_330 : vector<1x16xf32> to vector<16xf32>
      %mul3A_332 = arith.constant 11.3137083 : f32
      %mul3A_333 = vector.broadcast %mul3A_332 : f32 to vector<16xf32>
      %mul3A_334 = arith.mulf %get3A_331, %mul3A_333 : vector<16xf32>
      %swap3A_335 = arith.index_cast %add3A_291 : i32 to index
      %swap3A_336 = arith.constant 48 : index
      %swap3A_337 = tpu.vector_load %arg9[%swap3A_335, %swap3A_336] {strides = array<i32>} : memref<128x128xf32, #tpu.memory_space<vmem>>, vector<1x16xf32>,
      %swap3A_338 = vector.shape_cast %swap3A_337 : vector<1x16xf32> to vector<16xf32>
      %swap3A_339 = vector.shape_cast %mul3A_334 : vector<16xf32> to vector<1x16xf32>
      tpu.vector_store %arg9[%swap3A_335, %swap3A_336], %swap3A_339 {strides = array<i32>} : memref<128x128xf32, #tpu.memory_space<vmem>>, vector<1x16xf32>,
      %get3A_340 = arith.index_cast %add3A_291 : i32 to index
      %get3A_341 = arith.constant 64 : index
      %get3A_342 = tpu.vector_load %arg6[%get3A_340, %get3A_341] {strides = array<i32>} : memref<128x128xf32, #tpu.memory_space<vmem>>, vector<1x16xf32>,
      %get3A_343 = vector.shape_cast %get3A_342 : vector<1x16xf32> to vector<16xf32>
      %mul3A_344 = arith.constant 11.3137083 : f32
      %mul3A_345 = vector.broadcast %mul3A_344 : f32 to vector<16xf32>
      %mul3A_346 = arith.mulf %get3A_343, %mul3A_345 : vector<16xf32>
      %swap3A_347 = arith.index_cast %add3A_291 : i32 to index
      %swap3A_348 = arith.constant 64 : index
      %swap3A_349 = tpu.vector_load %arg9[%swap3A_347, %swap3A_348] {strides = array<i32>} : memref<128x128xf32, #tpu.memory_space<vmem>>, vector<1x16xf32>,
      %swap3A_350 = vector.shape_cast %swap3A_349 : vector<1x16xf32> to vector<16xf32>
      %swap3A_351 = vector.shape_cast %mul3A_346 : vector<16xf32> to vector<1x16xf32>
      tpu.vector_store %arg9[%swap3A_347, %swap3A_348], %swap3A_351 {strides = array<i32>} : memref<128x128xf32, #tpu.memory_space<vmem>>, vector<1x16xf32>,
      %get3A_352 = arith.index_cast %add3A_291 : i32 to index
      %get3A_353 = arith.constant 80 : index
      %get3A_354 = tpu.vector_load %arg6[%get3A_352, %get3A_353] {strides = array<i32>} : memref<128x128xf32, #tpu.memory_space<vmem>>, vector<1x16xf32>,
      %get3A_355 = vector.shape_cast %get3A_354 : vector<1x16xf32> to vector<16xf32>
      %mul3A_356 = arith.constant 11.3137083 : f32
      %mul3A_357 = vector.broadcast %mul3A_356 : f32 to vector<16xf32>
      %mul3A_358 = arith.mulf %get3A_355, %mul3A_357 : vector<16xf32>
      %swap3A_359 = arith.index_cast %add3A_291 : i32 to index
      %swap3A_360 = arith.constant 80 : index
      %swap3A_361 = tpu.vector_load %arg9[%swap3A_359, %swap3A_360] {strides = array<i32>} : memref<128x128xf32, #tpu.memory_space<vmem>>, vector<1x16xf32>,
      %swap3A_362 = vector.shape_cast %swap3A_361 : vector<1x16xf32> to vector<16xf32>
      %swap3A_363 = vector.shape_cast %mul3A_358 : vector<16xf32> to vector<1x16xf32>
      tpu.vector_store %arg9[%swap3A_359, %swap3A_360], %swap3A_363 {strides = array<i32>} : memref<128x128xf32, #tpu.memory_space<vmem>>, vector<1x16xf32>,
      %get3A_364 = arith.index_cast %add3A_291 : i32 to index
      %get3A_365 = arith.constant 96 : index
      %get3A_366 = tpu.vector_load %arg6[%get3A_364, %get3A_365] {strides = array<i32>} : memref<128x128xf32, #tpu.memory_space<vmem>>, vector<1x16xf32>,
      %get3A_367 = vector.shape_cast %get3A_366 : vector<1x16xf32> to vector<16xf32>
      %mul3A_368 = arith.constant 11.3137083 : f32
      %mul3A_369 = vector.broadcast %mul3A_368 : f32 to vector<16xf32>
      %mul3A_370 = arith.mulf %get3A_367, %mul3A_369 : vector<16xf32>
      %swap3A_371 = arith.index_cast %add3A_291 : i32 to index
      %swap3A_372 = arith.constant 96 : index
      %swap3A_373 = tpu.vector_load %arg9[%swap3A_371, %swap3A_372] {strides = array<i32>} : memref<128x128xf32, #tpu.memory_space<vmem>>, vector<1x16xf32>,
      %swap3A_374 = vector.shape_cast %swap3A_373 : vector<1x16xf32> to vector<16xf32>
      %swap3A_375 = vector.shape_cast %mul3A_370 : vector<16xf32> to vector<1x16xf32>
      tpu.vector_store %arg9[%swap3A_371, %swap3A_372], %swap3A_375 {strides = array<i32>} : memref<128x128xf32, #tpu.memory_space<vmem>>, vector<1x16xf32>,
      %get3A_376 = arith.index_cast %add3A_291 : i32 to index
      %get3A_377 = arith.constant 112 : index
      %get3A_378 = tpu.vector_load %arg6[%get3A_376, %get3A_377] {strides = array<i32>} : memref<128x128xf32, #tpu.memory_space<vmem>>, vector<1x16xf32>,
      %get3A_379 = vector.shape_cast %get3A_378 : vector<1x16xf32> to vector<16xf32>
      %mul3A_380 = arith.constant 11.3137083 : f32
      %mul3A_381 = vector.broadcast %mul3A_380 : f32 to vector<16xf32>
      %mul3A_382 = arith.mulf %get3A_379, %mul3A_381 : vector<16xf32>
      %swap3A_383 = arith.index_cast %add3A_291 : i32 to index
      %swap3A_384 = arith.constant 112 : index
      %swap3A_385 = tpu.vector_load %arg9[%swap3A_383, %swap3A_384] {strides = array<i32>} : memref<128x128xf32, #tpu.memory_space<vmem>>, vector<1x16xf32>,
      %swap3A_386 = vector.shape_cast %swap3A_385 : vector<1x16xf32> to vector<16xf32>
      %swap3A_387 = vector.shape_cast %mul3A_382 : vector<16xf32> to vector<1x16xf32>
      tpu.vector_store %arg9[%swap3A_383, %swap3A_384], %swap3A_387 {strides = array<i32>} : memref<128x128xf32, #tpu.memory_space<vmem>>, vector<1x16xf32>,
      %mul3A_388 = arith.constant 4 : i32
      %mul3A_389 = arith.muli %scan3A_89, %mul3A_388 : i32
      %add3A_390 = arith.constant 3 : i32
      %add3A_391 = arith.addi %mul3A_389, %add3A_390 : i32
      %get3A_392 = arith.index_cast %add3A_391 : i32 to index
      %get3A_393 = arith.constant 0 : index
      %get3A_394 = tpu.vector_load %arg6[%get3A_392, %get3A_393] {strides = array<i32>} : memref<128x128xf32, #tpu.memory_space<vmem>>, vector<1x16xf32>,
      %get3A_395 = vector.shape_cast %get3A_394 : vector<1x16xf32> to vector<16xf32>
      %mul3A_396 = arith.constant 11.3137083 : f32
      %mul3A_397 = vector.broadcast %mul3A_396 : f32 to vector<16xf32>
      %mul3A_398 = arith.mulf %get3A_395, %mul3A_397 : vector<16xf32>
      %swap3A_399 = arith.index_cast %add3A_391 : i32 to index
      %swap3A_400 = arith.constant 0 : index
      %swap3A_401 = tpu.vector_load %arg9[%swap3A_399, %swap3A_400] {strides = array<i32>} : memref<128x128xf32, #tpu.memory_space<vmem>>, vector<1x16xf32>,
      %swap3A_402 = vector.shape_cast %swap3A_401 : vector<1x16xf32> to vector<16xf32>
      %swap3A_403 = vector.shape_cast %mul3A_398 : vector<16xf32> to vector<1x16xf32>
      tpu.vector_store %arg9[%swap3A_399, %swap3A_400], %swap3A_403 {strides = array<i32>} : memref<128x128xf32, #tpu.memory_space<vmem>>, vector<1x16xf32>,
      %get3A_404 = arith.index_cast %add3A_391 : i32 to index
      %get3A_405 = arith.constant 16 : index
      %get3A_406 = tpu.vector_load %arg6[%get3A_404, %get3A_405] {strides = array<i32>} : memref<128x128xf32, #tpu.memory_space<vmem>>, vector<1x16xf32>,
      %get3A_407 = vector.shape_cast %get3A_406 : vector<1x16xf32> to vector<16xf32>
      %mul3A_408 = arith.constant 11.3137083 : f32
      %mul3A_409 = vector.broadcast %mul3A_408 : f32 to vector<16xf32>
      %mul3A_410 = arith.mulf %get3A_407, %mul3A_409 : vector<16xf32>
      %swap3A_411 = arith.index_cast %add3A_391 : i32 to index
      %swap3A_412 = arith.constant 16 : index
      %swap3A_413 = tpu.vector_load %arg9[%swap3A_411, %swap3A_412] {strides = array<i32>} : memref<128x128xf32, #tpu.memory_space<vmem>>, vector<1x16xf32>,
      %swap3A_414 = vector.shape_cast %swap3A_413 : vector<1x16xf32> to vector<16xf32>
      %swap3A_415 = vector.shape_cast %mul3A_410 : vector<16xf32> to vector<1x16xf32>
      tpu.vector_store %arg9[%swap3A_411, %swap3A_412], %swap3A_415 {strides = array<i32>} : memref<128x128xf32, #tpu.memory_space<vmem>>, vector<1x16xf32>,
      %get3A_416 = arith.index_cast %add3A_391 : i32 to index
      %get3A_417 = arith.constant 32 : index
      %get3A_418 = tpu.vector_load %arg6[%get3A_416, %get3A_417] {strides = array<i32>} : memref<128x128xf32, #tpu.memory_space<vmem>>, vector<1x16xf32>,
      %get3A_419 = vector.shape_cast %get3A_418 : vector<1x16xf32> to vector<16xf32>
      %mul3A_420 = arith.constant 11.3137083 : f32
      %mul3A_421 = vector.broadcast %mul3A_420 : f32 to vector<16xf32>
      %mul3A_422 = arith.mulf %get3A_419, %mul3A_421 : vector<16xf32>
      %swap3A_423 = arith.index_cast %add3A_391 : i32 to index
      %swap3A_424 = arith.constant 32 : index
      %swap3A_425 = tpu.vector_load %arg9[%swap3A_423, %swap3A_424] {strides = array<i32>} : memref<128x128xf32, #tpu.memory_space<vmem>>, vector<1x16xf32>,
      %swap3A_426 = vector.shape_cast %swap3A_425 : vector<1x16xf32> to vector<16xf32>
      %swap3A_427 = vector.shape_cast %mul3A_422 : vector<16xf32> to vector<1x16xf32>
      tpu.vector_store %arg9[%swap3A_423, %swap3A_424], %swap3A_427 {strides = array<i32>} : memref<128x128xf32, #tpu.memory_space<vmem>>, vector<1x16xf32>,
      %get3A_428 = arith.index_cast %add3A_391 : i32 to index
      %get3A_429 = arith.constant 48 : index
      %get3A_430 = tpu.vector_load %arg6[%get3A_428, %get3A_429] {strides = array<i32>} : memref<128x128xf32, #tpu.memory_space<vmem>>, vector<1x16xf32>,
      %get3A_431 = vector.shape_cast %get3A_430 : vector<1x16xf32> to vector<16xf32>
      %mul3A_432 = arith.constant 11.3137083 : f32
      %mul3A_433 = vector.broadcast %mul3A_432 : f32 to vector<16xf32>
      %mul3A_434 = arith.mulf %get3A_431, %mul3A_433 : vector<16xf32>
      %swap3A_435 = arith.index_cast %add3A_391 : i32 to index
      %swap3A_436 = arith.constant 48 : index
      %swap3A_437 = tpu.vector_load %arg9[%swap3A_435, %swap3A_436] {strides = array<i32>} : memref<128x128xf32, #tpu.memory_space<vmem>>, vector<1x16xf32>,
      %swap3A_438 = vector.shape_cast %swap3A_437 : vector<1x16xf32> to vector<16xf32>
      %swap3A_439 = vector.shape_cast %mul3A_434 : vector<16xf32> to vector<1x16xf32>
      tpu.vector_store %arg9[%swap3A_435, %swap3A_436], %swap3A_439 {strides = array<i32>} : memref<128x128xf32, #tpu.memory_space<vmem>>, vector<1x16xf32>,
      %get3A_440 = arith.index_cast %add3A_391 : i32 to index
      %get3A_441 = arith.constant 64 : index
      %get3A_442 = tpu.vector_load %arg6[%get3A_440, %get3A_441] {strides = array<i32>} : memref<128x128xf32, #tpu.memory_space<vmem>>, vector<1x16xf32>,
      %get3A_443 = vector.shape_cast %get3A_442 : vector<1x16xf32> to vector<16xf32>
      %mul3A_444 = arith.constant 11.3137083 : f32
      %mul3A_445 = vector.broadcast %mul3A_444 : f32 to vector<16xf32>
      %mul3A_446 = arith.mulf %get3A_443, %mul3A_445 : vector<16xf32>
      %swap3A_447 = arith.index_cast %add3A_391 : i32 to index
      %swap3A_448 = arith.constant 64 : index
      %swap3A_449 = tpu.vector_load %arg9[%swap3A_447, %swap3A_448] {strides = array<i32>} : memref<128x128xf32, #tpu.memory_space<vmem>>, vector<1x16xf32>,
      %swap3A_450 = vector.shape_cast %swap3A_449 : vector<1x16xf32> to vector<16xf32>
      %swap3A_451 = vector.shape_cast %mul3A_446 : vector<16xf32> to vector<1x16xf32>
      tpu.vector_store %arg9[%swap3A_447, %swap3A_448], %swap3A_451 {strides = array<i32>} : memref<128x128xf32, #tpu.memory_space<vmem>>, vector<1x16xf32>,
      %get3A_452 = arith.index_cast %add3A_391 : i32 to index
      %get3A_453 = arith.constant 80 : index
      %get3A_454 = tpu.vector_load %arg6[%get3A_452, %get3A_453] {strides = array<i32>} : memref<128x128xf32, #tpu.memory_space<vmem>>, vector<1x16xf32>,
      %get3A_455 = vector.shape_cast %get3A_454 : vector<1x16xf32> to vector<16xf32>
      %mul3A_456 = arith.constant 11.3137083 : f32
      %mul3A_457 = vector.broadcast %mul3A_456 : f32 to vector<16xf32>
      %mul3A_458 = arith.mulf %get3A_455, %mul3A_457 : vector<16xf32>
      %swap3A_459 = arith.index_cast %add3A_391 : i32 to index
      %swap3A_460 = arith.constant 80 : index
      %swap3A_461 = tpu.vector_load %arg9[%swap3A_459, %swap3A_460] {strides = array<i32>} : memref<128x128xf32, #tpu.memory_space<vmem>>, vector<1x16xf32>,
      %swap3A_462 = vector.shape_cast %swap3A_461 : vector<1x16xf32> to vector<16xf32>
      %swap3A_463 = vector.shape_cast %mul3A_458 : vector<16xf32> to vector<1x16xf32>
      tpu.vector_store %arg9[%swap3A_459, %swap3A_460], %swap3A_463 {strides = array<i32>} : memref<128x128xf32, #tpu.memory_space<vmem>>, vector<1x16xf32>,
      %get3A_464 = arith.index_cast %add3A_391 : i32 to index
      %get3A_465 = arith.constant 96 : index
      %get3A_466 = tpu.vector_load %arg6[%get3A_464, %get3A_465] {strides = array<i32>} : memref<128x128xf32, #tpu.memory_space<vmem>>, vector<1x16xf32>,
      %get3A_467 = vector.shape_cast %get3A_466 : vector<1x16xf32> to vector<16xf32>
      %mul3A_468 = arith.constant 11.3137083 : f32
      %mul3A_469 = vector.broadcast %mul3A_468 : f32 to vector<16xf32>
      %mul3A_470 = arith.mulf %get3A_467, %mul3A_469 : vector<16xf32>
      %swap3A_471 = arith.index_cast %add3A_391 : i32 to index
      %swap3A_472 = arith.constant 96 : index
      %swap3A_473 = tpu.vector_load %arg9[%swap3A_471, %swap3A_472] {strides = array<i32>} : memref<128x128xf32, #tpu.memory_space<vmem>>, vector<1x16xf32>,
      %swap3A_474 = vector.shape_cast %swap3A_473 : vector<1x16xf32> to vector<16xf32>
      %swap3A_475 = vector.shape_cast %mul3A_470 : vector<16xf32> to vector<1x16xf32>
      tpu.vector_store %arg9[%swap3A_471, %swap3A_472], %swap3A_475 {strides = array<i32>} : memref<128x128xf32, #tpu.memory_space<vmem>>, vector<1x16xf32>,
      %get3A_476 = arith.index_cast %add3A_391 : i32 to index
      %get3A_477 = arith.constant 112 : index
      %get3A_478 = tpu.vector_load %arg6[%get3A_476, %get3A_477] {strides = array<i32>} : memref<128x128xf32, #tpu.memory_space<vmem>>, vector<1x16xf32>,
      %get3A_479 = vector.shape_cast %get3A_478 : vector<1x16xf32> to vector<16xf32>
      %mul3A_480 = arith.constant 11.3137083 : f32
      %mul3A_481 = vector.broadcast %mul3A_480 : f32 to vector<16xf32>
      %mul3A_482 = arith.mulf %get3A_479, %mul3A_481 : vector<16xf32>
      %swap3A_483 = arith.index_cast %add3A_391 : i32 to index
      %swap3A_484 = arith.constant 112 : index
      %swap3A_485 = tpu.vector_load %arg9[%swap3A_483, %swap3A_484] {strides = array<i32>} : memref<128x128xf32, #tpu.memory_space<vmem>>, vector<1x16xf32>,
      %swap3A_486 = vector.shape_cast %swap3A_485 : vector<1x16xf32> to vector<16xf32>
      %swap3A_487 = vector.shape_cast %mul3A_482 : vector<16xf32> to vector<1x16xf32>
      tpu.vector_store %arg9[%swap3A_483, %swap3A_484], %swap3A_487 {strides = array<i32>} : memref<128x128xf32, #tpu.memory_space<vmem>>, vector<1x16xf32>,
    }
    %scan3A_41 = arith.constant 32 : i32
    %add3A_42 = arith.constant 196608 : i32
    %add3A_43 = arith.addi %add3A_42, %mul3A_2 : i32
    %dma_start3A_44 = arith.constant 0 : i32
    %dma_start3A_45 = tpu.memref_slice %arg4[%add3A_43, %dma_start3A_44] : memref<204800x128xf32, #tpu.memory_space<hbm>> -> memref<128x128xf32, #tpu.memory_space<hbm>>
    %dma_start3A_46 = arith.constant 0 : i32
    %dma_start3A_47 = tpu.memref_slice %arg4[%add3A_43, %dma_start3A_46] : memref<204800x128xf32, #tpu.memory_space<hbm>> -> memref<128x128xf32, #tpu.memory_space<hbm>>
    tpu.enqueue_dma source(%arg9 : memref<128x128xf32, #tpu.memory_space<vmem>>) target(%dma_start3A_47 : memref<128x128xf32, #tpu.memory_space<hbm>>) target_semaphore(%arg15 : memref<!tpu.dma_semaphore, #tpu.memory_space<semaphore_mem>>)
    %dma_wait3A_48 = arith.constant 6272 : i32
    %dma_wait3A_49 = tpu.memref_slice %arg5[%dma_wait3A_48] : memref<6400xi32, #tpu.memory_space<vmem>> -> memref<128xi32, #tpu.memory_space<vmem>>
    %dma_wait3A_50 = arith.constant 0 : i32
    %dma_wait3A_51 = arith.constant 0 : i32
    %dma_wait3A_52 = tpu.memref_slice %arg3[%dma_wait3A_50, %dma_wait3A_51] : memref<100000x128xf32, #tpu.memory_space<hbm>> -> memref<100000x128xf32, #tpu.memory_space<hbm>>
    tpu.wait_indirect_dma semaphore(%arg13 : memref<!tpu.dma_semaphore, #tpu.memory_space<semaphore_mem>>) src(%dma_wait3A_52 : memref<100000x128xf32, #tpu.memory_space<hbm>>) dst(%arg7 : memref<128x128xf32, #tpu.memory_space<vmem>>)
    %add3A_53 = arith.constant 188416 : i32
    %add3A_54 = arith.addi %add3A_53, %mul3A_2 : i32
    %dma_wait3A_55 = arith.constant 0 : i32
    %dma_wait3A_56 = tpu.memref_slice %arg4[%add3A_54, %dma_wait3A_55] : memref<204800x128xf32, #tpu.memory_space<hbm>> -> memref<128x128xf32, #tpu.memory_space<hbm>>
    %dma_wait3A_57 = arith.constant 0 : i32
    %dma_wait3A_58 = tpu.memref_slice %arg4[%add3A_54, %dma_wait3A_57] : memref<204800x128xf32, #tpu.memory_space<hbm>> -> memref<128x128xf32, #tpu.memory_space<hbm>>
    tpu.wait_dma2 semaphore(%arg16 : memref<!tpu.dma_semaphore, #tpu.memory_space<semaphore_mem>>) src(%arg10 : memref<128x128xf32, #tpu.memory_space<vmem>>) dst(%dma_wait3A_58 : memref<128x128xf32, #tpu.memory_space<hbm>>)
    %scan3A_59 = arith.constant 0 : i32
    %scan3A_60 = arith.constant 0 : i32
    %scan3A_61 = arith.constant 32 : i32
    %scan3A_62 = arith.addi %scan3A_60, %scan3A_61 : i32
    %scan3A_63 = arith.constant 1 : i32
    scf.for %scan3A_89 = %scan3A_60 to %scan3A_62 step %scan3A_63  : i32 {
      %mul3A_90 = arith.constant 4 : i32
      %mul3A_91 = arith.muli %scan3A_89, %mul3A_90 : i32
      %add3A_92 = arith.constant 0 : i32
      %add3A_93 = arith.addi %mul3A_91, %add3A_92 : i32
      %get3A = arith.index_cast %add3A_93 : i32 to index
      %get3A_94 = arith.constant 0 : index
      %get3A_95 = tpu.vector_load %arg7[%get3A, %get3A_94] {strides = array<i32>} : memref<128x128xf32, #tpu.memory_space<vmem>>, vector<1x16xf32>,
      %get3A_96 = vector.shape_cast %get3A_95 : vector<1x16xf32> to vector<16xf32>
      %mul3A_97 = arith.constant 11.3137083 : f32
      %mul3A_98 = vector.broadcast %mul3A_97 : f32 to vector<16xf32>
      %mul3A_99 = arith.mulf %get3A_96, %mul3A_98 : vector<16xf32>
      %swap3A = arith.index_cast %add3A_93 : i32 to index
      %swap3A_100 = arith.constant 0 : index
      %swap3A_101 = tpu.vector_load %arg10[%swap3A, %swap3A_100] {strides = array<i32>} : memref<128x128xf32, #tpu.memory_space<vmem>>, vector<1x16xf32>,
      %swap3A_102 = vector.shape_cast %swap3A_101 : vector<1x16xf32> to vector<16xf32>
      %swap3A_103 = vector.shape_cast %mul3A_99 : vector<16xf32> to vector<1x16xf32>
      tpu.vector_store %arg10[%swap3A, %swap3A_100], %swap3A_103 {strides = array<i32>} : memref<128x128xf32, #tpu.memory_space<vmem>>, vector<1x16xf32>,
      %get3A_104 = arith.index_cast %add3A_93 : i32 to index
      %get3A_105 = arith.constant 16 : index
      %get3A_106 = tpu.vector_load %arg7[%get3A_104, %get3A_105] {strides = array<i32>} : memref<128x128xf32, #tpu.memory_space<vmem>>, vector<1x16xf32>,
      %get3A_107 = vector.shape_cast %get3A_106 : vector<1x16xf32> to vector<16xf32>
      %mul3A_108 = arith.constant 11.3137083 : f32
      %mul3A_109 = vector.broadcast %mul3A_108 : f32 to vector<16xf32>
      %mul3A_110 = arith.mulf %get3A_107, %mul3A_109 : vector<16xf32>
      %swap3A_111 = arith.index_cast %add3A_93 : i32 to index
      %swap3A_112 = arith.constant 16 : index
      %swap3A_113 = tpu.vector_load %arg10[%swap3A_111, %swap3A_112] {strides = array<i32>} : memref<128x128xf32, #tpu.memory_space<vmem>>, vector<1x16xf32>,
      %swap3A_114 = vector.shape_cast %swap3A_113 : vector<1x16xf32> to vector<16xf32>
      %swap3A_115 = vector.shape_cast %mul3A_110 : vector<16xf32> to vector<1x16xf32>
      tpu.vector_store %arg10[%swap3A_111, %swap3A_112], %swap3A_115 {strides = array<i32>} : memref<128x128xf32, #tpu.memory_space<vmem>>, vector<1x16xf32>,
      %get3A_116 = arith.index_cast %add3A_93 : i32 to index
      %get3A_117 = arith.constant 32 : index
      %get3A_118 = tpu.vector_load %arg7[%get3A_116, %get3A_117] {strides = array<i32>} : memref<128x128xf32, #tpu.memory_space<vmem>>, vector<1x16xf32>,
      %get3A_119 = vector.shape_cast %get3A_118 : vector<1x16xf32> to vector<16xf32>
      %mul3A_120 = arith.constant 11.3137083 : f32
      %mul3A_121 = vector.broadcast %mul3A_120 : f32 to vector<16xf32>
      %mul3A_122 = arith.mulf %get3A_119, %mul3A_121 : vector<16xf32>
      %swap3A_123 = arith.index_cast %add3A_93 : i32 to index
      %swap3A_124 = arith.constant 32 : index
      %swap3A_125 = tpu.vector_load %arg10[%swap3A_123, %swap3A_124] {strides = array<i32>} : memref<128x128xf32, #tpu.memory_space<vmem>>, vector<1x16xf32>,
      %swap3A_126 = vector.shape_cast %swap3A_125 : vector<1x16xf32> to vector<16xf32>
      %swap3A_127 = vector.shape_cast %mul3A_122 : vector<16xf32> to vector<1x16xf32>
      tpu.vector_store %arg10[%swap3A_123, %swap3A_124], %swap3A_127 {strides = array<i32>} : memref<128x128xf32, #tpu.memory_space<vmem>>, vector<1x16xf32>,
      %get3A_128 = arith.index_cast %add3A_93 : i32 to index
      %get3A_129 = arith.constant 48 : index
      %get3A_130 = tpu.vector_load %arg7[%get3A_128, %get3A_129] {strides = array<i32>} : memref<128x128xf32, #tpu.memory_space<vmem>>, vector<1x16xf32>,
      %get3A_131 = vector.shape_cast %get3A_130 : vector<1x16xf32> to vector<16xf32>
      %mul3A_132 = arith.constant 11.3137083 : f32
      %mul3A_133 = vector.broadcast %mul3A_132 : f32 to vector<16xf32>
      %mul3A_134 = arith.mulf %get3A_131, %mul3A_133 : vector<16xf32>
      %swap3A_135 = arith.index_cast %add3A_93 : i32 to index
      %swap3A_136 = arith.constant 48 : index
      %swap3A_137 = tpu.vector_load %arg10[%swap3A_135, %swap3A_136] {strides = array<i32>} : memref<128x128xf32, #tpu.memory_space<vmem>>, vector<1x16xf32>,
      %swap3A_138 = vector.shape_cast %swap3A_137 : vector<1x16xf32> to vector<16xf32>
      %swap3A_139 = vector.shape_cast %mul3A_134 : vector<16xf32> to vector<1x16xf32>
      tpu.vector_store %arg10[%swap3A_135, %swap3A_136], %swap3A_139 {strides = array<i32>} : memref<128x128xf32, #tpu.memory_space<vmem>>, vector<1x16xf32>,
      %get3A_140 = arith.index_cast %add3A_93 : i32 to index
      %get3A_141 = arith.constant 64 : index
      %get3A_142 = tpu.vector_load %arg7[%get3A_140, %get3A_141] {strides = array<i32>} : memref<128x128xf32, #tpu.memory_space<vmem>>, vector<1x16xf32>,
      %get3A_143 = vector.shape_cast %get3A_142 : vector<1x16xf32> to vector<16xf32>
      %mul3A_144 = arith.constant 11.3137083 : f32
      %mul3A_145 = vector.broadcast %mul3A_144 : f32 to vector<16xf32>
      %mul3A_146 = arith.mulf %get3A_143, %mul3A_145 : vector<16xf32>
      %swap3A_147 = arith.index_cast %add3A_93 : i32 to index
      %swap3A_148 = arith.constant 64 : index
      %swap3A_149 = tpu.vector_load %arg10[%swap3A_147, %swap3A_148] {strides = array<i32>} : memref<128x128xf32, #tpu.memory_space<vmem>>, vector<1x16xf32>,
      %swap3A_150 = vector.shape_cast %swap3A_149 : vector<1x16xf32> to vector<16xf32>
      %swap3A_151 = vector.shape_cast %mul3A_146 : vector<16xf32> to vector<1x16xf32>
      tpu.vector_store %arg10[%swap3A_147, %swap3A_148], %swap3A_151 {strides = array<i32>} : memref<128x128xf32, #tpu.memory_space<vmem>>, vector<1x16xf32>,
      %get3A_152 = arith.index_cast %add3A_93 : i32 to index
      %get3A_153 = arith.constant 80 : index
      %get3A_154 = tpu.vector_load %arg7[%get3A_152, %get3A_153] {strides = array<i32>} : memref<128x128xf32, #tpu.memory_space<vmem>>, vector<1x16xf32>,
      %get3A_155 = vector.shape_cast %get3A_154 : vector<1x16xf32> to vector<16xf32>
      %mul3A_156 = arith.constant 11.3137083 : f32
      %mul3A_157 = vector.broadcast %mul3A_156 : f32 to vector<16xf32>
      %mul3A_158 = arith.mulf %get3A_155, %mul3A_157 : vector<16xf32>
      %swap3A_159 = arith.index_cast %add3A_93 : i32 to index
      %swap3A_160 = arith.constant 80 : index
      %swap3A_161 = tpu.vector_load %arg10[%swap3A_159, %swap3A_160] {strides = array<i32>} : memref<128x128xf32, #tpu.memory_space<vmem>>, vector<1x16xf32>,
      %swap3A_162 = vector.shape_cast %swap3A_161 : vector<1x16xf32> to vector<16xf32>
      %swap3A_163 = vector.shape_cast %mul3A_158 : vector<16xf32> to vector<1x16xf32>
      tpu.vector_store %arg10[%swap3A_159, %swap3A_160], %swap3A_163 {strides = array<i32>} : memref<128x128xf32, #tpu.memory_space<vmem>>, vector<1x16xf32>,
      %get3A_164 = arith.index_cast %add3A_93 : i32 to index
      %get3A_165 = arith.constant 96 : index
      %get3A_166 = tpu.vector_load %arg7[%get3A_164, %get3A_165] {strides = array<i32>} : memref<128x128xf32, #tpu.memory_space<vmem>>, vector<1x16xf32>,
      %get3A_167 = vector.shape_cast %get3A_166 : vector<1x16xf32> to vector<16xf32>
      %mul3A_168 = arith.constant 11.3137083 : f32
      %mul3A_169 = vector.broadcast %mul3A_168 : f32 to vector<16xf32>
      %mul3A_170 = arith.mulf %get3A_167, %mul3A_169 : vector<16xf32>
      %swap3A_171 = arith.index_cast %add3A_93 : i32 to index
      %swap3A_172 = arith.constant 96 : index
      %swap3A_173 = tpu.vector_load %arg10[%swap3A_171, %swap3A_172] {strides = array<i32>} : memref<128x128xf32, #tpu.memory_space<vmem>>, vector<1x16xf32>,
      %swap3A_174 = vector.shape_cast %swap3A_173 : vector<1x16xf32> to vector<16xf32>
      %swap3A_175 = vector.shape_cast %mul3A_170 : vector<16xf32> to vector<1x16xf32>
      tpu.vector_store %arg10[%swap3A_171, %swap3A_172], %swap3A_175 {strides = array<i32>} : memref<128x128xf32, #tpu.memory_space<vmem>>, vector<1x16xf32>,
      %get3A_176 = arith.index_cast %add3A_93 : i32 to index
      %get3A_177 = arith.constant 112 : index
      %get3A_178 = tpu.vector_load %arg7[%get3A_176, %get3A_177] {strides = array<i32>} : memref<128x128xf32, #tpu.memory_space<vmem>>, vector<1x16xf32>,
      %get3A_179 = vector.shape_cast %get3A_178 : vector<1x16xf32> to vector<16xf32>
      %mul3A_180 = arith.constant 11.3137083 : f32
      %mul3A_181 = vector.broadcast %mul3A_180 : f32 to vector<16xf32>
      %mul3A_182 = arith.mulf %get3A_179, %mul3A_181 : vector<16xf32>
      %swap3A_183 = arith.index_cast %add3A_93 : i32 to index
      %swap3A_184 = arith.constant 112 : index
      %swap3A_185 = tpu.vector_load %arg10[%swap3A_183, %swap3A_184] {strides = array<i32>} : memref<128x128xf32, #tpu.memory_space<vmem>>, vector<1x16xf32>,
      %swap3A_186 = vector.shape_cast %swap3A_185 : vector<1x16xf32> to vector<16xf32>
      %swap3A_187 = vector.shape_cast %mul3A_182 : vector<16xf32> to vector<1x16xf32>
      tpu.vector_store %arg10[%swap3A_183, %swap3A_184], %swap3A_187 {strides = array<i32>} : memref<128x128xf32, #tpu.memory_space<vmem>>, vector<1x16xf32>,
      %mul3A_188 = arith.constant 4 : i32
      %mul3A_189 = arith.muli %scan3A_89, %mul3A_188 : i32
      %add3A_190 = arith.constant 1 : i32
      %add3A_191 = arith.addi %mul3A_189, %add3A_190 : i32
      %get3A_192 = arith.index_cast %add3A_191 : i32 to index
      %get3A_193 = arith.constant 0 : index
      %get3A_194 = tpu.vector_load %arg7[%get3A_192, %get3A_193] {strides = array<i32>} : memref<128x128xf32, #tpu.memory_space<vmem>>, vector<1x16xf32>,
      %get3A_195 = vector.shape_cast %get3A_194 : vector<1x16xf32> to vector<16xf32>
      %mul3A_196 = arith.constant 11.3137083 : f32
      %mul3A_197 = vector.broadcast %mul3A_196 : f32 to vector<16xf32>
      %mul3A_198 = arith.mulf %get3A_195, %mul3A_197 : vector<16xf32>
      %swap3A_199 = arith.index_cast %add3A_191 : i32 to index
      %swap3A_200 = arith.constant 0 : index
      %swap3A_201 = tpu.vector_load %arg10[%swap3A_199, %swap3A_200] {strides = array<i32>} : memref<128x128xf32, #tpu.memory_space<vmem>>, vector<1x16xf32>,
      %swap3A_202 = vector.shape_cast %swap3A_201 : vector<1x16xf32> to vector<16xf32>
      %swap3A_203 = vector.shape_cast %mul3A_198 : vector<16xf32> to vector<1x16xf32>
      tpu.vector_store %arg10[%swap3A_199, %swap3A_200], %swap3A_203 {strides = array<i32>} : memref<128x128xf32, #tpu.memory_space<vmem>>, vector<1x16xf32>,
      %get3A_204 = arith.index_cast %add3A_191 : i32 to index
      %get3A_205 = arith.constant 16 : index
      %get3A_206 = tpu.vector_load %arg7[%get3A_204, %get3A_205] {strides = array<i32>} : memref<128x128xf32, #tpu.memory_space<vmem>>, vector<1x16xf32>,
      %get3A_207 = vector.shape_cast %get3A_206 : vector<1x16xf32> to vector<16xf32>
      %mul3A_208 = arith.constant 11.3137083 : f32
      %mul3A_209 = vector.broadcast %mul3A_208 : f32 to vector<16xf32>
      %mul3A_210 = arith.mulf %get3A_207, %mul3A_209 : vector<16xf32>
      %swap3A_211 = arith.index_cast %add3A_191 : i32 to index
      %swap3A_212 = arith.constant 16 : index
      %swap3A_213 = tpu.vector_load %arg10[%swap3A_211, %swap3A_212] {strides = array<i32>} : memref<128x128xf32, #tpu.memory_space<vmem>>, vector<1x16xf32>,
      %swap3A_214 = vector.shape_cast %swap3A_213 : vector<1x16xf32> to vector<16xf32>
      %swap3A_215 = vector.shape_cast %mul3A_210 : vector<16xf32> to vector<1x16xf32>
      tpu.vector_store %arg10[%swap3A_211, %swap3A_212], %swap3A_215 {strides = array<i32>} : memref<128x128xf32, #tpu.memory_space<vmem>>, vector<1x16xf32>,
      %get3A_216 = arith.index_cast %add3A_191 : i32 to index
      %get3A_217 = arith.constant 32 : index
      %get3A_218 = tpu.vector_load %arg7[%get3A_216, %get3A_217] {strides = array<i32>} : memref<128x128xf32, #tpu.memory_space<vmem>>, vector<1x16xf32>,
      %get3A_219 = vector.shape_cast %get3A_218 : vector<1x16xf32> to vector<16xf32>
      %mul3A_220 = arith.constant 11.3137083 : f32
      %mul3A_221 = vector.broadcast %mul3A_220 : f32 to vector<16xf32>
      %mul3A_222 = arith.mulf %get3A_219, %mul3A_221 : vector<16xf32>
      %swap3A_223 = arith.index_cast %add3A_191 : i32 to index
      %swap3A_224 = arith.constant 32 : index
      %swap3A_225 = tpu.vector_load %arg10[%swap3A_223, %swap3A_224] {strides = array<i32>} : memref<128x128xf32, #tpu.memory_space<vmem>>, vector<1x16xf32>,
      %swap3A_226 = vector.shape_cast %swap3A_225 : vector<1x16xf32> to vector<16xf32>
      %swap3A_227 = vector.shape_cast %mul3A_222 : vector<16xf32> to vector<1x16xf32>
      tpu.vector_store %arg10[%swap3A_223, %swap3A_224], %swap3A_227 {strides = array<i32>} : memref<128x128xf32, #tpu.memory_space<vmem>>, vector<1x16xf32>,
      %get3A_228 = arith.index_cast %add3A_191 : i32 to index
      %get3A_229 = arith.constant 48 : index
      %get3A_230 = tpu.vector_load %arg7[%get3A_228, %get3A_229] {strides = array<i32>} : memref<128x128xf32, #tpu.memory_space<vmem>>, vector<1x16xf32>,
      %get3A_231 = vector.shape_cast %get3A_230 : vector<1x16xf32> to vector<16xf32>
      %mul3A_232 = arith.constant 11.3137083 : f32
      %mul3A_233 = vector.broadcast %mul3A_232 : f32 to vector<16xf32>
      %mul3A_234 = arith.mulf %get3A_231, %mul3A_233 : vector<16xf32>
      %swap3A_235 = arith.index_cast %add3A_191 : i32 to index
      %swap3A_236 = arith.constant 48 : index
      %swap3A_237 = tpu.vector_load %arg10[%swap3A_235, %swap3A_236] {strides = array<i32>} : memref<128x128xf32, #tpu.memory_space<vmem>>, vector<1x16xf32>,
      %swap3A_238 = vector.shape_cast %swap3A_237 : vector<1x16xf32> to vector<16xf32>
      %swap3A_239 = vector.shape_cast %mul3A_234 : vector<16xf32> to vector<1x16xf32>
      tpu.vector_store %arg10[%swap3A_235, %swap3A_236], %swap3A_239 {strides = array<i32>} : memref<128x128xf32, #tpu.memory_space<vmem>>, vector<1x16xf32>,
      %get3A_240 = arith.index_cast %add3A_191 : i32 to index
      %get3A_241 = arith.constant 64 : index
      %get3A_242 = tpu.vector_load %arg7[%get3A_240, %get3A_241] {strides = array<i32>} : memref<128x128xf32, #tpu.memory_space<vmem>>, vector<1x16xf32>,
      %get3A_243 = vector.shape_cast %get3A_242 : vector<1x16xf32> to vector<16xf32>
      %mul3A_244 = arith.constant 11.3137083 : f32
      %mul3A_245 = vector.broadcast %mul3A_244 : f32 to vector<16xf32>
      %mul3A_246 = arith.mulf %get3A_243, %mul3A_245 : vector<16xf32>
      %swap3A_247 = arith.index_cast %add3A_191 : i32 to index
      %swap3A_248 = arith.constant 64 : index
      %swap3A_249 = tpu.vector_load %arg10[%swap3A_247, %swap3A_248] {strides = array<i32>} : memref<128x128xf32, #tpu.memory_space<vmem>>, vector<1x16xf32>,
      %swap3A_250 = vector.shape_cast %swap3A_249 : vector<1x16xf32> to vector<16xf32>
      %swap3A_251 = vector.shape_cast %mul3A_246 : vector<16xf32> to vector<1x16xf32>
      tpu.vector_store %arg10[%swap3A_247, %swap3A_248], %swap3A_251 {strides = array<i32>} : memref<128x128xf32, #tpu.memory_space<vmem>>, vector<1x16xf32>,
      %get3A_252 = arith.index_cast %add3A_191 : i32 to index
      %get3A_253 = arith.constant 80 : index
      %get3A_254 = tpu.vector_load %arg7[%get3A_252, %get3A_253] {strides = array<i32>} : memref<128x128xf32, #tpu.memory_space<vmem>>, vector<1x16xf32>,
      %get3A_255 = vector.shape_cast %get3A_254 : vector<1x16xf32> to vector<16xf32>
      %mul3A_256 = arith.constant 11.3137083 : f32
      %mul3A_257 = vector.broadcast %mul3A_256 : f32 to vector<16xf32>
      %mul3A_258 = arith.mulf %get3A_255, %mul3A_257 : vector<16xf32>
      %swap3A_259 = arith.index_cast %add3A_191 : i32 to index
      %swap3A_260 = arith.constant 80 : index
      %swap3A_261 = tpu.vector_load %arg10[%swap3A_259, %swap3A_260] {strides = array<i32>} : memref<128x128xf32, #tpu.memory_space<vmem>>, vector<1x16xf32>,
      %swap3A_262 = vector.shape_cast %swap3A_261 : vector<1x16xf32> to vector<16xf32>
      %swap3A_263 = vector.shape_cast %mul3A_258 : vector<16xf32> to vector<1x16xf32>
      tpu.vector_store %arg10[%swap3A_259, %swap3A_260], %swap3A_263 {strides = array<i32>} : memref<128x128xf32, #tpu.memory_space<vmem>>, vector<1x16xf32>,
      %get3A_264 = arith.index_cast %add3A_191 : i32 to index
      %get3A_265 = arith.constant 96 : index
      %get3A_266 = tpu.vector_load %arg7[%get3A_264, %get3A_265] {strides = array<i32>} : memref<128x128xf32, #tpu.memory_space<vmem>>, vector<1x16xf32>,
      %get3A_267 = vector.shape_cast %get3A_266 : vector<1x16xf32> to vector<16xf32>
      %mul3A_268 = arith.constant 11.3137083 : f32
      %mul3A_269 = vector.broadcast %mul3A_268 : f32 to vector<16xf32>
      %mul3A_270 = arith.mulf %get3A_267, %mul3A_269 : vector<16xf32>
      %swap3A_271 = arith.index_cast %add3A_191 : i32 to index
      %swap3A_272 = arith.constant 96 : index
      %swap3A_273 = tpu.vector_load %arg10[%swap3A_271, %swap3A_272] {strides = array<i32>} : memref<128x128xf32, #tpu.memory_space<vmem>>, vector<1x16xf32>,
      %swap3A_274 = vector.shape_cast %swap3A_273 : vector<1x16xf32> to vector<16xf32>
      %swap3A_275 = vector.shape_cast %mul3A_270 : vector<16xf32> to vector<1x16xf32>
      tpu.vector_store %arg10[%swap3A_271, %swap3A_272], %swap3A_275 {strides = array<i32>} : memref<128x128xf32, #tpu.memory_space<vmem>>, vector<1x16xf32>,
      %get3A_276 = arith.index_cast %add3A_191 : i32 to index
      %get3A_277 = arith.constant 112 : index
      %get3A_278 = tpu.vector_load %arg7[%get3A_276, %get3A_277] {strides = array<i32>} : memref<128x128xf32, #tpu.memory_space<vmem>>, vector<1x16xf32>,
      %get3A_279 = vector.shape_cast %get3A_278 : vector<1x16xf32> to vector<16xf32>
      %mul3A_280 = arith.constant 11.3137083 : f32
      %mul3A_281 = vector.broadcast %mul3A_280 : f32 to vector<16xf32>
      %mul3A_282 = arith.mulf %get3A_279, %mul3A_281 : vector<16xf32>
      %swap3A_283 = arith.index_cast %add3A_191 : i32 to index
      %swap3A_284 = arith.constant 112 : index
      %swap3A_285 = tpu.vector_load %arg10[%swap3A_283, %swap3A_284] {strides = array<i32>} : memref<128x128xf32, #tpu.memory_space<vmem>>, vector<1x16xf32>,
      %swap3A_286 = vector.shape_cast %swap3A_285 : vector<1x16xf32> to vector<16xf32>
      %swap3A_287 = vector.shape_cast %mul3A_282 : vector<16xf32> to vector<1x16xf32>
      tpu.vector_store %arg10[%swap3A_283, %swap3A_284], %swap3A_287 {strides = array<i32>} : memref<128x128xf32, #tpu.memory_space<vmem>>, vector<1x16xf32>,
      %mul3A_288 = arith.constant 4 : i32
      %mul3A_289 = arith.muli %scan3A_89, %mul3A_288 : i32
      %add3A_290 = arith.constant 2 : i32
      %add3A_291 = arith.addi %mul3A_289, %add3A_290 : i32
      %get3A_292 = arith.index_cast %add3A_291 : i32 to index
      %get3A_293 = arith.constant 0 : index
      %get3A_294 = tpu.vector_load %arg7[%get3A_292, %get3A_293] {strides = array<i32>} : memref<128x128xf32, #tpu.memory_space<vmem>>, vector<1x16xf32>,
      %get3A_295 = vector.shape_cast %get3A_294 : vector<1x16xf32> to vector<16xf32>
      %mul3A_296 = arith.constant 11.3137083 : f32
      %mul3A_297 = vector.broadcast %mul3A_296 : f32 to vector<16xf32>
      %mul3A_298 = arith.mulf %get3A_295, %mul3A_297 : vector<16xf32>
      %swap3A_299 = arith.index_cast %add3A_291 : i32 to index
      %swap3A_300 = arith.constant 0 : index
      %swap3A_301 = tpu.vector_load %arg10[%swap3A_299, %swap3A_300] {strides = array<i32>} : memref<128x128xf32, #tpu.memory_space<vmem>>, vector<1x16xf32>,
      %swap3A_302 = vector.shape_cast %swap3A_301 : vector<1x16xf32> to vector<16xf32>
      %swap3A_303 = vector.shape_cast %mul3A_298 : vector<16xf32> to vector<1x16xf32>
      tpu.vector_store %arg10[%swap3A_299, %swap3A_300], %swap3A_303 {strides = array<i32>} : memref<128x128xf32, #tpu.memory_space<vmem>>, vector<1x16xf32>,
      %get3A_304 = arith.index_cast %add3A_291 : i32 to index
      %get3A_305 = arith.constant 16 : index
      %get3A_306 = tpu.vector_load %arg7[%get3A_304, %get3A_305] {strides = array<i32>} : memref<128x128xf32, #tpu.memory_space<vmem>>, vector<1x16xf32>,
      %get3A_307 = vector.shape_cast %get3A_306 : vector<1x16xf32> to vector<16xf32>
      %mul3A_308 = arith.constant 11.3137083 : f32
      %mul3A_309 = vector.broadcast %mul3A_308 : f32 to vector<16xf32>
      %mul3A_310 = arith.mulf %get3A_307, %mul3A_309 : vector<16xf32>
      %swap3A_311 = arith.index_cast %add3A_291 : i32 to index
      %swap3A_312 = arith.constant 16 : index
      %swap3A_313 = tpu.vector_load %arg10[%swap3A_311, %swap3A_312] {strides = array<i32>} : memref<128x128xf32, #tpu.memory_space<vmem>>, vector<1x16xf32>,
      %swap3A_314 = vector.shape_cast %swap3A_313 : vector<1x16xf32> to vector<16xf32>
      %swap3A_315 = vector.shape_cast %mul3A_310 : vector<16xf32> to vector<1x16xf32>
      tpu.vector_store %arg10[%swap3A_311, %swap3A_312], %swap3A_315 {strides = array<i32>} : memref<128x128xf32, #tpu.memory_space<vmem>>, vector<1x16xf32>,
      %get3A_316 = arith.index_cast %add3A_291 : i32 to index
      %get3A_317 = arith.constant 32 : index
      %get3A_318 = tpu.vector_load %arg7[%get3A_316, %get3A_317] {strides = array<i32>} : memref<128x128xf32, #tpu.memory_space<vmem>>, vector<1x16xf32>,
      %get3A_319 = vector.shape_cast %get3A_318 : vector<1x16xf32> to vector<16xf32>
      %mul3A_320 = arith.constant 11.3137083 : f32
      %mul3A_321 = vector.broadcast %mul3A_320 : f32 to vector<16xf32>
      %mul3A_322 = arith.mulf %get3A_319, %mul3A_321 : vector<16xf32>
      %swap3A_323 = arith.index_cast %add3A_291 : i32 to index
      %swap3A_324 = arith.constant 32 : index
      %swap3A_325 = tpu.vector_load %arg10[%swap3A_323, %swap3A_324] {strides = array<i32>} : memref<128x128xf32, #tpu.memory_space<vmem>>, vector<1x16xf32>,
      %swap3A_326 = vector.shape_cast %swap3A_325 : vector<1x16xf32> to vector<16xf32>
      %swap3A_327 = vector.shape_cast %mul3A_322 : vector<16xf32> to vector<1x16xf32>
      tpu.vector_store %arg10[%swap3A_323, %swap3A_324], %swap3A_327 {strides = array<i32>} : memref<128x128xf32, #tpu.memory_space<vmem>>, vector<1x16xf32>,
      %get3A_328 = arith.index_cast %add3A_291 : i32 to index
      %get3A_329 = arith.constant 48 : index
      %get3A_330 = tpu.vector_load %arg7[%get3A_328, %get3A_329] {strides = array<i32>} : memref<128x128xf32, #tpu.memory_space<vmem>>, vector<1x16xf32>,
      %get3A_331 = vector.shape_cast %get3A_330 : vector<1x16xf32> to vector<16xf32>
      %mul3A_332 = arith.constant 11.3137083 : f32
      %mul3A_333 = vector.broadcast %mul3A_332 : f32 to vector<16xf32>
      %mul3A_334 = arith.mulf %get3A_331, %mul3A_333 : vector<16xf32>
      %swap3A_335 = arith.index_cast %add3A_291 : i32 to index
      %swap3A_336 = arith.constant 48 : index
      %swap3A_337 = tpu.vector_load %arg10[%swap3A_335, %swap3A_336] {strides = array<i32>} : memref<128x128xf32, #tpu.memory_space<vmem>>, vector<1x16xf32>,
      %swap3A_338 = vector.shape_cast %swap3A_337 : vector<1x16xf32> to vector<16xf32>
      %swap3A_339 = vector.shape_cast %mul3A_334 : vector<16xf32> to vector<1x16xf32>
      tpu.vector_store %arg10[%swap3A_335, %swap3A_336], %swap3A_339 {strides = array<i32>} : memref<128x128xf32, #tpu.memory_space<vmem>>, vector<1x16xf32>,
      %get3A_340 = arith.index_cast %add3A_291 : i32 to index
      %get3A_341 = arith.constant 64 : index
      %get3A_342 = tpu.vector_load %arg7[%get3A_340, %get3A_341] {strides = array<i32>} : memref<128x128xf32, #tpu.memory_space<vmem>>, vector<1x16xf32>,
      %get3A_343 = vector.shape_cast %get3A_342 : vector<1x16xf32> to vector<16xf32>
      %mul3A_344 = arith.constant 11.3137083 : f32
      %mul3A_345 = vector.broadcast %mul3A_344 : f32 to vector<16xf32>
      %mul3A_346 = arith.mulf %get3A_343, %mul3A_345 : vector<16xf32>
      %swap3A_347 = arith.index_cast %add3A_291 : i32 to index
      %swap3A_348 = arith.constant 64 : index
      %swap3A_349 = tpu.vector_load %arg10[%swap3A_347, %swap3A_348] {strides = array<i32>} : memref<128x128xf32, #tpu.memory_space<vmem>>, vector<1x16xf32>,
      %swap3A_350 = vector.shape_cast %swap3A_349 : vector<1x16xf32> to vector<16xf32>
      %swap3A_351 = vector.shape_cast %mul3A_346 : vector<16xf32> to vector<1x16xf32>
      tpu.vector_store %arg10[%swap3A_347, %swap3A_348], %swap3A_351 {strides = array<i32>} : memref<128x128xf32, #tpu.memory_space<vmem>>, vector<1x16xf32>,
      %get3A_352 = arith.index_cast %add3A_291 : i32 to index
      %get3A_353 = arith.constant 80 : index
      %get3A_354 = tpu.vector_load %arg7[%get3A_352, %get3A_353] {strides = array<i32>} : memref<128x128xf32, #tpu.memory_space<vmem>>, vector<1x16xf32>,
      %get3A_355 = vector.shape_cast %get3A_354 : vector<1x16xf32> to vector<16xf32>
      %mul3A_356 = arith.constant 11.3137083 : f32
      %mul3A_357 = vector.broadcast %mul3A_356 : f32 to vector<16xf32>
      %mul3A_358 = arith.mulf %get3A_355, %mul3A_357 : vector<16xf32>
      %swap3A_359 = arith.index_cast %add3A_291 : i32 to index
      %swap3A_360 = arith.constant 80 : index
      %swap3A_361 = tpu.vector_load %arg10[%swap3A_359, %swap3A_360] {strides = array<i32>} : memref<128x128xf32, #tpu.memory_space<vmem>>, vector<1x16xf32>,
      %swap3A_362 = vector.shape_cast %swap3A_361 : vector<1x16xf32> to vector<16xf32>
      %swap3A_363 = vector.shape_cast %mul3A_358 : vector<16xf32> to vector<1x16xf32>
      tpu.vector_store %arg10[%swap3A_359, %swap3A_360], %swap3A_363 {strides = array<i32>} : memref<128x128xf32, #tpu.memory_space<vmem>>, vector<1x16xf32>,
      %get3A_364 = arith.index_cast %add3A_291 : i32 to index
      %get3A_365 = arith.constant 96 : index
      %get3A_366 = tpu.vector_load %arg7[%get3A_364, %get3A_365] {strides = array<i32>} : memref<128x128xf32, #tpu.memory_space<vmem>>, vector<1x16xf32>,
      %get3A_367 = vector.shape_cast %get3A_366 : vector<1x16xf32> to vector<16xf32>
      %mul3A_368 = arith.constant 11.3137083 : f32
      %mul3A_369 = vector.broadcast %mul3A_368 : f32 to vector<16xf32>
      %mul3A_370 = arith.mulf %get3A_367, %mul3A_369 : vector<16xf32>
      %swap3A_371 = arith.index_cast %add3A_291 : i32 to index
      %swap3A_372 = arith.constant 96 : index
      %swap3A_373 = tpu.vector_load %arg10[%swap3A_371, %swap3A_372] {strides = array<i32>} : memref<128x128xf32, #tpu.memory_space<vmem>>, vector<1x16xf32>,
      %swap3A_374 = vector.shape_cast %swap3A_373 : vector<1x16xf32> to vector<16xf32>
      %swap3A_375 = vector.shape_cast %mul3A_370 : vector<16xf32> to vector<1x16xf32>
      tpu.vector_store %arg10[%swap3A_371, %swap3A_372], %swap3A_375 {strides = array<i32>} : memref<128x128xf32, #tpu.memory_space<vmem>>, vector<1x16xf32>,
      %get3A_376 = arith.index_cast %add3A_291 : i32 to index
      %get3A_377 = arith.constant 112 : index
      %get3A_378 = tpu.vector_load %arg7[%get3A_376, %get3A_377] {strides = array<i32>} : memref<128x128xf32, #tpu.memory_space<vmem>>, vector<1x16xf32>,
      %get3A_379 = vector.shape_cast %get3A_378 : vector<1x16xf32> to vector<16xf32>
      %mul3A_380 = arith.constant 11.3137083 : f32
      %mul3A_381 = vector.broadcast %mul3A_380 : f32 to vector<16xf32>
      %mul3A_382 = arith.mulf %get3A_379, %mul3A_381 : vector<16xf32>
      %swap3A_383 = arith.index_cast %add3A_291 : i32 to index
      %swap3A_384 = arith.constant 112 : index
      %swap3A_385 = tpu.vector_load %arg10[%swap3A_383, %swap3A_384] {strides = array<i32>} : memref<128x128xf32, #tpu.memory_space<vmem>>, vector<1x16xf32>,
      %swap3A_386 = vector.shape_cast %swap3A_385 : vector<1x16xf32> to vector<16xf32>
      %swap3A_387 = vector.shape_cast %mul3A_382 : vector<16xf32> to vector<1x16xf32>
      tpu.vector_store %arg10[%swap3A_383, %swap3A_384], %swap3A_387 {strides = array<i32>} : memref<128x128xf32, #tpu.memory_space<vmem>>, vector<1x16xf32>,
      %mul3A_388 = arith.constant 4 : i32
      %mul3A_389 = arith.muli %scan3A_89, %mul3A_388 : i32
      %add3A_390 = arith.constant 3 : i32
      %add3A_391 = arith.addi %mul3A_389, %add3A_390 : i32
      %get3A_392 = arith.index_cast %add3A_391 : i32 to index
      %get3A_393 = arith.constant 0 : index
      %get3A_394 = tpu.vector_load %arg7[%get3A_392, %get3A_393] {strides = array<i32>} : memref<128x128xf32, #tpu.memory_space<vmem>>, vector<1x16xf32>,
      %get3A_395 = vector.shape_cast %get3A_394 : vector<1x16xf32> to vector<16xf32>
      %mul3A_396 = arith.constant 11.3137083 : f32
      %mul3A_397 = vector.broadcast %mul3A_396 : f32 to vector<16xf32>
      %mul3A_398 = arith.mulf %get3A_395, %mul3A_397 : vector<16xf32>
      %swap3A_399 = arith.index_cast %add3A_391 : i32 to index
      %swap3A_400 = arith.constant 0 : index
      %swap3A_401 = tpu.vector_load %arg10[%swap3A_399, %swap3A_400] {strides = array<i32>} : memref<128x128xf32, #tpu.memory_space<vmem>>, vector<1x16xf32>,
      %swap3A_402 = vector.shape_cast %swap3A_401 : vector<1x16xf32> to vector<16xf32>
      %swap3A_403 = vector.shape_cast %mul3A_398 : vector<16xf32> to vector<1x16xf32>
      tpu.vector_store %arg10[%swap3A_399, %swap3A_400], %swap3A_403 {strides = array<i32>} : memref<128x128xf32, #tpu.memory_space<vmem>>, vector<1x16xf32>,
      %get3A_404 = arith.index_cast %add3A_391 : i32 to index
      %get3A_405 = arith.constant 16 : index
      %get3A_406 = tpu.vector_load %arg7[%get3A_404, %get3A_405] {strides = array<i32>} : memref<128x128xf32, #tpu.memory_space<vmem>>, vector<1x16xf32>,
      %get3A_407 = vector.shape_cast %get3A_406 : vector<1x16xf32> to vector<16xf32>
      %mul3A_408 = arith.constant 11.3137083 : f32
      %mul3A_409 = vector.broadcast %mul3A_408 : f32 to vector<16xf32>
      %mul3A_410 = arith.mulf %get3A_407, %mul3A_409 : vector<16xf32>
      %swap3A_411 = arith.index_cast %add3A_391 : i32 to index
      %swap3A_412 = arith.constant 16 : index
      %swap3A_413 = tpu.vector_load %arg10[%swap3A_411, %swap3A_412] {strides = array<i32>} : memref<128x128xf32, #tpu.memory_space<vmem>>, vector<1x16xf32>,
      %swap3A_414 = vector.shape_cast %swap3A_413 : vector<1x16xf32> to vector<16xf32>
      %swap3A_415 = vector.shape_cast %mul3A_410 : vector<16xf32> to vector<1x16xf32>
      tpu.vector_store %arg10[%swap3A_411, %swap3A_412], %swap3A_415 {strides = array<i32>} : memref<128x128xf32, #tpu.memory_space<vmem>>, vector<1x16xf32>,
      %get3A_416 = arith.index_cast %add3A_391 : i32 to index
      %get3A_417 = arith.constant 32 : index
      %get3A_418 = tpu.vector_load %arg7[%get3A_416, %get3A_417] {strides = array<i32>} : memref<128x128xf32, #tpu.memory_space<vmem>>, vector<1x16xf32>,
      %get3A_419 = vector.shape_cast %get3A_418 : vector<1x16xf32> to vector<16xf32>
      %mul3A_420 = arith.constant 11.3137083 : f32
      %mul3A_421 = vector.broadcast %mul3A_420 : f32 to vector<16xf32>
      %mul3A_422 = arith.mulf %get3A_419, %mul3A_421 : vector<16xf32>
      %swap3A_423 = arith.index_cast %add3A_391 : i32 to index
      %swap3A_424 = arith.constant 32 : index
      %swap3A_425 = tpu.vector_load %arg10[%swap3A_423, %swap3A_424] {strides = array<i32>} : memref<128x128xf32, #tpu.memory_space<vmem>>, vector<1x16xf32>,
      %swap3A_426 = vector.shape_cast %swap3A_425 : vector<1x16xf32> to vector<16xf32>
      %swap3A_427 = vector.shape_cast %mul3A_422 : vector<16xf32> to vector<1x16xf32>
      tpu.vector_store %arg10[%swap3A_423, %swap3A_424], %swap3A_427 {strides = array<i32>} : memref<128x128xf32, #tpu.memory_space<vmem>>, vector<1x16xf32>,
      %get3A_428 = arith.index_cast %add3A_391 : i32 to index
      %get3A_429 = arith.constant 48 : index
      %get3A_430 = tpu.vector_load %arg7[%get3A_428, %get3A_429] {strides = array<i32>} : memref<128x128xf32, #tpu.memory_space<vmem>>, vector<1x16xf32>,
      %get3A_431 = vector.shape_cast %get3A_430 : vector<1x16xf32> to vector<16xf32>
      %mul3A_432 = arith.constant 11.3137083 : f32
      %mul3A_433 = vector.broadcast %mul3A_432 : f32 to vector<16xf32>
      %mul3A_434 = arith.mulf %get3A_431, %mul3A_433 : vector<16xf32>
      %swap3A_435 = arith.index_cast %add3A_391 : i32 to index
      %swap3A_436 = arith.constant 48 : index
      %swap3A_437 = tpu.vector_load %arg10[%swap3A_435, %swap3A_436] {strides = array<i32>} : memref<128x128xf32, #tpu.memory_space<vmem>>, vector<1x16xf32>,
      %swap3A_438 = vector.shape_cast %swap3A_437 : vector<1x16xf32> to vector<16xf32>
      %swap3A_439 = vector.shape_cast %mul3A_434 : vector<16xf32> to vector<1x16xf32>
      tpu.vector_store %arg10[%swap3A_435, %swap3A_436], %swap3A_439 {strides = array<i32>} : memref<128x128xf32, #tpu.memory_space<vmem>>, vector<1x16xf32>,
      %get3A_440 = arith.index_cast %add3A_391 : i32 to index
      %get3A_441 = arith.constant 64 : index
      %get3A_442 = tpu.vector_load %arg7[%get3A_440, %get3A_441] {strides = array<i32>} : memref<128x128xf32, #tpu.memory_space<vmem>>, vector<1x16xf32>,
      %get3A_443 = vector.shape_cast %get3A_442 : vector<1x16xf32> to vector<16xf32>
      %mul3A_444 = arith.constant 11.3137083 : f32
      %mul3A_445 = vector.broadcast %mul3A_444 : f32 to vector<16xf32>
      %mul3A_446 = arith.mulf %get3A_443, %mul3A_445 : vector<16xf32>
      %swap3A_447 = arith.index_cast %add3A_391 : i32 to index
      %swap3A_448 = arith.constant 64 : index
      %swap3A_449 = tpu.vector_load %arg10[%swap3A_447, %swap3A_448] {strides = array<i32>} : memref<128x128xf32, #tpu.memory_space<vmem>>, vector<1x16xf32>,
      %swap3A_450 = vector.shape_cast %swap3A_449 : vector<1x16xf32> to vector<16xf32>
      %swap3A_451 = vector.shape_cast %mul3A_446 : vector<16xf32> to vector<1x16xf32>
      tpu.vector_store %arg10[%swap3A_447, %swap3A_448], %swap3A_451 {strides = array<i32>} : memref<128x128xf32, #tpu.memory_space<vmem>>, vector<1x16xf32>,
      %get3A_452 = arith.index_cast %add3A_391 : i32 to index
      %get3A_453 = arith.constant 80 : index
      %get3A_454 = tpu.vector_load %arg7[%get3A_452, %get3A_453] {strides = array<i32>} : memref<128x128xf32, #tpu.memory_space<vmem>>, vector<1x16xf32>,
      %get3A_455 = vector.shape_cast %get3A_454 : vector<1x16xf32> to vector<16xf32>
      %mul3A_456 = arith.constant 11.3137083 : f32
      %mul3A_457 = vector.broadcast %mul3A_456 : f32 to vector<16xf32>
      %mul3A_458 = arith.mulf %get3A_455, %mul3A_457 : vector<16xf32>
      %swap3A_459 = arith.index_cast %add3A_391 : i32 to index
      %swap3A_460 = arith.constant 80 : index
      %swap3A_461 = tpu.vector_load %arg10[%swap3A_459, %swap3A_460] {strides = array<i32>} : memref<128x128xf32, #tpu.memory_space<vmem>>, vector<1x16xf32>,
      %swap3A_462 = vector.shape_cast %swap3A_461 : vector<1x16xf32> to vector<16xf32>
      %swap3A_463 = vector.shape_cast %mul3A_458 : vector<16xf32> to vector<1x16xf32>
      tpu.vector_store %arg10[%swap3A_459, %swap3A_460], %swap3A_463 {strides = array<i32>} : memref<128x128xf32, #tpu.memory_space<vmem>>, vector<1x16xf32>,
      %get3A_464 = arith.index_cast %add3A_391 : i32 to index
      %get3A_465 = arith.constant 96 : index
      %get3A_466 = tpu.vector_load %arg7[%get3A_464, %get3A_465] {strides = array<i32>} : memref<128x128xf32, #tpu.memory_space<vmem>>, vector<1x16xf32>,
      %get3A_467 = vector.shape_cast %get3A_466 : vector<1x16xf32> to vector<16xf32>
      %mul3A_468 = arith.constant 11.3137083 : f32
      %mul3A_469 = vector.broadcast %mul3A_468 : f32 to vector<16xf32>
      %mul3A_470 = arith.mulf %get3A_467, %mul3A_469 : vector<16xf32>
      %swap3A_471 = arith.index_cast %add3A_391 : i32 to index
      %swap3A_472 = arith.constant 96 : index
      %swap3A_473 = tpu.vector_load %arg10[%swap3A_471, %swap3A_472] {strides = array<i32>} : memref<128x128xf32, #tpu.memory_space<vmem>>, vector<1x16xf32>,
      %swap3A_474 = vector.shape_cast %swap3A_473 : vector<1x16xf32> to vector<16xf32>
      %swap3A_475 = vector.shape_cast %mul3A_470 : vector<16xf32> to vector<1x16xf32>
      tpu.vector_store %arg10[%swap3A_471, %swap3A_472], %swap3A_475 {strides = array<i32>} : memref<128x128xf32, #tpu.memory_space<vmem>>, vector<1x16xf32>,
      %get3A_476 = arith.index_cast %add3A_391 : i32 to index
      %get3A_477 = arith.constant 112 : index
      %get3A_478 = tpu.vector_load %arg7[%get3A_476, %get3A_477] {strides = array<i32>} : memref<128x128xf32, #tpu.memory_space<vmem>>, vector<1x16xf32>,
      %get3A_479 = vector.shape_cast %get3A_478 : vector<1x16xf32> to vector<16xf32>
      %mul3A_480 = arith.constant 11.3137083 : f32
      %mul3A_481 = vector.broadcast %mul3A_480 : f32 to vector<16xf32>
      %mul3A_482 = arith.mulf %get3A_479, %mul3A_481 : vector<16xf32>
      %swap3A_483 = arith.index_cast %add3A_391 : i32 to index
      %swap3A_484 = arith.constant 112 : index
      %swap3A_485 = tpu.vector_load %arg10[%swap3A_483, %swap3A_484] {strides = array<i32>} : memref<128x128xf32, #tpu.memory_space<vmem>>, vector<1x16xf32>,
      %swap3A_486 = vector.shape_cast %swap3A_485 : vector<1x16xf32> to vector<16xf32>
      %swap3A_487 = vector.shape_cast %mul3A_482 : vector<16xf32> to vector<1x16xf32>
      tpu.vector_store %arg10[%swap3A_483, %swap3A_484], %swap3A_487 {strides = array<i32>} : memref<128x128xf32, #tpu.memory_space<vmem>>, vector<1x16xf32>,
    }
    %scan3A_64 = arith.constant 32 : i32
    %add3A_65 = arith.constant 200704 : i32
    %add3A_66 = arith.addi %add3A_65, %mul3A_2 : i32
    %dma_start3A_67 = arith.constant 0 : i32
    %dma_start3A_68 = tpu.memref_slice %arg4[%add3A_66, %dma_start3A_67] : memref<204800x128xf32, #tpu.memory_space<hbm>> -> memref<128x128xf32, #tpu.memory_space<hbm>>
    %dma_start3A_69 = arith.constant 0 : i32
    %dma_start3A_70 = tpu.memref_slice %arg4[%add3A_66, %dma_start3A_69] : memref<204800x128xf32, #tpu.memory_space<hbm>> -> memref<128x128xf32, #tpu.memory_space<hbm>>
    tpu.enqueue_dma source(%arg10 : memref<128x128xf32, #tpu.memory_space<vmem>>) target(%dma_start3A_70 : memref<128x128xf32, #tpu.memory_space<hbm>>) target_semaphore(%arg16 : memref<!tpu.dma_semaphore, #tpu.memory_space<semaphore_mem>>)
    %add3A_71 = arith.constant 192512 : i32
    %add3A_72 = arith.addi %add3A_71, %mul3A_2 : i32
    %dma_wait3A_73 = arith.constant 0 : i32
    %dma_wait3A_74 = tpu.memref_slice %arg4[%add3A_72, %dma_wait3A_73] : memref<204800x128xf32, #tpu.memory_space<hbm>> -> memref<128x128xf32, #tpu.memory_space<hbm>>
    %dma_wait3A_75 = arith.constant 0 : i32
    %dma_wait3A_76 = tpu.memref_slice %arg4[%add3A_72, %dma_wait3A_75] : memref<204800x128xf32, #tpu.memory_space<hbm>> -> memref<128x128xf32, #tpu.memory_space<hbm>>
    tpu.wait_dma2 semaphore(%arg17 : memref<!tpu.dma_semaphore, #tpu.memory_space<semaphore_mem>>) src(%arg11 : memref<128x128xf32, #tpu.memory_space<vmem>>) dst(%dma_wait3A_76 : memref<128x128xf32, #tpu.memory_space<hbm>>)
    %add3A_77 = arith.constant 196608 : i32
    %add3A_78 = arith.addi %add3A_77, %mul3A_2 : i32
    %dma_wait3A_79 = arith.constant 0 : i32
    %dma_wait3A_80 = tpu.memref_slice %arg4[%add3A_78, %dma_wait3A_79] : memref<204800x128xf32, #tpu.memory_space<hbm>> -> memref<128x128xf32, #tpu.memory_space<hbm>>
    %dma_wait3A_81 = arith.constant 0 : i32
    %dma_wait3A_82 = tpu.memref_slice %arg4[%add3A_78, %dma_wait3A_81] : memref<204800x128xf32, #tpu.memory_space<hbm>> -> memref<128x128xf32, #tpu.memory_space<hbm>>
    tpu.wait_dma2 semaphore(%arg15 : memref<!tpu.dma_semaphore, #tpu.memory_space<semaphore_mem>>) src(%arg9 : memref<128x128xf32, #tpu.memory_space<vmem>>) dst(%dma_wait3A_82 : memref<128x128xf32, #tpu.memory_space<hbm>>)
    %add3A_83 = arith.constant 200704 : i32
    %add3A_84 = arith.addi %add3A_83, %mul3A_2 : i32
    %dma_wait3A_85 = arith.constant 0 : i32
    %dma_wait3A_86 = tpu.memref_slice %arg4[%add3A_84, %dma_wait3A_85] : memref<204800x128xf32, #tpu.memory_space<hbm>> -> memref<128x128xf32, #tpu.memory_space<hbm>>
    %dma_wait3A_87 = arith.constant 0 : i32
    %dma_wait3A_88 = tpu.memref_slice %arg4[%add3A_84, %dma_wait3A_87] : memref<204800x128xf32, #tpu.memory_space<hbm>> -> memref<128x128xf32, #tpu.memory_space<hbm>>
    tpu.wait_dma2 semaphore(%arg16 : memref<!tpu.dma_semaphore, #tpu.memory_space<semaphore_mem>>) src(%arg10 : memref<128x128xf32, #tpu.memory_space<vmem>>) dst(%dma_wait3A_88 : memref<128x128xf32, #tpu.memory_space<hbm>>)
    return
  }
}

</mosaic_0001>

<sc_bundles>
// kernel: kernel.3.cloned.1.call-start
scs
__scs_entry_jumppad:
0x0: {  	(pc) =	sbr.rel $0x88, $3  }
0x1: {  	(tag) =	ssettag $0x0;
	lr =	simm.s32 $0x1  }
0x2: {  	[smem:$0x3F9F] =	sst lr;
	_ =	strace $0xD0000000  }
0x3: {  	_ = 	snop  }
0x4: {  	_ = 	snop  }
0x5: {  	_ = 	snop  }
0x6: {  	_ = 	snop  }
0x7: {  	_ = 	snop  }
__scs_overlays_trampoline_lowered:
0x8: {  	[smem:$0x3FAE] =	sst s0  }
0x9: {  	[smem:$0x3FAF] =	sst s1  }
0xa: {  	[smem:$0x3FB0] =	sst s2  }
0xb: {  	[smem:$0x3FB1] =	sst s3  }
0xc: {  	[smem:$0x3FB2] =	sst s4  }
0xd: {  	[smem:$0x3FB3] =	sst s5  }
0xe: {  	[smem:$0x3FB4] =	sst s6  }
0xf: {  	[smem:$0x3FB5] =	sst s7  }
0x10: {  	[smem:$0x3FB6] =	sst s8  }
0x11: {  	[smem:$0x3FB7] =	sst s9;
	s0 =	simm.s32 @!p0 $0x0  }
0x12: {  	s1 =	sld [smem:$0x3F9D];
	s0 =	simm.s32 @p0 $0x1  }
0x13: {  	[smem:$0x3FB8] =	sst s0;
	s0 =	simm.s32 @!p1 $0x0  }
0x14: {  	s2 =	sld [smem:$0x3F9C];
	s0 =	simm.s32 @p1 $0x1  }
0x15: {  	[smem:$0x3FB9] =	sst s0;
	s0 =	simm.s32 @!p2 $0x0  }
0x16: {  	s3 =	sld [smem:$0x3FDB];
	s0 =	simm.s32 @p2 $0x1  }
0x17: {  	s4 =	simm.s32 $0x1BF5;
	[smem:$0x3FBB] =	sst s0  }
0x18: {  	s0 =	sld [smem:$0x3F9E];
	_ =	swait.ge [sflag:s4], $0x0  }
0x19: {  	s7 =	sld [smem:$0x3F9F]  }
0x1a: {  	s8 =	sadd.s32 $0xFFFFE003, lr  }
0x1b: {  	s9 =	sadd.s32 $0xFFFFFEF7, lr;
	s5 =	simm.s32 $0xFFFFFFFF;
	p2 =	slt.u32 s8, $0xFFFFF086  }
0x1c: {  	p1 =	slt.u32 s9, $0xF7A;
	s5 =	simm.s32 @!p2 $0x0  }
0x1d: {  	s5 =	simm.s32 @p1 $0x1;
	p0 =	seq.s32 s7, s2  }
0x1e: {  	s7 =	smul.u32 @!p0 $0xF7A, s2;
	p2 =	seq.s32 @!p0 s5, $0x0  }
0x1f: {  	s9 =	smul.u32 $0xF7A, s1;
	s8 =	simm.s32 @!p0 $0x1BF5;
	p2 =	por !p2, p0  }
0x20: {  	[sflag:s8] =	ssyncset.s32 @!p0 $0xFFFFF086;
	s6 =	sadd.s32 @!p0 s3, s7;
	s7 =	simm.s32 @!p0 $0x108  }
0x21: {  	s3 =	sadd.s32 s3, s9;
	s6 =	sadd.s32 @!p0 $0x88, s6;
	s7 =	simm.s32 @p2 $0x1082  }
0x22: {  	[simem:s7], [sflag:s8] =	dma.local @!p0 [hbm:s6], $0xF7A  }
0x23: {  	s9 =	sor.u32 $0xD0000000, s2;
	s6 =	simm.s32 $0x108;
	_ =	swait.ge @!p0 [sflag:s8], $0x0  }
0x24: {  	s3 =	sadd.s32 $0x88, s3;
	s6 =	simm.s32 @!p1 $0x1082;
	[sflag:s4] =	ssyncset.s32 $0xFFFFF086  }
0x25: {  	[simem:s6], [sflag:s4] =	dma.local [hbm:s3], $0xF7A  }
0x26: {  	[smem:$0x3F9F] =	sst s1;
	(tag) =	ssettag s2;
	_ =	strace s9  }
0x27: {  	s1 =	sld [smem:$0x3FAF]  }
0x28: {  	s2 =	sld [smem:$0x3FB0]  }
0x29: {  	s4 =	sld [smem:$0x3FB2]  }
0x2a: {  	p0 =	seq.s32 s5, $0x0;
	s5 =	sld [smem:$0x3FB3]  }
0x2b: {  	s6 =	sld [smem:$0x3FB4]  }
0x2c: {  	s7 =	sld [smem:$0x3FB5]  }
0x2d: {  	s3 =	simm.s32 $0x108;
	s8 =	sld [smem:$0x3FB6]  }
0x2e: {  	s3 =	simm.s32 @!p0 $0x1082;
	s9 =	sld [smem:$0x3FB7]  }
0x2f: {  	lr =	sadd.s32 s0, s3;
	s0 =	sld [smem:$0x3FAE]  }
0x30: {  	s3 =	sld [smem:$0x3FB1]  }
0x31: {  	[smem:$0x3FBA] =	sst s10  }
0x32: {  	s10 =	sld [smem:$0x3FB8];
	_ =	sdelay $0x3  }
0x33: {  	p0 =	seq.s32 s10, $0x1;
	s10 =	sld [smem:$0x3FBA];
	_ =	sdelay $0x3  }
0x34: {  	[smem:$0x3FBA] =	sst s10  }
0x35: {  	s10 =	sld [smem:$0x3FB9];
	_ =	sdelay $0x3  }
0x36: {  	p1 =	seq.s32 s10, $0x1;
	s10 =	sld [smem:$0x3FBA];
	_ =	sdelay $0x3  }
0x37: {  	[smem:$0x3FBA] =	sst s10  }
0x38: {  	s10 =	sld [smem:$0x3FBB]  }
0x39: {  	_ = 	snop;
	(pc) =	sbr.ind lr, $3  }
0x3a: {  	_ = 	snop  }
0x3b: {  	_ = 	snop  }
0x3c: {  	p2 =	seq.s32 s10, $0x1;
	s10 =	sld [smem:$0x3FBA]  }
0x3d: {  	_ =	shalt  }
0x3e: {  	_ =	shalt  }
0x3f: {  	_ =	shalt  }
0x40: {  	_ =	shalt  }
0x41: {  	_ =	shalt  }
0x42: {  	_ =	shalt  }
0x43: {  	_ =	shalt  }
0x44: {  	_ =	shalt  }
0x45: {  	_ =	shalt  }
0x46: {  	_ =	shalt  }
0x47: {  	_ =	shalt  }
0x48: {  	_ =	shalt  }
0x49: {  	_ =	shalt  }
0x4a: {  	_ =	shalt  }
0x4b: {  	_ =	shalt  }
0x4c: {  	_ =	shalt  }
0x4d: {  	_ =	shalt  }
0x4e: {  	_ =	shalt  }
0x4f: {  	_ =	shalt  }
0x50: {  	_ =	shalt  }
0x51: {  	_ =	shalt  }
0x52: {  	_ =	shalt  }
0x53: {  	_ =	shalt  }
0x54: {  	_ =	shalt  }
0x55: {  	_ =	shalt  }
0x56: {  	_ =	shalt  }
0x57: {  	_ =	shalt  }
0x58: {  	_ =	shalt  }
0x59: {  	_ =	shalt  }
0x5a: {  	_ =	shalt  }
0x5b: {  	_ =	shalt  }
0x5c: {  	_ =	shalt  }
0x5d: {  	_ =	shalt  }
0x5e: {  	_ =	shalt  }
0x5f: {  	_ =	shalt  }
0x60: {  	_ =	shalt  }
0x61: {  	_ =	shalt  }
0x62: {  	_ =	shalt  }
0x63: {  	_ =	shalt  }
0x64: {  	_ =	shalt  }
0x65: {  	_ =	shalt  }
0x66: {  	_ =	shalt  }
0x67: {  	_ =	shalt  }
0x68: {  	_ =	shalt  }
0x69: {  	_ =	shalt  }
0x6a: {  	_ =	shalt  }
0x6b: {  	_ =	shalt  }
0x6c: {  	_ =	shalt  }
0x6d: {  	_ =	shalt  }
0x6e: {  	_ =	shalt  }
0x6f: {  	_ =	shalt  }
0x70: {  	_ =	shalt  }
0x71: {  	_ =	shalt  }
0x72: {  	_ =	shalt  }
0x73: {  	_ =	shalt  }
0x74: {  	_ =	shalt  }
0x75: {  	_ =	shalt  }
0x76: {  	_ =	shalt  }
0x77: {  	_ =	shalt  }
0x78: {  	_ =	shalt  }
0x79: {  	_ =	shalt  }
0x7a: {  	_ =	shalt  }
0x7b: {  	_ =	shalt  }
0x7c: {  	_ =	shalt  }
0x7d: {  	_ =	shalt  }
0x7e: {  	_ =	shalt  }
0x7f: {  	_ =	shalt  }
0x80: {  	_ =	shalt  }
0x81: {  	_ =	shalt  }
0x82: {  	_ =	shalt  }
0x83: {  	_ =	shalt  }
0x84: {  	_ =	shalt  }
0x85: {  	_ =	shalt  }
0x86: {  	_ =	shalt  }
0x87: {  	_ =	shalt  }
.Lfunc_end0:
.L_simem_size_0:
called_computation_lowered:
.L_overlay_start_0:
0x88: {  	s2 =	sld [smem:$0x3FD9]  }
0x89: {  	s3 =	sld [smem:$0x3FFE];
	_ =	sdelay $0x1  }
0x8a: {  	s1 =	srdreg.scid  }
0x8b: {  	s0 =	sand.u32 $0x1, s1  }
0x8c: {  	s17 =	sshll.u32 s0, $0xA;
	s2 =	sadd.s32 s3, s2  }
0x8d: {  	s2 =	sadd.s32 s2, s17  }
0x8e: {  	[smem:$0x3FC6] =	sst s2  }
0x8f: {  	_ = 	snop  }
0x90: {  	s2 =	sld [smem:$0x3FC8]  }
0x91: {  	s18 =	sld [smem:$0x3FD0];
	(tm) =	ssettm $0x1  }
0x92: {  	s4 =	sld [smem:$0x3FFB];
	_ =	sdelay $0x3  }
0x93: {  	_ =	strace s4  }
0x94: {  	s4 =	sld [smem:$0x3FFC];
	_ =	sdelay $0x3  }
0x95: {  	_ =	strace s4  }
0x96: {  	s4 =	sld [smem:$0x3FFD];
	_ =	sdelay $0x3  }
0x97: {  	_ =	strace s4  }
0x98: {  	_ =	strace $0x8FFFFFFF  }
0x99: {  	s19 =	sld [smem:$0x3FDB];
	_ =	sdelay $0x1  }
0x9a: {  	s5 =	simm.s32 $_scs_section_size  }
0x9b: {  	s6 =	simm.s32 $_size__tile_overlayer_lowered;
	s7 =	simm.s32 $_tile_overlayer_lowered  }
0x9c: {  	s22 =	simm.s32 $0x1BFF;
	s21 =	sshll.u32 s7, $0x1;
	s4 =	sadd.s32 s5, s19  }
0x9d: {  	s8 =	simm.s32 $0x0;
	s20 =	sshll.u32 s6, $0x1;
	s6 =	sadd.s32 s21, s4  }
0x9e: {  	[timem:s8], [sflag:s22] =	dma.local [hbm:s6], s20  }
0x9f: {  	_ =	swait.ge [sflag:s22], s20  }
0xa0: {  	s5 =	ssub.s32 $0x0, s20;
	[sflag:s22] =	ssyncset.done $0x0  }
0xa1: {  	[sflag:s22] =	ssyncadd.s32 s5;
	_ =	sdelay $0x1  }
0xa2: {  	s23 =	simm.s32 $0x1B8B  }
0xa3: {  	_ =	swait.ge [sflag:s23], $0x1  }
0xa4: {  	[sflag:s23] =	ssyncset.done $0x0  }
0xa5: {  	s25 =	simm.s32 $0x1B8E;
	s24 =	sld [smem:$0x3FFE];
	[sflag:s23] =	ssyncadd.s32 $0xFFFFFFFF  }
0xa6: {  	s26 =	simm.s32 $execute0_lowered;
	[smem:$0x3FD2] =	sst s25  }
0xa7: {  	s6 =	sshll.u32 s26, $0x1;
	_ =	strace $0x80000046;
	[dreg:$0x1] =	wrdreg $0xFFFFFFFF  }
0xa8: {  	s28 =	simm.s32 $_size_execute0_lowered;
	s4 =	sadd.s32 s4, s6;
	[dreg:$0x0] =	wrdreg $0x0  }
0xa9: {  	s6 =	sshll.u32 s28, $0x1;
	[dreg:$0x2] =	wrdreg s4  }
0xaa: {  	[dreg:$0x3] =	wrdreg s6  }
0xab: {  	[dreg:$0x4] =	wrdreg $0xC0  }
0xac: {  	_ =	task [dreg:s8], $0x5FFFF  }
0xad: {  	[dreg:$0x1] =	wrdreg $0xFFFFFFFF  }
0xae: {  	[dreg:$0x0] =	wrdreg $0x60  }
0xaf: {  	[dreg:$0x2] =	wrdreg s24  }
0xb0: {  	[dreg:$0x3] =	wrdreg s2  }
0xb1: {  	[dreg:$0x4] =	wrdreg s18  }
0xb2: {  	[dreg:$0x5] =	wrdreg $0x9  }
0xb3: {  	_ =	task.clear_ibuf [dreg:s8], $0x6FFFF;
	_ =	strace $0x90000046  }
0xb4: {  	s29 =	simm.s32 $0x9;
	_ =	strace $0x80000048  }
0xb5: {  	_ =	swait.ge [sflag:s29], $0x1  }
0xb6: {  	[sflag:s29] =	ssyncadd.s32 $0xFFFFFFFF  }
0xb7: {  	_ =	strace $0x90000048  }
0xb8: {  	_ =	sfence  }
0xb9: {  	s30 =	sld [smem:$0x0];
	_ =	sdelay $0x2  }
0xba: {  	s31 =	sshll.u32 s1, $0xD;
	s1 =	sshrl.u32 s1, $0x2  }
0xbb: {  	s3 =	sand.u32 $0x4000, s31;
	s1 =	sadd.s32 s1, s30  }
0xbc: {  	s0 =	sor.u32 s3, s0;
	s1 =	sshll.u32 s1, $0x11  }
0xbd: {  	s0 =	sor.u32 s1, s0  }
0xbe: {  	s0 =	sadd.s32 $0x8F2B, s0  }
0xbf: {  	[sflag:s0] =	ssyncadd.remote.s32 $0x1  }
0xc0: {  	_ =	sfence.sel $0xFFFF  }
0xc1: {  	[dreg:$0x0] =	wrdreg $0xFFFFFFFF;
	(pc) =	sbr.abs _section_cstart, $3  }
0xc2: {  	[dreg:$0x1] =	wrdreg $0xFFFFFFFF  }
0xc3: {  	_ =	task.clear_ibuf [dreg:s8], $0x2FFFF;
	_ =	strace $0x9FFFFFFF  }
0xc4: {  	(tm) =	ssettm $0x7FFFFFFF  }
0xc5: {  	_ =	shalt  }
tec
execute0_lowered:
.L_overlay_start_1:
0x0: {  	(tag) =	ssettag $0x1  }
0x1: {  	s0 =	rddreg [dreg:$0x0]  }
0x2: {  	s2 =	rddreg [dreg:$0x1]  }
0x3: {  	s1 =	srdreg.scid;
	s4 =	stileid.u32  }
0x4: {  	s3 =	rddreg [dreg:$0x2];
	s12 =	simm.s32 $0x7;
	s13 =	simm.s32 $0x80  }
0x5: {  	s14 =	simm.s32 $0x1900;
	s15 =	simm.s32 $0x5900;
	s17 =	simm.s32 $0x9900  }
0x6: {  	s18 =	simm.s32 $0x1;
	s19 =	simm.s32 $0xD900;
	s20 =	simm.s32 $0x2  }
0x7: {  	s21 =	simm.s32 $0x11900;
	s22 =	simm.s32 $0x3;
	s23 =	simm.s32 $0x15900  }
0x8: {  	s24 =	simm.s32 $0x4;
	s25 =	simm.s32 $0x5;
	s26 =	simm.s32 $0x6  }
0x9: {  	s1 =	sand.u32 $0x1, s1;
	s5 =	sshll.u32 s4, $0x1;
	s4 =	simm.s32 $0x0  }
0xa: {  	s28 =	simm.s32 $0x0;
	s7 =	sor.u32 s1, s5;
	[smem:$0x7FF] =	sst s4  }
0xb: {  	s1 =	ssub.s32 $0x2, s1;
	s5 =	smul.u32 $0x320, s7;
	_ =	strace $0x80000047  }
0xc: {  	s6 =	sshrl.u32 s1, $0x1;
	s30 =	sshll.u32 s7, $0xB;
	s31 =	sshll.u32 s7, $0xE  }
0xd: {  	s1 =	ssub.s32 s1, s6;
	s6 =	sadd.s32 s3, s30;
	s7 =	sor.u32 $0x80000, s31  }
0xe: {  	s8 =	sor.u32 $0x100000, s31;
	s0 =	sadd.s32 s5, s0;
	s9 =	sadd.s32 $0x300000, s6  }
0xf: {  	s10 =	sadd.s32 $0x310000, s6;
	s11 =	smax.u32 s1, $0x1;
	s5 =	sadd.s32 $0x400, s0  }
.LBB2_1:
0x10: {  	[tilespmem:s4], [sflag:$0x7] =	stream.linear.gather [hbm4b:s5+s4], $0x1900, $0x38;
	[tilespmem:$0x19900] =	vst v63  }
0x11: {  	_ =	swait.ge [sflag:s12], $0x1900  }
0x12: {  	[sflag:s12] =	ssyncset.done $0x0  }
0x13: {  	[sflag:s12] =	ssyncadd.s32 $0xFFFFE700  }
0x14: {  	[tilespmem:s14], [sflag:$0x1] =	stream.indirect.gather [hbm4b:s2+s13], $0x80, s4, s13, $0xb8;
	[tilespmem:$0x19900] =	vst v63  }
0x15: {  	_ = 	snop  }
0x16: {  	[tilespmem:s15], [sflag:$0x2] =	stream.indirect.gather [hbm4b:s2+s13], $0x80, s13, s13, $0xb8;
	[tilespmem:$0x19900] =	vst v63  }
0x17: {  	s0 =	simm.s32 $0x100;
	s29 =	simm.s32 $0x0  }
0x18: {  	[tilespmem:s17], [sflag:$0x3] =	stream.indirect.gather [hbm4b:s2+s13], $0x80, s0, s13, $0xb8;
	[tilespmem:$0x19900] =	vst v63  }
.LBB2_2:
0x19: {  	_ =	swait.ge [sflag:s18], $0x4000  }
0x1a: {  	p0 =	seq.s32 s29, $0x0;
	[sflag:s18] =	ssyncset.done $0x0  }
0x1b: {  	s0 =	simm.s32 @!p0 $0x4;
	[sflag:s18] =	ssyncadd.s32 $0xFFFFC000  }
0x1c: {  	_ =	swait.ge @!p0 [sflag:s0], $0x4000  }
0x1d: {  	[sflag:s0] =	ssyncset.done @!p0 $0x0  }
0x1e: {  	s30 =	simm.s32 $0x0;
	[sflag:s0] =	ssyncadd.s32 @!p0 $0xFFFFC000  }
0x1f: {  	v0 =	vld [tilespmem:s30+$0x1AF0]  }
0x20: {  	v1 =	vld [tilespmem:s30+$0x1900];
	_ =	sdelay $0x1  }
0x21: {  	v2 =	vld [tilespmem:s30+$0x1910]  }
0x22: {  	v3 =	vld [tilespmem:s30+$0x1920]  }
0x23: {  	v4 =	vld [tilespmem:s30+$0x1930];
	v0 =	vmul.f32 $1.131370830e+01, v0  }
0x24: {  	v5 =	vld [tilespmem:s30+$0x1940];
	v1 =	vmul.f32 $1.131370830e+01, v1  }
0x25: {  	v6 =	vld [tilespmem:s30+$0x1950];
	[tilespmem:s30+$0xDAF0] =	vst v0  }
0x26: {  	v0 =	vmul.f32 $1.131370830e+01, v2;
	[tilespmem:s30+$0xD900] =	vst v1;
	v1 =	vld [tilespmem:s30+$0x1970]  }
0x27: {  	v7 =	vld [tilespmem:s30+$0x1960];
	v2 =	vmul.f32 $1.131370830e+01, v3  }
0x28: {  	v3 =	vmul.f32 $1.131370830e+01, v4;
	[tilespmem:s30+$0xD910] =	vst v0;
	v0 =	vld [tilespmem:s30+$0x1980]  }
0x29: {  	v4 =	vmul.f32 $1.131370830e+01, v5;
	[tilespmem:s30+$0xD920] =	vst v2;
	v2 =	vld [tilespmem:s30+$0x1990]  }
0x2a: {  	v5 =	vmul.f32 $1.131370830e+01, v6;
	[tilespmem:s30+$0xD930] =	vst v3;
	v3 =	vld [tilespmem:s30+$0x19A0]  }
0x2b: {  	[tilespmem:s30+$0xD940] =	vst v4;
	v4 =	vld [tilespmem:s30+$0x19B0];
	v1 =	vmul.f32 $1.131370830e+01, v1  }
0x2c: {  	v6 =	vmul.f32 $1.131370830e+01, v7;
	[tilespmem:s30+$0xD950] =	vst v5;
	v5 =	vld [tilespmem:s30+$0x19C0]  }
0x2d: {  	v0 =	vmul.f32 $1.131370830e+01, v0;
	[tilespmem:s30+$0xD970] =	vst v1;
	v1 =	vld [tilespmem:s30+$0x19E0]  }
0x2e: {  	[tilespmem:s30+$0xD960] =	vst v6;
	v6 =	vld [tilespmem:s30+$0x19D0];
	v2 =	vmul.f32 $1.131370830e+01, v2  }
0x2f: {  	v3 =	vmul.f32 $1.131370830e+01, v3;
	[tilespmem:s30+$0xD980] =	vst v0;
	v0 =	vld [tilespmem:s30+$0x19F0]  }
0x30: {  	v4 =	vmul.f32 $1.131370830e+01, v4;
	[tilespmem:s30+$0xD990] =	vst v2;
	v2 =	vld [tilespmem:s30+$0x1A00]  }
0x31: {  	v5 =	vmul.f32 $1.131370830e+01, v5;
	[tilespmem:s30+$0xD9A0] =	vst v3;
	v3 =	vld [tilespmem:s30+$0x1A10]  }
0x32: {  	[tilespmem:s30+$0xD9B0] =	vst v4;
	v4 =	vld [tilespmem:s30+$0x1A20];
	v1 =	vmul.f32 $1.131370830e+01, v1  }
0x33: {  	v6 =	vmul.f32 $1.131370830e+01, v6;
	[tilespmem:s30+$0xD9C0] =	vst v5;
	v5 =	vld [tilespmem:s30+$0x1A30]  }
0x34: {  	v0 =	vmul.f32 $1.131370830e+01, v0;
	[tilespmem:s30+$0xD9E0] =	vst v1;
	v1 =	vld [tilespmem:s30+$0x1A50]  }
0x35: {  	[tilespmem:s30+$0xD9D0] =	vst v6;
	v6 =	vld [tilespmem:s30+$0x1A40];
	v2 =	vmul.f32 $1.131370830e+01, v2  }
0x36: {  	[tilespmem:s30+$0xD9F0] =	vst v0;
	v0 =	vmul.f32 $1.131370830e+01, v3;
	v3 =	vld [tilespmem:s30+$0x1A70]  }
0x37: {  	v7 =	vld [tilespmem:s30+$0x1A60];
	[tilespmem:s30+$0xDA00] =	vst v2;
	v2 =	vmul.f32 $1.131370830e+01, v4  }
0x38: {  	v4 =	vld [tilespmem:s30+$0x1A80];
	[tilespmem:s30+$0xDA10] =	vst v0;
	v0 =	vmul.f32 $1.131370830e+01, v5  }
0x39: {  	v8 =	vld [tilespmem:s30+$0x1A90];
	[tilespmem:s30+$0xDA20] =	vst v2;
	v5 =	vmul.f32 $1.131370830e+01, v1  }
0x3a: {  	v2 =	vmul.f32 $1.131370830e+01, v6;
	[tilespmem:s30+$0xDA30] =	vst v0;
	v0 =	vld [tilespmem:s30+$0x1AA0]  }
0x3b: {  	v1 =	vld [tilespmem:s30+$0x1AB0];
	[tilespmem:s30+$0xDA50] =	vst v5;
	v5 =	vmul.f32 $1.131370830e+01, v3  }
0x3c: {  	v6 =	vmul.f32 $1.131370830e+01, v7;
	[tilespmem:s30+$0xDA40] =	vst v2;
	v2 =	vld [tilespmem:s30+$0x1AC0]  }
0x3d: {  	v3 =	vld [tilespmem:s30+$0x1AD0];
	[tilespmem:s30+$0xDA70] =	vst v5;
	v5 =	vmul.f32 $1.131370830e+01, v4  }
0x3e: {  	s1 =	simm.s32 $0x200;
	s0 =	simm.s32 $0x1000;
	[tilespmem:s30+$0xDA60] =	vst v6;
	v6 =	vmul.f32 $1.131370830e+01, v8;
	v4 =	vld [tilespmem:s30+$0x1AE0]  }
.LBB2_3:
0x3f: {  	p1 =	sne.s32 s0, $0xF800;
	v7 =	vld [tilespmem:s1+$0x1AF0];
	[tilespmem:s30+$0xDA80] =	vst v5;
	v0 =	vmul.f32 $1.131370830e+01, v0  }
0x40: {  	v5 =	vld [tilespmem:s1+$0x1900];
	[tilespmem:s30+$0xDA90] =	vst v6;
	v1 =	vmul.f32 $1.131370830e+01, v1  }
0x41: {  	v6 =	vld [tilespmem:s1+$0x1910];
	[tilespmem:s30+$0xDAA0] =	vst v0;
	v0 =	vmul.f32 $1.131370830e+01, v2  }
0x42: {  	v2 =	vld [tilespmem:s1+$0x1920];
	[tilespmem:s30+$0xDAB0] =	vst v1;
	v1 =	vmul.f32 $1.131370830e+01, v3  }
0x43: {  	v3 =	vld [tilespmem:s1+$0x1930];
	[tilespmem:s30+$0xDAC0] =	vst v0;
	v0 =	vmul.f32 $1.131370830e+01, v4  }
0x44: {  	v4 =	vld [tilespmem:s1+$0x1940];
	v7 =	vmul.f32 $1.131370830e+01, v7;
	[tilespmem:s30+$0xDAD0] =	vst v1  }
0x45: {  	v1 =	vmul.f32 $1.131370830e+01, v5;
	v5 =	vld [tilespmem:s1+$0x1950];
	[tilespmem:s30+$0xDAE0] =	vst v0;
	s30 =	smov.u32 s1  }
0x46: {  	v0 =	vmul.f32 $1.131370830e+01, v6;
	v6 =	vld [tilespmem:s30+$0x1960];
	[tilespmem:s30+$0xDAF0] =	vst v7  }
0x47: {  	[tilespmem:s30+$0xD900] =	vst v1;
	v1 =	vmul.f32 $1.131370830e+01, v2;
	v2 =	vld [tilespmem:s30+$0x1970]  }
0x48: {  	[tilespmem:s30+$0xD910] =	vst v0;
	v0 =	vmul.f32 $1.131370830e+01, v3;
	v3 =	vld [tilespmem:s30+$0x1980]  }
0x49: {  	[tilespmem:s30+$0xD920] =	vst v1;
	v1 =	vmul.f32 $1.131370830e+01, v4;
	v4 =	vld [tilespmem:s30+$0x1990]  }
0x4a: {  	[tilespmem:s30+$0xD930] =	vst v0;
	v0 =	vmul.f32 $1.131370830e+01, v5;
	v5 =	vld [tilespmem:s30+$0x19A0]  }
0x4b: {  	[tilespmem:s30+$0xD940] =	vst v1;
	v1 =	vmul.f32 $1.131370830e+01, v6;
	v6 =	vld [tilespmem:s30+$0x19B0]  }
0x4c: {  	[tilespmem:s30+$0xD950] =	vst v0;
	v0 =	vmul.f32 $1.131370830e+01, v2;
	v2 =	vld [tilespmem:s30+$0x19C0]  }
0x4d: {  	[tilespmem:s30+$0xD960] =	vst v1;
	v1 =	vmul.f32 $1.131370830e+01, v3;
	v3 =	vld [tilespmem:s30+$0x19D0]  }
0x4e: {  	[tilespmem:s30+$0xD970] =	vst v0;
	v0 =	vmul.f32 $1.131370830e+01, v4;
	v4 =	vld [tilespmem:s30+$0x19E0]  }
0x4f: {  	[tilespmem:s30+$0xD980] =	vst v1;
	v1 =	vmul.f32 $1.131370830e+01, v5;
	v5 =	vld [tilespmem:s30+$0x19F0]  }
0x50: {  	[tilespmem:s30+$0xD990] =	vst v0;
	v0 =	vmul.f32 $1.131370830e+01, v6;
	v6 =	vld [tilespmem:s30+$0x1A00]  }
0x51: {  	[tilespmem:s30+$0xD9A0] =	vst v1;
	v1 =	vmul.f32 $1.131370830e+01, v2;
	v2 =	vld [tilespmem:s30+$0x1A10]  }
0x52: {  	[tilespmem:s30+$0xD9B0] =	vst v0;
	v0 =	vmul.f32 $1.131370830e+01, v3;
	v3 =	vld [tilespmem:s30+$0x1A20]  }
0x53: {  	[tilespmem:s30+$0xD9C0] =	vst v1;
	v1 =	vmul.f32 $1.131370830e+01, v4;
	v4 =	vld [tilespmem:s30+$0x1A30]  }
0x54: {  	[tilespmem:s30+$0xD9D0] =	vst v0;
	v0 =	vmul.f32 $1.131370830e+01, v5;
	v5 =	vld [tilespmem:s30+$0x1A40]  }
0x55: {  	[tilespmem:s30+$0xD9E0] =	vst v1;
	v1 =	vmul.f32 $1.131370830e+01, v6;
	v6 =	vld [tilespmem:s30+$0x1A50]  }
0x56: {  	[tilespmem:s30+$0xD9F0] =	vst v0;
	v0 =	vmul.f32 $1.131370830e+01, v2;
	v2 =	vld [tilespmem:s30+$0x1A60]  }
0x57: {  	[tilespmem:s30+$0xDA00] =	vst v1;
	v1 =	vmul.f32 $1.131370830e+01, v3;
	v3 =	vld [tilespmem:s30+$0x1A70]  }
0x58: {  	[tilespmem:s30+$0xDA10] =	vst v0;
	v0 =	vmul.f32 $1.131370830e+01, v4;
	v4 =	vld [tilespmem:s30+$0x1A80]  }
0x59: {  	[tilespmem:s30+$0xDA20] =	vst v1;
	v1 =	vmul.f32 $1.131370830e+01, v5;
	v7 =	vld [tilespmem:s30+$0x1A90]  }
.Ltmp0:
0x5a: {  	[tilespmem:s30+$0xDA30] =	vst v0;
	v5 =	vmul.f32 $1.131370830e+01, v6;
	v0 =	vld [tilespmem:s30+$0x1AA0];
	(pc) =	sbr.rel @p1 .LBB2_3-.Ltmp0, $4  }
0x5b: {  	[tilespmem:s30+$0xDA40] =	vst v1;
	v6 =	vmul.f32 $1.131370830e+01, v2;
	v1 =	vld [tilespmem:s30+$0x1AB0]  }
0x5c: {  	[tilespmem:s30+$0xDA50] =	vst v5;
	v8 =	vmul.f32 $1.131370830e+01, v3;
	v2 =	vld [tilespmem:s30+$0x1AC0]  }
0x5d: {  	[tilespmem:s30+$0xDA60] =	vst v6;
	v5 =	vmul.f32 $1.131370830e+01, v4;
	v3 =	vld [tilespmem:s30+$0x1AD0]  }
0x5e: {  	s1 =	sshra.s32 s0, $0x2;
	s0 =	sadd.s32 $0x800, s0;
	[tilespmem:s30+$0xDA70] =	vst v8;
	v6 =	vmul.f32 $1.131370830e+01, v7;
	v4 =	vld [tilespmem:s30+$0x1AE0]  }
0x5f: {  	v7 =	vld [tilespmem:s1+$0x1AF0];
	[tilespmem:s30+$0xDA80] =	vst v5;
	v0 =	vmul.f32 $1.131370830e+01, v0  }
0x60: {  	v5 =	vld [tilespmem:s1+$0x1900];
	[tilespmem:s30+$0xDA90] =	vst v6;
	v1 =	vmul.f32 $1.131370830e+01, v1  }
0x61: {  	v6 =	vld [tilespmem:s1+$0x1910];
	[tilespmem:s30+$0xDAA0] =	vst v0;
	v2 =	vmul.f32 $1.131370830e+01, v2  }
0x62: {  	v0 =	vld [tilespmem:s1+$0x1920];
	[tilespmem:s30+$0xDAB0] =	vst v1;
	v3 =	vmul.f32 $1.131370830e+01, v3  }
0x63: {  	v1 =	vld [tilespmem:s1+$0x1930];
	[tilespmem:s30+$0xDAC0] =	vst v2;
	v4 =	vmul.f32 $1.131370830e+01, v4  }
0x64: {  	v2 =	vld [tilespmem:s1+$0x1940];
	[tilespmem:s30+$0xDAD0] =	vst v3;
	v7 =	vmul.f32 $1.131370830e+01, v7  }
0x65: {  	v3 =	vld [tilespmem:s1+$0x1950];
	[tilespmem:s30+$0xDAE0] =	vst v4;
	v4 =	vmul.f32 $1.131370830e+01, v5  }
0x66: {  	v5 =	vld [tilespmem:s1+$0x1960];
	[tilespmem:s1+$0xDAF0] =	vst v7;
	v6 =	vmul.f32 $1.131370830e+01, v6  }
0x67: {  	[tilespmem:s1+$0xD900] =	vst v4;
	v4 =	vld [tilespmem:s1+$0x1970];
	v0 =	vmul.f32 $1.131370830e+01, v0  }
0x68: {  	[tilespmem:s1+$0xD910] =	vst v6;
	v6 =	vld [tilespmem:s1+$0x1980];
	v1 =	vmul.f32 $1.131370830e+01, v1  }
0x69: {  	[tilespmem:s1+$0xD920] =	vst v0;
	v0 =	vld [tilespmem:s1+$0x1990];
	v2 =	vmul.f32 $1.131370830e+01, v2  }
0x6a: {  	[tilespmem:s1+$0xD930] =	vst v1;
	v1 =	vld [tilespmem:s1+$0x19A0];
	v3 =	vmul.f32 $1.131370830e+01, v3  }
0x6b: {  	[tilespmem:s1+$0xD940] =	vst v2;
	v2 =	vld [tilespmem:s1+$0x19B0];
	v5 =	vmul.f32 $1.131370830e+01, v5  }
0x6c: {  	[tilespmem:s1+$0xD950] =	vst v3;
	v3 =	vld [tilespmem:s1+$0x19C0];
	v4 =	vmul.f32 $1.131370830e+01, v4  }
0x6d: {  	[tilespmem:s1+$0xD960] =	vst v5;
	v5 =	vld [tilespmem:s1+$0x19D0];
	v6 =	vmul.f32 $1.131370830e+01, v6  }
0x6e: {  	[tilespmem:s1+$0xD970] =	vst v4;
	v4 =	vld [tilespmem:s1+$0x19E0];
	v0 =	vmul.f32 $1.131370830e+01, v0  }
0x6f: {  	[tilespmem:s1+$0xD980] =	vst v6;
	v6 =	vld [tilespmem:s1+$0x19F0];
	v1 =	vmul.f32 $1.131370830e+01, v1  }
0x70: {  	[tilespmem:s1+$0xD990] =	vst v0;
	v0 =	vld [tilespmem:s1+$0x1A00];
	v2 =	vmul.f32 $1.131370830e+01, v2  }
0x71: {  	[tilespmem:s1+$0xD9A0] =	vst v1;
	v1 =	vld [tilespmem:s1+$0x1A10];
	v3 =	vmul.f32 $1.131370830e+01, v3  }
0x72: {  	[tilespmem:s1+$0xD9B0] =	vst v2;
	v2 =	vld [tilespmem:s1+$0x1A20];
	v5 =	vmul.f32 $1.131370830e+01, v5  }
0x73: {  	[tilespmem:s1+$0xD9C0] =	vst v3;
	v3 =	vld [tilespmem:s1+$0x1A30];
	v4 =	vmul.f32 $1.131370830e+01, v4  }
0x74: {  	[tilespmem:s1+$0xD9D0] =	vst v5;
	v5 =	vld [tilespmem:s1+$0x1A40];
	v6 =	vmul.f32 $1.131370830e+01, v6  }
0x75: {  	[tilespmem:s1+$0xD9E0] =	vst v4;
	v4 =	vld [tilespmem:s1+$0x1A50];
	v0 =	vmul.f32 $1.131370830e+01, v0  }
0x76: {  	[tilespmem:s1+$0xD9F0] =	vst v6;
	v6 =	vld [tilespmem:s1+$0x1A60];
	v1 =	vmul.f32 $1.131370830e+01, v1  }
0x77: {  	[tilespmem:s1+$0xDA00] =	vst v0;
	v0 =	vld [tilespmem:s1+$0x1A70];
	v2 =	vmul.f32 $1.131370830e+01, v2  }
0x78: {  	[tilespmem:s1+$0xDA10] =	vst v1;
	v1 =	vld [tilespmem:s1+$0x1A80];
	v3 =	vmul.f32 $1.131370830e+01, v3  }
0x79: {  	[tilespmem:s1+$0xDA20] =	vst v2;
	v2 =	vld [tilespmem:s1+$0x1A90];
	v5 =	vmul.f32 $1.131370830e+01, v5  }
0x7a: {  	[tilespmem:s1+$0xDA30] =	vst v3;
	v3 =	vld [tilespmem:s1+$0x1AA0];
	v4 =	vmul.f32 $1.131370830e+01, v4  }
0x7b: {  	[tilespmem:s1+$0xDA40] =	vst v5;
	v5 =	vld [tilespmem:s1+$0x1AB0];
	v6 =	vmul.f32 $1.131370830e+01, v6  }
0x7c: {  	[tilespmem:s1+$0xDA50] =	vst v4;
	v4 =	vld [tilespmem:s1+$0x1AC0];
	v0 =	vmul.f32 $1.131370830e+01, v0  }
0x7d: {  	[tilespmem:s1+$0xDA60] =	vst v6;
	v6 =	vld [tilespmem:s1+$0x1AD0];
	v1 =	vmul.f32 $1.131370830e+01, v1  }
0x7e: {  	[tilespmem:s1+$0xDA70] =	vst v0;
	v0 =	vmul.f32 $1.131370830e+01, v2;
	v2 =	vld [tilespmem:s1+$0x1AE0]  }
0x7f: {  	[tilespmem:s1+$0xDA80] =	vst v1;
	v1 =	vmul.f32 $1.131370830e+01, v3  }
0x80: {  	[tilespmem:s1+$0xDA90] =	vst v0;
	v0 =	vmul.f32 $1.131370830e+01, v5  }
0x81: {  	[tilespmem:s1+$0xDAA0] =	vst v1;
	v1 =	vmul.f32 $1.131370830e+01, v4  }
0x82: {  	s0 =	smul.u32 $0x600, s29;
	[tilespmem:s1+$0xDAB0] =	vst v0;
	v0 =	vmul.f32 $1.131370830e+01, v6  }
0x83: {  	[tilespmem:s1+$0xDAC0] =	vst v1;
	v1 =	vmul.f32 $1.131370830e+01, v2  }
0x84: {  	s30 =	sshra.s32 s0, $0x2;
	[tilespmem:s1+$0xDAD0] =	vst v0  }
0x85: {  	s16 =	smul.u32 $0x30000, s29;
	s0 =	sadd.s32 $0x180, s30;
	[tilespmem:s1+$0xDAE0] =	vst v1  }
0x86: {  	[tilespmem:s14], [sflag:$0x1] =	stream.indirect.gather [hbm4b:s2+s13], $0x80, s0, s13, $0xb8;
	[tilespmem:$0x19900] =	vst v63  }
0x87: {  	s16 =	sadd.s32 s16, s6  }
0x88: {  	[hbm4b:s16+s4] =	stream.linear.scatter [tilespmem:s19], [sflag:$0x4], $0x4000, $0x38;
	[tilespmem:$0x19900] =	vst v63  }
0x89: {  	_ =	swait.ge [sflag:s20], $0x4000  }
0x8a: {  	[sflag:s20] =	ssyncset.done $0x0  }
0x8b: {  	s0 =	simm.s32 @!p0 $0x5;
	[sflag:s20] =	ssyncadd.s32 $0xFFFFC000  }
0x8c: {  	_ =	swait.ge @!p0 [sflag:s0], $0x4000  }
0x8d: {  	[sflag:s0] =	ssyncset.done @!p0 $0x0  }
0x8e: {  	s31 =	simm.s32 $0x0;
	[sflag:s0] =	ssyncadd.s32 @!p0 $0xFFFFC000  }
0x8f: {  	v0 =	vld [tilespmem:s31+$0x5AF0]  }
0x90: {  	v1 =	vld [tilespmem:s31+$0x5900];
	_ =	sdelay $0x1  }
0x91: {  	v2 =	vld [tilespmem:s31+$0x5910]  }
0x92: {  	v3 =	vld [tilespmem:s31+$0x5920]  }
0x93: {  	v4 =	vld [tilespmem:s31+$0x5930];
	v0 =	vmul.f32 $1.131370830e+01, v0  }
0x94: {  	v5 =	vld [tilespmem:s31+$0x5940];
	v1 =	vmul.f32 $1.131370830e+01, v1  }
0x95: {  	v6 =	vld [tilespmem:s31+$0x5950];
	[tilespmem:s31+$0x11AF0] =	vst v0  }
0x96: {  	v0 =	vmul.f32 $1.131370830e+01, v2;
	[tilespmem:s31+$0x11900] =	vst v1;
	v1 =	vld [tilespmem:s31+$0x5970]  }
0x97: {  	v7 =	vld [tilespmem:s31+$0x5960];
	v2 =	vmul.f32 $1.131370830e+01, v3  }
0x98: {  	v3 =	vmul.f32 $1.131370830e+01, v4;
	[tilespmem:s31+$0x11910] =	vst v0;
	v0 =	vld [tilespmem:s31+$0x5980]  }
0x99: {  	v4 =	vmul.f32 $1.131370830e+01, v5;
	[tilespmem:s31+$0x11920] =	vst v2;
	v2 =	vld [tilespmem:s31+$0x5990]  }
0x9a: {  	v5 =	vmul.f32 $1.131370830e+01, v6;
	[tilespmem:s31+$0x11930] =	vst v3;
	v3 =	vld [tilespmem:s31+$0x59A0]  }
0x9b: {  	[tilespmem:s31+$0x11940] =	vst v4;
	v4 =	vld [tilespmem:s31+$0x59B0];
	v1 =	vmul.f32 $1.131370830e+01, v1  }
0x9c: {  	v6 =	vmul.f32 $1.131370830e+01, v7;
	[tilespmem:s31+$0x11950] =	vst v5;
	v5 =	vld [tilespmem:s31+$0x59C0]  }
0x9d: {  	v0 =	vmul.f32 $1.131370830e+01, v0;
	[tilespmem:s31+$0x11970] =	vst v1;
	v1 =	vld [tilespmem:s31+$0x59E0]  }
0x9e: {  	[tilespmem:s31+$0x11960] =	vst v6;
	v6 =	vld [tilespmem:s31+$0x59D0];
	v2 =	vmul.f32 $1.131370830e+01, v2  }
0x9f: {  	v3 =	vmul.f32 $1.131370830e+01, v3;
	[tilespmem:s31+$0x11980] =	vst v0;
	v0 =	vld [tilespmem:s31+$0x59F0]  }
0xa0: {  	v4 =	vmul.f32 $1.131370830e+01, v4;
	[tilespmem:s31+$0x11990] =	vst v2;
	v2 =	vld [tilespmem:s31+$0x5A00]  }
0xa1: {  	v5 =	vmul.f32 $1.131370830e+01, v5;
	[tilespmem:s31+$0x119A0] =	vst v3;
	v3 =	vld [tilespmem:s31+$0x5A10]  }
0xa2: {  	[tilespmem:s31+$0x119B0] =	vst v4;
	v4 =	vld [tilespmem:s31+$0x5A20];
	v1 =	vmul.f32 $1.131370830e+01, v1  }
0xa3: {  	v6 =	vmul.f32 $1.131370830e+01, v6;
	[tilespmem:s31+$0x119C0] =	vst v5;
	v5 =	vld [tilespmem:s31+$0x5A30]  }
0xa4: {  	v0 =	vmul.f32 $1.131370830e+01, v0;
	[tilespmem:s31+$0x119E0] =	vst v1;
	v1 =	vld [tilespmem:s31+$0x5A50]  }
0xa5: {  	[tilespmem:s31+$0x119D0] =	vst v6;
	v6 =	vld [tilespmem:s31+$0x5A40];
	v2 =	vmul.f32 $1.131370830e+01, v2  }
0xa6: {  	[tilespmem:s31+$0x119F0] =	vst v0;
	v0 =	vmul.f32 $1.131370830e+01, v3;
	v3 =	vld [tilespmem:s31+$0x5A70]  }
0xa7: {  	v7 =	vld [tilespmem:s31+$0x5A60];
	[tilespmem:s31+$0x11A00] =	vst v2;
	v2 =	vmul.f32 $1.131370830e+01, v4  }
0xa8: {  	v4 =	vld [tilespmem:s31+$0x5A80];
	[tilespmem:s31+$0x11A10] =	vst v0;
	v0 =	vmul.f32 $1.131370830e+01, v5  }
0xa9: {  	v8 =	vld [tilespmem:s31+$0x5A90];
	[tilespmem:s31+$0x11A20] =	vst v2;
	v5 =	vmul.f32 $1.131370830e+01, v1  }
0xaa: {  	v2 =	vmul.f32 $1.131370830e+01, v6;
	[tilespmem:s31+$0x11A30] =	vst v0;
	v0 =	vld [tilespmem:s31+$0x5AA0]  }
0xab: {  	v1 =	vld [tilespmem:s31+$0x5AB0];
	[tilespmem:s31+$0x11A50] =	vst v5;
	v5 =	vmul.f32 $1.131370830e+01, v3  }
0xac: {  	v6 =	vmul.f32 $1.131370830e+01, v7;
	[tilespmem:s31+$0x11A40] =	vst v2;
	v2 =	vld [tilespmem:s31+$0x5AC0]  }
0xad: {  	v3 =	vld [tilespmem:s31+$0x5AD0];
	[tilespmem:s31+$0x11A70] =	vst v5;
	v5 =	vmul.f32 $1.131370830e+01, v4  }
0xae: {  	s1 =	simm.s32 $0x1000;
	s0 =	simm.s32 $0x200;
	[tilespmem:s31+$0x11A60] =	vst v6;
	v6 =	vmul.f32 $1.131370830e+01, v8;
	v4 =	vld [tilespmem:s31+$0x5AE0]  }
.LBB2_5:
0xaf: {  	p1 =	sne.s32 s1, $0xF800;
	v7 =	vld [tilespmem:s0+$0x5AF0];
	[tilespmem:s31+$0x11A80] =	vst v5;
	v0 =	vmul.f32 $1.131370830e+01, v0  }
0xb0: {  	v5 =	vld [tilespmem:s0+$0x5900];
	[tilespmem:s31+$0x11A90] =	vst v6;
	v1 =	vmul.f32 $1.131370830e+01, v1  }
0xb1: {  	v6 =	vld [tilespmem:s0+$0x5910];
	[tilespmem:s31+$0x11AA0] =	vst v0;
	v0 =	vmul.f32 $1.131370830e+01, v2  }
0xb2: {  	v2 =	vld [tilespmem:s0+$0x5920];
	[tilespmem:s31+$0x11AB0] =	vst v1;
	v1 =	vmul.f32 $1.131370830e+01, v3  }
0xb3: {  	v3 =	vld [tilespmem:s0+$0x5930];
	[tilespmem:s31+$0x11AC0] =	vst v0;
	v0 =	vmul.f32 $1.131370830e+01, v4  }
0xb4: {  	v4 =	vld [tilespmem:s0+$0x5940];
	v7 =	vmul.f32 $1.131370830e+01, v7;
	[tilespmem:s31+$0x11AD0] =	vst v1  }
0xb5: {  	v1 =	vmul.f32 $1.131370830e+01, v5;
	v5 =	vld [tilespmem:s0+$0x5950];
	[tilespmem:s31+$0x11AE0] =	vst v0;
	s31 =	smov.u32 s0  }
0xb6: {  	v0 =	vmul.f32 $1.131370830e+01, v6;
	v6 =	vld [tilespmem:s31+$0x5960];
	[tilespmem:s31+$0x11AF0] =	vst v7  }
0xb7: {  	[tilespmem:s31+$0x11900] =	vst v1;
	v1 =	vmul.f32 $1.131370830e+01, v2;
	v2 =	vld [tilespmem:s31+$0x5970]  }
0xb8: {  	[tilespmem:s31+$0x11910] =	vst v0;
	v0 =	vmul.f32 $1.131370830e+01, v3;
	v3 =	vld [tilespmem:s31+$0x5980]  }
0xb9: {  	[tilespmem:s31+$0x11920] =	vst v1;
	v1 =	vmul.f32 $1.131370830e+01, v4;
	v4 =	vld [tilespmem:s31+$0x5990]  }
0xba: {  	[tilespmem:s31+$0x11930] =	vst v0;
	v0 =	vmul.f32 $1.131370830e+01, v5;
	v5 =	vld [tilespmem:s31+$0x59A0]  }
0xbb: {  	[tilespmem:s31+$0x11940] =	vst v1;
	v1 =	vmul.f32 $1.131370830e+01, v6;
	v6 =	vld [tilespmem:s31+$0x59B0]  }
0xbc: {  	[tilespmem:s31+$0x11950] =	vst v0;
	v0 =	vmul.f32 $1.131370830e+01, v2;
	v2 =	vld [tilespmem:s31+$0x59C0]  }
0xbd: {  	[tilespmem:s31+$0x11960] =	vst v1;
	v1 =	vmul.f32 $1.131370830e+01, v3;
	v3 =	vld [tilespmem:s31+$0x59D0]  }
0xbe: {  	[tilespmem:s31+$0x11970] =	vst v0;
	v0 =	vmul.f32 $1.131370830e+01, v4;
	v4 =	vld [tilespmem:s31+$0x59E0]  }
0xbf: {  	[tilespmem:s31+$0x11980] =	vst v1;
	v1 =	vmul.f32 $1.131370830e+01, v5;
	v5 =	vld [tilespmem:s31+$0x59F0]  }
0xc0: {  	[tilespmem:s31+$0x11990] =	vst v0;
	v0 =	vmul.f32 $1.131370830e+01, v6;
	v6 =	vld [tilespmem:s31+$0x5A00]  }
0xc1: {  	[tilespmem:s31+$0x119A0] =	vst v1;
	v1 =	vmul.f32 $1.131370830e+01, v2;
	v2 =	vld [tilespmem:s31+$0x5A10]  }
0xc2: {  	[tilespmem:s31+$0x119B0] =	vst v0;
	v0 =	vmul.f32 $1.131370830e+01, v3;
	v3 =	vld [tilespmem:s31+$0x5A20]  }
0xc3: {  	[tilespmem:s31+$0x119C0] =	vst v1;
	v1 =	vmul.f32 $1.131370830e+01, v4;
	v4 =	vld [tilespmem:s31+$0x5A30]  }
0xc4: {  	[tilespmem:s31+$0x119D0] =	vst v0;
	v0 =	vmul.f32 $1.131370830e+01, v5;
	v5 =	vld [tilespmem:s31+$0x5A40]  }
0xc5: {  	[tilespmem:s31+$0x119E0] =	vst v1;
	v1 =	vmul.f32 $1.131370830e+01, v6;
	v6 =	vld [tilespmem:s31+$0x5A50]  }
0xc6: {  	[tilespmem:s31+$0x119F0] =	vst v0;
	v0 =	vmul.f32 $1.131370830e+01, v2;
	v2 =	vld [tilespmem:s31+$0x5A60]  }
0xc7: {  	[tilespmem:s31+$0x11A00] =	vst v1;
	v1 =	vmul.f32 $1.131370830e+01, v3;
	v3 =	vld [tilespmem:s31+$0x5A70]  }
0xc8: {  	[tilespmem:s31+$0x11A10] =	vst v0;
	v0 =	vmul.f32 $1.131370830e+01, v4;
	v4 =	vld [tilespmem:s31+$0x5A80]  }
0xc9: {  	[tilespmem:s31+$0x11A20] =	vst v1;
	v1 =	vmul.f32 $1.131370830e+01, v5;
	v7 =	vld [tilespmem:s31+$0x5A90]  }
.Ltmp1:
0xca: {  	[tilespmem:s31+$0x11A30] =	vst v0;
	v5 =	vmul.f32 $1.131370830e+01, v6;
	v0 =	vld [tilespmem:s31+$0x5AA0];
	(pc) =	sbr.rel @p1 .LBB2_5-.Ltmp1, $4  }
0xcb: {  	[tilespmem:s31+$0x11A40] =	vst v1;
	v6 =	vmul.f32 $1.131370830e+01, v2;
	v1 =	vld [tilespmem:s31+$0x5AB0]  }
0xcc: {  	[tilespmem:s31+$0x11A50] =	vst v5;
	v8 =	vmul.f32 $1.131370830e+01, v3;
	v2 =	vld [tilespmem:s31+$0x5AC0]  }
0xcd: {  	[tilespmem:s31+$0x11A60] =	vst v6;
	v5 =	vmul.f32 $1.131370830e+01, v4;
	v3 =	vld [tilespmem:s31+$0x5AD0]  }
0xce: {  	s0 =	sshra.s32 s1, $0x2;
	s1 =	sadd.s32 $0x800, s1;
	[tilespmem:s31+$0x11A70] =	vst v8;
	v6 =	vmul.f32 $1.131370830e+01, v7;
	v4 =	vld [tilespmem:s31+$0x5AE0]  }
0xcf: {  	v7 =	vld [tilespmem:s0+$0x5AF0];
	[tilespmem:s31+$0x11A80] =	vst v5;
	v0 =	vmul.f32 $1.131370830e+01, v0  }
0xd0: {  	v5 =	vld [tilespmem:s0+$0x5900];
	[tilespmem:s31+$0x11A90] =	vst v6;
	v1 =	vmul.f32 $1.131370830e+01, v1  }
0xd1: {  	v6 =	vld [tilespmem:s0+$0x5910];
	[tilespmem:s31+$0x11AA0] =	vst v0;
	v2 =	vmul.f32 $1.131370830e+01, v2  }
0xd2: {  	v0 =	vld [tilespmem:s0+$0x5920];
	[tilespmem:s31+$0x11AB0] =	vst v1;
	v3 =	vmul.f32 $1.131370830e+01, v3  }
0xd3: {  	v1 =	vld [tilespmem:s0+$0x5930];
	[tilespmem:s31+$0x11AC0] =	vst v2;
	v4 =	vmul.f32 $1.131370830e+01, v4  }
0xd4: {  	v2 =	vld [tilespmem:s0+$0x5940];
	[tilespmem:s31+$0x11AD0] =	vst v3;
	v7 =	vmul.f32 $1.131370830e+01, v7  }
0xd5: {  	v3 =	vld [tilespmem:s0+$0x5950];
	[tilespmem:s31+$0x11AE0] =	vst v4;
	v4 =	vmul.f32 $1.131370830e+01, v5  }
0xd6: {  	v5 =	vld [tilespmem:s0+$0x5960];
	[tilespmem:s0+$0x11AF0] =	vst v7;
	v6 =	vmul.f32 $1.131370830e+01, v6  }
0xd7: {  	[tilespmem:s0+$0x11900] =	vst v4;
	v4 =	vld [tilespmem:s0+$0x5970];
	v0 =	vmul.f32 $1.131370830e+01, v0  }
0xd8: {  	[tilespmem:s0+$0x11910] =	vst v6;
	v6 =	vld [tilespmem:s0+$0x5980];
	v1 =	vmul.f32 $1.131370830e+01, v1  }
0xd9: {  	[tilespmem:s0+$0x11920] =	vst v0;
	v0 =	vld [tilespmem:s0+$0x5990];
	v2 =	vmul.f32 $1.131370830e+01, v2  }
0xda: {  	[tilespmem:s0+$0x11930] =	vst v1;
	v1 =	vld [tilespmem:s0+$0x59A0];
	v3 =	vmul.f32 $1.131370830e+01, v3  }
0xdb: {  	[tilespmem:s0+$0x11940] =	vst v2;
	v2 =	vld [tilespmem:s0+$0x59B0];
	v5 =	vmul.f32 $1.131370830e+01, v5  }
0xdc: {  	[tilespmem:s0+$0x11950] =	vst v3;
	v3 =	vld [tilespmem:s0+$0x59C0];
	v4 =	vmul.f32 $1.131370830e+01, v4  }
0xdd: {  	[tilespmem:s0+$0x11960] =	vst v5;
	v5 =	vld [tilespmem:s0+$0x59D0];
	v6 =	vmul.f32 $1.131370830e+01, v6  }
0xde: {  	[tilespmem:s0+$0x11970] =	vst v4;
	v4 =	vld [tilespmem:s0+$0x59E0];
	v0 =	vmul.f32 $1.131370830e+01, v0  }
0xdf: {  	[tilespmem:s0+$0x11980] =	vst v6;
	v6 =	vld [tilespmem:s0+$0x59F0];
	v1 =	vmul.f32 $1.131370830e+01, v1  }
0xe0: {  	[tilespmem:s0+$0x11990] =	vst v0;
	v0 =	vld [tilespmem:s0+$0x5A00];
	v2 =	vmul.f32 $1.131370830e+01, v2  }
0xe1: {  	[tilespmem:s0+$0x119A0] =	vst v1;
	v1 =	vld [tilespmem:s0+$0x5A10];
	v3 =	vmul.f32 $1.131370830e+01, v3  }
0xe2: {  	[tilespmem:s0+$0x119B0] =	vst v2;
	v2 =	vld [tilespmem:s0+$0x5A20];
	v5 =	vmul.f32 $1.131370830e+01, v5  }
0xe3: {  	[tilespmem:s0+$0x119C0] =	vst v3;
	v3 =	vld [tilespmem:s0+$0x5A30];
	v4 =	vmul.f32 $1.131370830e+01, v4  }
0xe4: {  	[tilespmem:s0+$0x119D0] =	vst v5;
	v5 =	vld [tilespmem:s0+$0x5A40];
	v6 =	vmul.f32 $1.131370830e+01, v6  }
0xe5: {  	[tilespmem:s0+$0x119E0] =	vst v4;
	v4 =	vld [tilespmem:s0+$0x5A50];
	v0 =	vmul.f32 $1.131370830e+01, v0  }
0xe6: {  	[tilespmem:s0+$0x119F0] =	vst v6;
	v6 =	vld [tilespmem:s0+$0x5A60];
	v1 =	vmul.f32 $1.131370830e+01, v1  }
0xe7: {  	[tilespmem:s0+$0x11A00] =	vst v0;
	v0 =	vld [tilespmem:s0+$0x5A70];
	v2 =	vmul.f32 $1.131370830e+01, v2  }
0xe8: {  	[tilespmem:s0+$0x11A10] =	vst v1;
	v1 =	vld [tilespmem:s0+$0x5A80];
	v3 =	vmul.f32 $1.131370830e+01, v3  }
0xe9: {  	[tilespmem:s0+$0x11A20] =	vst v2;
	v2 =	vld [tilespmem:s0+$0x5A90];
	v5 =	vmul.f32 $1.131370830e+01, v5  }
0xea: {  	[tilespmem:s0+$0x11A30] =	vst v3;
	v3 =	vld [tilespmem:s0+$0x5AA0];
	v4 =	vmul.f32 $1.131370830e+01, v4  }
0xeb: {  	[tilespmem:s0+$0x11A40] =	vst v5;
	v5 =	vld [tilespmem:s0+$0x5AB0];
	v6 =	vmul.f32 $1.131370830e+01, v6  }
0xec: {  	[tilespmem:s0+$0x11A50] =	vst v4;
	v4 =	vld [tilespmem:s0+$0x5AC0];
	v0 =	vmul.f32 $1.131370830e+01, v0  }
0xed: {  	[tilespmem:s0+$0x11A60] =	vst v6;
	v6 =	vld [tilespmem:s0+$0x5AD0];
	v1 =	vmul.f32 $1.131370830e+01, v1  }
0xee: {  	[tilespmem:s0+$0x11A70] =	vst v0;
	v0 =	vmul.f32 $1.131370830e+01, v2;
	v2 =	vld [tilespmem:s0+$0x5AE0]  }
0xef: {  	[tilespmem:s0+$0x11A80] =	vst v1;
	v1 =	vmul.f32 $1.131370830e+01, v3  }
0xf0: {  	[tilespmem:s0+$0x11A90] =	vst v0;
	v0 =	vmul.f32 $1.131370830e+01, v5  }
0xf1: {  	[tilespmem:s0+$0x11AA0] =	vst v1;
	v1 =	vmul.f32 $1.131370830e+01, v4  }
0xf2: {  	s31 =	smul.u32 $0x180000, s29;
	[tilespmem:s0+$0x11AB0] =	vst v0;
	v0 =	vmul.f32 $1.131370830e+01, v6  }
0xf3: {  	[tilespmem:s0+$0x11AC0] =	vst v1;
	v1 =	vmul.f32 $1.131370830e+01, v2  }
0xf4: {  	s16 =	sadd.s32 s7, s31;
	[tilespmem:s0+$0x11AD0] =	vst v0  }
0xf5: {  	s1 =	sadd.s32 $0x200, s30;
	[tilespmem:s0+$0x11AE0] =	vst v1;
	s0 =	sshrl.u32 s16, $0x3  }
0xf6: {  	[tilespmem:s15], [sflag:$0x2] =	stream.indirect.gather [hbm4b:s2+s13], $0x80, s1, s13, $0xb8;
	[tilespmem:$0x19900] =	vst v63  }
0xf7: {  	s0 =	sadd.s32 s3, s0  }
0xf8: {  	[hbm4b:s0+s4] =	stream.linear.scatter [tilespmem:s21], [sflag:$0x5], $0x4000, $0x38;
	[tilespmem:$0x19900] =	vst v63  }
0xf9: {  	_ =	swait.ge [sflag:s22], $0x4000  }
0xfa: {  	[sflag:s22] =	ssyncset.done $0x0  }
0xfb: {  	s0 =	simm.s32 @!p0 $0x6;
	[sflag:s22] =	ssyncadd.s32 $0xFFFFC000  }
0xfc: {  	_ =	swait.ge @!p0 [sflag:s0], $0x4000  }
0xfd: {  	[sflag:s0] =	ssyncset.done @!p0 $0x0  }
0xfe: {  	s1 =	simm.s32 $0x0;
	[sflag:s0] =	ssyncadd.s32 @!p0 $0xFFFFC000  }
0xff: {  	v0 =	vld [tilespmem:s1+$0x9AF0]  }
0x100: {  	v1 =	vld [tilespmem:s1+$0x9900];
	_ =	sdelay $0x1  }
0x101: {  	v2 =	vld [tilespmem:s1+$0x9910]  }
0x102: {  	v3 =	vld [tilespmem:s1+$0x9920]  }
0x103: {  	v4 =	vld [tilespmem:s1+$0x9930];
	v0 =	vmul.f32 $1.131370830e+01, v0  }
0x104: {  	v5 =	vld [tilespmem:s1+$0x9940];
	v1 =	vmul.f32 $1.131370830e+01, v1  }
0x105: {  	v6 =	vld [tilespmem:s1+$0x9950];
	[tilespmem:s1+$0x15AF0] =	vst v0  }
0x106: {  	v0 =	vmul.f32 $1.131370830e+01, v2;
	[tilespmem:s1+$0x15900] =	vst v1;
	v1 =	vld [tilespmem:s1+$0x9970]  }
0x107: {  	v7 =	vld [tilespmem:s1+$0x9960];
	v2 =	vmul.f32 $1.131370830e+01, v3  }
0x108: {  	v3 =	vmul.f32 $1.131370830e+01, v4;
	[tilespmem:s1+$0x15910] =	vst v0;
	v0 =	vld [tilespmem:s1+$0x9980]  }
0x109: {  	v4 =	vmul.f32 $1.131370830e+01, v5;
	[tilespmem:s1+$0x15920] =	vst v2;
	v2 =	vld [tilespmem:s1+$0x9990]  }
0x10a: {  	v5 =	vmul.f32 $1.131370830e+01, v6;
	[tilespmem:s1+$0x15930] =	vst v3;
	v3 =	vld [tilespmem:s1+$0x99A0]  }
0x10b: {  	[tilespmem:s1+$0x15940] =	vst v4;
	v4 =	vld [tilespmem:s1+$0x99B0];
	v1 =	vmul.f32 $1.131370830e+01, v1  }
0x10c: {  	v6 =	vmul.f32 $1.131370830e+01, v7;
	[tilespmem:s1+$0x15950] =	vst v5;
	v5 =	vld [tilespmem:s1+$0x99C0]  }
0x10d: {  	v0 =	vmul.f32 $1.131370830e+01, v0;
	[tilespmem:s1+$0x15970] =	vst v1;
	v1 =	vld [tilespmem:s1+$0x99E0]  }
0x10e: {  	[tilespmem:s1+$0x15960] =	vst v6;
	v6 =	vld [tilespmem:s1+$0x99D0];
	v2 =	vmul.f32 $1.131370830e+01, v2  }
0x10f: {  	v3 =	vmul.f32 $1.131370830e+01, v3;
	[tilespmem:s1+$0x15980] =	vst v0;
	v0 =	vld [tilespmem:s1+$0x99F0]  }
0x110: {  	v4 =	vmul.f32 $1.131370830e+01, v4;
	[tilespmem:s1+$0x15990] =	vst v2;
	v2 =	vld [tilespmem:s1+$0x9A00]  }
0x111: {  	v5 =	vmul.f32 $1.131370830e+01, v5;
	[tilespmem:s1+$0x159A0] =	vst v3;
	v3 =	vld [tilespmem:s1+$0x9A10]  }
0x112: {  	[tilespmem:s1+$0x159B0] =	vst v4;
	v4 =	vld [tilespmem:s1+$0x9A20];
	v1 =	vmul.f32 $1.131370830e+01, v1  }
0x113: {  	v6 =	vmul.f32 $1.131370830e+01, v6;
	[tilespmem:s1+$0x159C0] =	vst v5;
	v5 =	vld [tilespmem:s1+$0x9A30]  }
0x114: {  	v0 =	vmul.f32 $1.131370830e+01, v0;
	[tilespmem:s1+$0x159E0] =	vst v1;
	v1 =	vld [tilespmem:s1+$0x9A50]  }
0x115: {  	[tilespmem:s1+$0x159D0] =	vst v6;
	v6 =	vld [tilespmem:s1+$0x9A40];
	v2 =	vmul.f32 $1.131370830e+01, v2  }
0x116: {  	[tilespmem:s1+$0x159F0] =	vst v0;
	v0 =	vmul.f32 $1.131370830e+01, v3;
	v3 =	vld [tilespmem:s1+$0x9A70]  }
0x117: {  	v7 =	vld [tilespmem:s1+$0x9A60];
	[tilespmem:s1+$0x15A00] =	vst v2;
	v2 =	vmul.f32 $1.131370830e+01, v4  }
0x118: {  	v4 =	vld [tilespmem:s1+$0x9A80];
	[tilespmem:s1+$0x15A10] =	vst v0;
	v0 =	vmul.f32 $1.131370830e+01, v5  }
0x119: {  	v8 =	vld [tilespmem:s1+$0x9A90];
	[tilespmem:s1+$0x15A20] =	vst v2;
	v5 =	vmul.f32 $1.131370830e+01, v1  }
0x11a: {  	v2 =	vmul.f32 $1.131370830e+01, v6;
	[tilespmem:s1+$0x15A30] =	vst v0;
	v0 =	vld [tilespmem:s1+$0x9AA0]  }
0x11b: {  	v1 =	vld [tilespmem:s1+$0x9AB0];
	[tilespmem:s1+$0x15A50] =	vst v5;
	v5 =	vmul.f32 $1.131370830e+01, v3  }
0x11c: {  	v6 =	vmul.f32 $1.131370830e+01, v7;
	[tilespmem:s1+$0x15A40] =	vst v2;
	v2 =	vld [tilespmem:s1+$0x9AC0]  }
0x11d: {  	v3 =	vld [tilespmem:s1+$0x9AD0];
	[tilespmem:s1+$0x15A70] =	vst v5;
	v5 =	vmul.f32 $1.131370830e+01, v4  }
0x11e: {  	s16 =	simm.s32 $0x1000;
	s0 =	simm.s32 $0x200;
	[tilespmem:s1+$0x15A60] =	vst v6;
	v6 =	vmul.f32 $1.131370830e+01, v8;
	v4 =	vld [tilespmem:s1+$0x9AE0]  }
.LBB2_7:
0x11f: {  	p0 =	sne.s32 s16, $0xF800;
	v7 =	vld [tilespmem:s0+$0x9AF0];
	[tilespmem:s1+$0x15A80] =	vst v5;
	v0 =	vmul.f32 $1.131370830e+01, v0  }
0x120: {  	v5 =	vld [tilespmem:s0+$0x9900];
	[tilespmem:s1+$0x15A90] =	vst v6;
	v1 =	vmul.f32 $1.131370830e+01, v1  }
0x121: {  	v6 =	vld [tilespmem:s0+$0x9910];
	[tilespmem:s1+$0x15AA0] =	vst v0;
	v0 =	vmul.f32 $1.131370830e+01, v2  }
0x122: {  	v2 =	vld [tilespmem:s0+$0x9920];
	[tilespmem:s1+$0x15AB0] =	vst v1;
	v1 =	vmul.f32 $1.131370830e+01, v3  }
0x123: {  	v3 =	vld [tilespmem:s0+$0x9930];
	[tilespmem:s1+$0x15AC0] =	vst v0;
	v0 =	vmul.f32 $1.131370830e+01, v4  }
0x124: {  	v4 =	vld [tilespmem:s0+$0x9940];
	v7 =	vmul.f32 $1.131370830e+01, v7;
	[tilespmem:s1+$0x15AD0] =	vst v1  }
0x125: {  	v1 =	vmul.f32 $1.131370830e+01, v5;
	v5 =	vld [tilespmem:s0+$0x9950];
	[tilespmem:s1+$0x15AE0] =	vst v0;
	s1 =	smov.u32 s0  }
0x126: {  	v0 =	vmul.f32 $1.131370830e+01, v6;
	v6 =	vld [tilespmem:s1+$0x9960];
	[tilespmem:s1+$0x15AF0] =	vst v7  }
0x127: {  	[tilespmem:s1+$0x15900] =	vst v1;
	v1 =	vmul.f32 $1.131370830e+01, v2;
	v2 =	vld [tilespmem:s1+$0x9970]  }
0x128: {  	[tilespmem:s1+$0x15910] =	vst v0;
	v0 =	vmul.f32 $1.131370830e+01, v3;
	v3 =	vld [tilespmem:s1+$0x9980]  }
0x129: {  	[tilespmem:s1+$0x15920] =	vst v1;
	v1 =	vmul.f32 $1.131370830e+01, v4;
	v4 =	vld [tilespmem:s1+$0x9990]  }
0x12a: {  	[tilespmem:s1+$0x15930] =	vst v0;
	v0 =	vmul.f32 $1.131370830e+01, v5;
	v5 =	vld [tilespmem:s1+$0x99A0]  }
0x12b: {  	[tilespmem:s1+$0x15940] =	vst v1;
	v1 =	vmul.f32 $1.131370830e+01, v6;
	v6 =	vld [tilespmem:s1+$0x99B0]  }
0x12c: {  	[tilespmem:s1+$0x15950] =	vst v0;
	v0 =	vmul.f32 $1.131370830e+01, v2;
	v2 =	vld [tilespmem:s1+$0x99C0]  }
0x12d: {  	[tilespmem:s1+$0x15960] =	vst v1;
	v1 =	vmul.f32 $1.131370830e+01, v3;
	v3 =	vld [tilespmem:s1+$0x99D0]  }
0x12e: {  	[tilespmem:s1+$0x15970] =	vst v0;
	v0 =	vmul.f32 $1.131370830e+01, v4;
	v4 =	vld [tilespmem:s1+$0x99E0]  }
0x12f: {  	[tilespmem:s1+$0x15980] =	vst v1;
	v1 =	vmul.f32 $1.131370830e+01, v5;
	v5 =	vld [tilespmem:s1+$0x99F0]  }
0x130: {  	[tilespmem:s1+$0x15990] =	vst v0;
	v0 =	vmul.f32 $1.131370830e+01, v6;
	v6 =	vld [tilespmem:s1+$0x9A00]  }
0x131: {  	[tilespmem:s1+$0x159A0] =	vst v1;
	v1 =	vmul.f32 $1.131370830e+01, v2;
	v2 =	vld [tilespmem:s1+$0x9A10]  }
0x132: {  	[tilespmem:s1+$0x159B0] =	vst v0;
	v0 =	vmul.f32 $1.131370830e+01, v3;
	v3 =	vld [tilespmem:s1+$0x9A20]  }
0x133: {  	[tilespmem:s1+$0x159C0] =	vst v1;
	v1 =	vmul.f32 $1.131370830e+01, v4;
	v4 =	vld [tilespmem:s1+$0x9A30]  }
0x134: {  	[tilespmem:s1+$0x159D0] =	vst v0;
	v0 =	vmul.f32 $1.131370830e+01, v5;
	v5 =	vld [tilespmem:s1+$0x9A40]  }
0x135: {  	[tilespmem:s1+$0x159E0] =	vst v1;
	v1 =	vmul.f32 $1.131370830e+01, v6;
	v6 =	vld [tilespmem:s1+$0x9A50]  }
0x136: {  	[tilespmem:s1+$0x159F0] =	vst v0;
	v0 =	vmul.f32 $1.131370830e+01, v2;
	v2 =	vld [tilespmem:s1+$0x9A60]  }
0x137: {  	[tilespmem:s1+$0x15A00] =	vst v1;
	v1 =	vmul.f32 $1.131370830e+01, v3;
	v3 =	vld [tilespmem:s1+$0x9A70]  }
0x138: {  	[tilespmem:s1+$0x15A10] =	vst v0;
	v0 =	vmul.f32 $1.131370830e+01, v4;
	v4 =	vld [tilespmem:s1+$0x9A80]  }
0x139: {  	[tilespmem:s1+$0x15A20] =	vst v1;
	v1 =	vmul.f32 $1.131370830e+01, v5;
	v7 =	vld [tilespmem:s1+$0x9A90]  }
.Ltmp2:
0x13a: {  	[tilespmem:s1+$0x15A30] =	vst v0;
	v5 =	vmul.f32 $1.131370830e+01, v6;
	v0 =	vld [tilespmem:s1+$0x9AA0];
	(pc) =	sbr.rel @p0 .LBB2_7-.Ltmp2, $4  }
0x13b: {  	[tilespmem:s1+$0x15A40] =	vst v1;
	v6 =	vmul.f32 $1.131370830e+01, v2;
	v1 =	vld [tilespmem:s1+$0x9AB0]  }
0x13c: {  	[tilespmem:s1+$0x15A50] =	vst v5;
	v8 =	vmul.f32 $1.131370830e+01, v3;
	v2 =	vld [tilespmem:s1+$0x9AC0]  }
0x13d: {  	[tilespmem:s1+$0x15A60] =	vst v6;
	v5 =	vmul.f32 $1.131370830e+01, v4;
	v3 =	vld [tilespmem:s1+$0x9AD0]  }
0x13e: {  	s0 =	sshra.s32 s16, $0x2;
	s16 =	sadd.s32 $0x800, s16;
	[tilespmem:s1+$0x15A70] =	vst v8;
	v6 =	vmul.f32 $1.131370830e+01, v7;
	v4 =	vld [tilespmem:s1+$0x9AE0]  }
0x13f: {  	v7 =	vld [tilespmem:s0+$0x9AF0];
	[tilespmem:s1+$0x15A80] =	vst v5;
	v0 =	vmul.f32 $1.131370830e+01, v0  }
0x140: {  	v5 =	vld [tilespmem:s0+$0x9900];
	[tilespmem:s1+$0x15A90] =	vst v6;
	v1 =	vmul.f32 $1.131370830e+01, v1  }
0x141: {  	v6 =	vld [tilespmem:s0+$0x9910];
	[tilespmem:s1+$0x15AA0] =	vst v0;
	v2 =	vmul.f32 $1.131370830e+01, v2  }
0x142: {  	v0 =	vld [tilespmem:s0+$0x9920];
	[tilespmem:s1+$0x15AB0] =	vst v1;
	v3 =	vmul.f32 $1.131370830e+01, v3  }
0x143: {  	v1 =	vld [tilespmem:s0+$0x9930];
	[tilespmem:s1+$0x15AC0] =	vst v2;
	v4 =	vmul.f32 $1.131370830e+01, v4  }
0x144: {  	v2 =	vld [tilespmem:s0+$0x9940];
	[tilespmem:s1+$0x15AD0] =	vst v3;
	v7 =	vmul.f32 $1.131370830e+01, v7  }
0x145: {  	v3 =	vld [tilespmem:s0+$0x9950];
	[tilespmem:s1+$0x15AE0] =	vst v4;
	v32 =	vmul.f32 $1.131370830e+01, v5  }
0x146: {  	v33 =	vld [tilespmem:s0+$0x9960];
	[tilespmem:s0+$0x15AF0] =	vst v7;
	v6 =	vmul.f32 $1.131370830e+01, v6  }
0x147: {  	v34 =	vld [tilespmem:s0+$0x9970];
	[tilespmem:s0+$0x15900] =	vst v32;
	v0 =	vmul.f32 $1.131370830e+01, v0  }
0x148: {  	v35 =	vld [tilespmem:s0+$0x9980];
	[tilespmem:s0+$0x15910] =	vst v6;
	v1 =	vmul.f32 $1.131370830e+01, v1  }
0x149: {  	v36 =	vld [tilespmem:s0+$0x9990];
	[tilespmem:s0+$0x15920] =	vst v0;
	v2 =	vmul.f32 $1.131370830e+01, v2  }
0x14a: {  	v37 =	vld [tilespmem:s0+$0x99A0];
	[tilespmem:s0+$0x15930] =	vst v1;
	v3 =	vmul.f32 $1.131370830e+01, v3  }
0x14b: {  	v38 =	vld [tilespmem:s0+$0x99B0];
	[tilespmem:s0+$0x15940] =	vst v2;
	v5 =	vmul.f32 $1.131370830e+01, v33  }
0x14c: {  	v52 =	vld [tilespmem:s0+$0x9A90];
	v4 =	vmul.f32 $1.131370830e+01, v34;
	[tilespmem:s0+$0x15950] =	vst v3  }
0x14d: {  	v53 =	vld [tilespmem:s0+$0x9AA0];
	v6 =	vmul.f32 $1.131370830e+01, v35;
	[tilespmem:s0+$0x15960] =	vst v5  }
0x14e: {  	v54 =	vld [tilespmem:s0+$0x9AB0];
	v0 =	vmul.f32 $1.131370830e+01, v36;
	[tilespmem:s0+$0x15970] =	vst v4  }
0x14f: {  	v55 =	vld [tilespmem:s0+$0x9AC0];
	v1 =	vmul.f32 $1.131370830e+01, v37;
	[tilespmem:s0+$0x15980] =	vst v6  }
0x150: {  	v56 =	vld [tilespmem:s0+$0x9AD0];
	v2 =	vmul.f32 $1.131370830e+01, v38;
	[tilespmem:s0+$0x15990] =	vst v0  }
0x151: {  	v58 =	vld [tilespmem:s0+$0x9AE0];
	v57 =	vmul.f32 $1.131370830e+01, v52;
	[tilespmem:s0+$0x159A0] =	vst v1  }
0x152: {  	v39 =	vld [tilespmem:s0+$0x99C0];
	v59 =	vmul.f32 $1.131370830e+01, v53;
	[tilespmem:s0+$0x159B0] =	vst v2  }
0x153: {  	v40 =	vld [tilespmem:s0+$0x99D0];
	v60 =	vmul.f32 $1.131370830e+01, v54;
	[tilespmem:s0+$0x15A90] =	vst v57  }
0x154: {  	v41 =	vld [tilespmem:s0+$0x99E0];
	v61 =	vmul.f32 $1.131370830e+01, v55;
	[tilespmem:s0+$0x15AA0] =	vst v59  }
0x155: {  	v42 =	vld [tilespmem:s0+$0x99F0];
	v62 =	vmul.f32 $1.131370830e+01, v56;
	[tilespmem:s0+$0x15AB0] =	vst v60  }
0x156: {  	v43 =	vld [tilespmem:s0+$0x9A00];
	v63 =	vmul.f32 $1.131370830e+01, v58;
	[tilespmem:s0+$0x15AC0] =	vst v61  }
0x157: {  	v44 =	vld [tilespmem:s0+$0x9A10];
	v3 =	vmul.f32 $1.131370830e+01, v39;
	[tilespmem:s0+$0x15AD0] =	vst v62  }
0x158: {  	v45 =	vld [tilespmem:s0+$0x9A20];
	v5 =	vmul.f32 $1.131370830e+01, v40;
	[tilespmem:s0+$0x15AE0] =	vst v63  }
0x159: {  	v46 =	vld [tilespmem:s0+$0x9A30];
	v4 =	vmul.f32 $1.131370830e+01, v41;
	[tilespmem:s0+$0x159C0] =	vst v3  }
0x15a: {  	v47 =	vld [tilespmem:s0+$0x9A40];
	v6 =	vmul.f32 $1.131370830e+01, v42;
	[tilespmem:s0+$0x159D0] =	vst v5  }
0x15b: {  	v48 =	vld [tilespmem:s0+$0x9A50];
	v0 =	vmul.f32 $1.131370830e+01, v43;
	[tilespmem:s0+$0x159E0] =	vst v4  }
0x15c: {  	v49 =	vld [tilespmem:s0+$0x9A60];
	v1 =	vmul.f32 $1.131370830e+01, v44;
	[tilespmem:s0+$0x159F0] =	vst v6  }
0x15d: {  	v50 =	vld [tilespmem:s0+$0x9A70];
	v2 =	vmul.f32 $1.131370830e+01, v45;
	[tilespmem:s0+$0x15A00] =	vst v0  }
0x15e: {  	v51 =	vld [tilespmem:s0+$0x9A80];
	v3 =	vmul.f32 $1.131370830e+01, v46;
	[tilespmem:s0+$0x15A10] =	vst v1  }
0x15f: {  	[tilespmem:s0+$0x15A20] =	vst v2;
	v5 =	vmul.f32 $1.131370830e+01, v47  }
0x160: {  	v4 =	vmul.f32 $1.131370830e+01, v48;
	[tilespmem:s0+$0x15A30] =	vst v3  }
0x161: {  	v6 =	vmul.f32 $1.131370830e+01, v49;
	[tilespmem:s0+$0x15A40] =	vst v5  }
0x162: {  	v0 =	vmul.f32 $1.131370830e+01, v50;
	[tilespmem:s0+$0x15A50] =	vst v4  }
0x163: {  	v1 =	vmul.f32 $1.131370830e+01, v51;
	[tilespmem:s0+$0x15A60] =	vst v6  }
0x164: {  	p0 =	seq.s32 s29, $0xF;
	s29 =	sadd.s32 $0x1, s29;
	[tilespmem:s0+$0x15A70] =	vst v0  }
0x165: {  	s16 =	simm.s32 @!p0 $0x9900;
	s1 =	simm.s32 @!p0 $0x80;
	[tilespmem:s0+$0x15A80] =	vst v1;
	s0 =	sadd.s32 @!p0 $0x280, s30  }
0x166: {  	[tilespmem:s16], [sflag:$0x3] =	stream.indirect.gather @!p0 [hbm4b:s2+s1], $0x80, s0, s1, $0xb8;
	[tilespmem:$0x19900] =	vst v63  }
0x167: {  	p0 =	sne.s32 s29, $0x10  }
.Ltmp3:
0x168: {  	_ = 	snop;
	(pc) =	sbr.rel @p0 .LBB2_2-.Ltmp3, $4  }
0x169: {  	s31 =	sadd.s32 s8, s31  }
0x16a: {  	s0 =	sshrl.u32 s31, $0x3  }
0x16b: {  	s0 =	sadd.s32 s3, s0  }
0x16c: {  	[hbm4b:s0+s4] =	stream.linear.scatter [tilespmem:s23], [sflag:$0x6], $0x4000, $0x38;
	[tilespmem:$0x19900] =	vst v63  }
0x16d: {  	_ =	swait.ge [sflag:s18], $0x4000  }
0x16e: {  	[sflag:s18] =	ssyncset.done $0x0  }
0x16f: {  	[sflag:s18] =	ssyncadd.s32 $0xFFFFC000  }
0x170: {  	_ =	swait.ge [sflag:s24], $0x4000  }
0x171: {  	[sflag:s24] =	ssyncset.done $0x0  }
0x172: {  	s1 =	simm.s32 $0x0;
	[sflag:s24] =	ssyncadd.s32 $0xFFFFC000  }
0x173: {  	v0 =	vld [tilespmem:s1+$0x1AF0]  }
0x174: {  	v1 =	vld [tilespmem:s1+$0x1900];
	_ =	sdelay $0x1  }
0x175: {  	v2 =	vld [tilespmem:s1+$0x1910]  }
0x176: {  	v3 =	vld [tilespmem:s1+$0x1920]  }
0x177: {  	v4 =	vld [tilespmem:s1+$0x1930];
	v0 =	vmul.f32 $1.131370830e+01, v0  }
0x178: {  	v5 =	vld [tilespmem:s1+$0x1940];
	v1 =	vmul.f32 $1.131370830e+01, v1  }
0x179: {  	v6 =	vld [tilespmem:s1+$0x1950];
	[tilespmem:s1+$0xDAF0] =	vst v0  }
0x17a: {  	v0 =	vmul.f32 $1.131370830e+01, v2;
	[tilespmem:s1+$0xD900] =	vst v1;
	v1 =	vld [tilespmem:s1+$0x1970]  }
0x17b: {  	v7 =	vld [tilespmem:s1+$0x1960];
	v2 =	vmul.f32 $1.131370830e+01, v3  }
0x17c: {  	v3 =	vmul.f32 $1.131370830e+01, v4;
	[tilespmem:s1+$0xD910] =	vst v0;
	v0 =	vld [tilespmem:s1+$0x1980]  }
0x17d: {  	v4 =	vmul.f32 $1.131370830e+01, v5;
	[tilespmem:s1+$0xD920] =	vst v2;
	v2 =	vld [tilespmem:s1+$0x1990]  }
0x17e: {  	v5 =	vmul.f32 $1.131370830e+01, v6;
	[tilespmem:s1+$0xD930] =	vst v3;
	v3 =	vld [tilespmem:s1+$0x19A0]  }
0x17f: {  	[tilespmem:s1+$0xD940] =	vst v4;
	v4 =	vld [tilespmem:s1+$0x19B0];
	v1 =	vmul.f32 $1.131370830e+01, v1  }
0x180: {  	v6 =	vmul.f32 $1.131370830e+01, v7;
	[tilespmem:s1+$0xD950] =	vst v5;
	v5 =	vld [tilespmem:s1+$0x19C0]  }
0x181: {  	v0 =	vmul.f32 $1.131370830e+01, v0;
	[tilespmem:s1+$0xD970] =	vst v1;
	v1 =	vld [tilespmem:s1+$0x19E0]  }
0x182: {  	[tilespmem:s1+$0xD960] =	vst v6;
	v6 =	vld [tilespmem:s1+$0x19D0];
	v2 =	vmul.f32 $1.131370830e+01, v2  }
0x183: {  	v3 =	vmul.f32 $1.131370830e+01, v3;
	[tilespmem:s1+$0xD980] =	vst v0;
	v0 =	vld [tilespmem:s1+$0x19F0]  }
0x184: {  	v4 =	vmul.f32 $1.131370830e+01, v4;
	[tilespmem:s1+$0xD990] =	vst v2;
	v2 =	vld [tilespmem:s1+$0x1A00]  }
0x185: {  	v5 =	vmul.f32 $1.131370830e+01, v5;
	[tilespmem:s1+$0xD9A0] =	vst v3;
	v3 =	vld [tilespmem:s1+$0x1A10]  }
0x186: {  	[tilespmem:s1+$0xD9B0] =	vst v4;
	v4 =	vld [tilespmem:s1+$0x1A20];
	v1 =	vmul.f32 $1.131370830e+01, v1  }
0x187: {  	v6 =	vmul.f32 $1.131370830e+01, v6;
	[tilespmem:s1+$0xD9C0] =	vst v5;
	v5 =	vld [tilespmem:s1+$0x1A30]  }
0x188: {  	v0 =	vmul.f32 $1.131370830e+01, v0;
	[tilespmem:s1+$0xD9E0] =	vst v1;
	v1 =	vld [tilespmem:s1+$0x1A50]  }
0x189: {  	[tilespmem:s1+$0xD9D0] =	vst v6;
	v6 =	vld [tilespmem:s1+$0x1A40];
	v2 =	vmul.f32 $1.131370830e+01, v2  }
0x18a: {  	[tilespmem:s1+$0xD9F0] =	vst v0;
	v0 =	vmul.f32 $1.131370830e+01, v3;
	v3 =	vld [tilespmem:s1+$0x1A70]  }
0x18b: {  	v7 =	vld [tilespmem:s1+$0x1A60];
	[tilespmem:s1+$0xDA00] =	vst v2;
	v2 =	vmul.f32 $1.131370830e+01, v4  }
0x18c: {  	v4 =	vld [tilespmem:s1+$0x1A80];
	[tilespmem:s1+$0xDA10] =	vst v0;
	v0 =	vmul.f32 $1.131370830e+01, v5  }
0x18d: {  	v8 =	vld [tilespmem:s1+$0x1A90];
	[tilespmem:s1+$0xDA20] =	vst v2;
	v5 =	vmul.f32 $1.131370830e+01, v1  }
0x18e: {  	v2 =	vmul.f32 $1.131370830e+01, v6;
	[tilespmem:s1+$0xDA30] =	vst v0;
	v0 =	vld [tilespmem:s1+$0x1AA0]  }
0x18f: {  	v1 =	vld [tilespmem:s1+$0x1AB0];
	[tilespmem:s1+$0xDA50] =	vst v5;
	v5 =	vmul.f32 $1.131370830e+01, v3  }
0x190: {  	v6 =	vmul.f32 $1.131370830e+01, v7;
	[tilespmem:s1+$0xDA40] =	vst v2;
	v2 =	vld [tilespmem:s1+$0x1AC0]  }
0x191: {  	v3 =	vld [tilespmem:s1+$0x1AD0];
	[tilespmem:s1+$0xDA70] =	vst v5;
	v5 =	vmul.f32 $1.131370830e+01, v4  }
0x192: {  	s0 =	simm.s32 $0x200;
	s16 =	simm.s32 $0x1000;
	[tilespmem:s1+$0xDA60] =	vst v6;
	v6 =	vmul.f32 $1.131370830e+01, v8;
	v4 =	vld [tilespmem:s1+$0x1AE0]  }
.LBB2_10:
0x193: {  	p0 =	sne.s32 s16, $0xF800;
	v7 =	vld [tilespmem:s0+$0x1AF0];
	[tilespmem:s1+$0xDA80] =	vst v5;
	v0 =	vmul.f32 $1.131370830e+01, v0  }
0x194: {  	v5 =	vld [tilespmem:s0+$0x1900];
	[tilespmem:s1+$0xDA90] =	vst v6;
	v1 =	vmul.f32 $1.131370830e+01, v1  }
0x195: {  	v6 =	vld [tilespmem:s0+$0x1910];
	[tilespmem:s1+$0xDAA0] =	vst v0;
	v0 =	vmul.f32 $1.131370830e+01, v2  }
0x196: {  	v2 =	vld [tilespmem:s0+$0x1920];
	[tilespmem:s1+$0xDAB0] =	vst v1;
	v1 =	vmul.f32 $1.131370830e+01, v3  }
0x197: {  	v3 =	vld [tilespmem:s0+$0x1930];
	[tilespmem:s1+$0xDAC0] =	vst v0;
	v0 =	vmul.f32 $1.131370830e+01, v4  }
0x198: {  	v4 =	vld [tilespmem:s0+$0x1940];
	v7 =	vmul.f32 $1.131370830e+01, v7;
	[tilespmem:s1+$0xDAD0] =	vst v1  }
0x199: {  	v1 =	vmul.f32 $1.131370830e+01, v5;
	v5 =	vld [tilespmem:s0+$0x1950];
	[tilespmem:s1+$0xDAE0] =	vst v0;
	s1 =	smov.u32 s0  }
0x19a: {  	v0 =	vmul.f32 $1.131370830e+01, v6;
	v6 =	vld [tilespmem:s1+$0x1960];
	[tilespmem:s1+$0xDAF0] =	vst v7  }
0x19b: {  	[tilespmem:s1+$0xD900] =	vst v1;
	v1 =	vmul.f32 $1.131370830e+01, v2;
	v2 =	vld [tilespmem:s1+$0x1970]  }
0x19c: {  	[tilespmem:s1+$0xD910] =	vst v0;
	v0 =	vmul.f32 $1.131370830e+01, v3;
	v3 =	vld [tilespmem:s1+$0x1980]  }
0x19d: {  	[tilespmem:s1+$0xD920] =	vst v1;
	v1 =	vmul.f32 $1.131370830e+01, v4;
	v4 =	vld [tilespmem:s1+$0x1990]  }
0x19e: {  	[tilespmem:s1+$0xD930] =	vst v0;
	v0 =	vmul.f32 $1.131370830e+01, v5;
	v5 =	vld [tilespmem:s1+$0x19A0]  }
0x19f: {  	[tilespmem:s1+$0xD940] =	vst v1;
	v1 =	vmul.f32 $1.131370830e+01, v6;
	v6 =	vld [tilespmem:s1+$0x19B0]  }
0x1a0: {  	[tilespmem:s1+$0xD950] =	vst v0;
	v0 =	vmul.f32 $1.131370830e+01, v2;
	v2 =	vld [tilespmem:s1+$0x19C0]  }
0x1a1: {  	[tilespmem:s1+$0xD960] =	vst v1;
	v1 =	vmul.f32 $1.131370830e+01, v3;
	v3 =	vld [tilespmem:s1+$0x19D0]  }
0x1a2: {  	[tilespmem:s1+$0xD970] =	vst v0;
	v0 =	vmul.f32 $1.131370830e+01, v4;
	v4 =	vld [tilespmem:s1+$0x19E0]  }
0x1a3: {  	[tilespmem:s1+$0xD980] =	vst v1;
	v1 =	vmul.f32 $1.131370830e+01, v5;
	v5 =	vld [tilespmem:s1+$0x19F0]  }
0x1a4: {  	[tilespmem:s1+$0xD990] =	vst v0;
	v0 =	vmul.f32 $1.131370830e+01, v6;
	v6 =	vld [tilespmem:s1+$0x1A00]  }
0x1a5: {  	[tilespmem:s1+$0xD9A0] =	vst v1;
	v1 =	vmul.f32 $1.131370830e+01, v2;
	v2 =	vld [tilespmem:s1+$0x1A10]  }
0x1a6: {  	[tilespmem:s1+$0xD9B0] =	vst v0;
	v0 =	vmul.f32 $1.131370830e+01, v3;
	v3 =	vld [tilespmem:s1+$0x1A20]  }
0x1a7: {  	[tilespmem:s1+$0xD9C0] =	vst v1;
	v1 =	vmul.f32 $1.131370830e+01, v4;
	v4 =	vld [tilespmem:s1+$0x1A30]  }
0x1a8: {  	[tilespmem:s1+$0xD9D0] =	vst v0;
	v0 =	vmul.f32 $1.131370830e+01, v5;
	v5 =	vld [tilespmem:s1+$0x1A40]  }
0x1a9: {  	[tilespmem:s1+$0xD9E0] =	vst v1;
	v1 =	vmul.f32 $1.131370830e+01, v6;
	v6 =	vld [tilespmem:s1+$0x1A50]  }
0x1aa: {  	[tilespmem:s1+$0xD9F0] =	vst v0;
	v0 =	vmul.f32 $1.131370830e+01, v2;
	v2 =	vld [tilespmem:s1+$0x1A60]  }
0x1ab: {  	[tilespmem:s1+$0xDA00] =	vst v1;
	v1 =	vmul.f32 $1.131370830e+01, v3;
	v3 =	vld [tilespmem:s1+$0x1A70]  }
0x1ac: {  	[tilespmem:s1+$0xDA10] =	vst v0;
	v0 =	vmul.f32 $1.131370830e+01, v4;
	v4 =	vld [tilespmem:s1+$0x1A80]  }
0x1ad: {  	[tilespmem:s1+$0xDA20] =	vst v1;
	v1 =	vmul.f32 $1.131370830e+01, v5;
	v7 =	vld [tilespmem:s1+$0x1A90]  }
.Ltmp4:
0x1ae: {  	[tilespmem:s1+$0xDA30] =	vst v0;
	v5 =	vmul.f32 $1.131370830e+01, v6;
	v0 =	vld [tilespmem:s1+$0x1AA0];
	(pc) =	sbr.rel @p0 .LBB2_10-.Ltmp4, $4  }
0x1af: {  	[tilespmem:s1+$0xDA40] =	vst v1;
	v6 =	vmul.f32 $1.131370830e+01, v2;
	v1 =	vld [tilespmem:s1+$0x1AB0]  }
0x1b0: {  	[tilespmem:s1+$0xDA50] =	vst v5;
	v8 =	vmul.f32 $1.131370830e+01, v3;
	v2 =	vld [tilespmem:s1+$0x1AC0]  }
0x1b1: {  	[tilespmem:s1+$0xDA60] =	vst v6;
	v5 =	vmul.f32 $1.131370830e+01, v4;
	v3 =	vld [tilespmem:s1+$0x1AD0]  }
0x1b2: {  	s0 =	sshra.s32 s16, $0x2;
	s16 =	sadd.s32 $0x800, s16;
	[tilespmem:s1+$0xDA70] =	vst v8;
	v6 =	vmul.f32 $1.131370830e+01, v7;
	v4 =	vld [tilespmem:s1+$0x1AE0]  }
0x1b3: {  	v7 =	vld [tilespmem:s0+$0x1AF0];
	[tilespmem:s1+$0xDA80] =	vst v5;
	v0 =	vmul.f32 $1.131370830e+01, v0  }
0x1b4: {  	v5 =	vld [tilespmem:s0+$0x1900];
	[tilespmem:s1+$0xDA90] =	vst v6;
	v1 =	vmul.f32 $1.131370830e+01, v1  }
0x1b5: {  	v6 =	vld [tilespmem:s0+$0x1910];
	[tilespmem:s1+$0xDAA0] =	vst v0;
	v2 =	vmul.f32 $1.131370830e+01, v2  }
0x1b6: {  	v0 =	vld [tilespmem:s0+$0x1920];
	[tilespmem:s1+$0xDAB0] =	vst v1;
	v3 =	vmul.f32 $1.131370830e+01, v3  }
0x1b7: {  	v1 =	vld [tilespmem:s0+$0x1930];
	[tilespmem:s1+$0xDAC0] =	vst v2;
	v4 =	vmul.f32 $1.131370830e+01, v4  }
0x1b8: {  	v2 =	vld [tilespmem:s0+$0x1940];
	[tilespmem:s1+$0xDAD0] =	vst v3;
	v7 =	vmul.f32 $1.131370830e+01, v7  }
0x1b9: {  	v3 =	vld [tilespmem:s0+$0x1950];
	[tilespmem:s1+$0xDAE0] =	vst v4;
	v4 =	vmul.f32 $1.131370830e+01, v5  }
0x1ba: {  	v5 =	vld [tilespmem:s0+$0x1960];
	[tilespmem:s0+$0xDAF0] =	vst v7;
	v6 =	vmul.f32 $1.131370830e+01, v6  }
0x1bb: {  	[tilespmem:s0+$0xD900] =	vst v4;
	v4 =	vld [tilespmem:s0+$0x1970];
	v0 =	vmul.f32 $1.131370830e+01, v0  }
0x1bc: {  	[tilespmem:s0+$0xD910] =	vst v6;
	v6 =	vld [tilespmem:s0+$0x1980];
	v1 =	vmul.f32 $1.131370830e+01, v1  }
0x1bd: {  	[tilespmem:s0+$0xD920] =	vst v0;
	v0 =	vld [tilespmem:s0+$0x1990];
	v2 =	vmul.f32 $1.131370830e+01, v2  }
0x1be: {  	[tilespmem:s0+$0xD930] =	vst v1;
	v1 =	vld [tilespmem:s0+$0x19A0];
	v3 =	vmul.f32 $1.131370830e+01, v3  }
0x1bf: {  	[tilespmem:s0+$0xD940] =	vst v2;
	v2 =	vld [tilespmem:s0+$0x19B0];
	v5 =	vmul.f32 $1.131370830e+01, v5  }
0x1c0: {  	[tilespmem:s0+$0xD950] =	vst v3;
	v3 =	vld [tilespmem:s0+$0x19C0];
	v4 =	vmul.f32 $1.131370830e+01, v4  }
0x1c1: {  	[tilespmem:s0+$0xD960] =	vst v5;
	v5 =	vld [tilespmem:s0+$0x19D0];
	v6 =	vmul.f32 $1.131370830e+01, v6  }
0x1c2: {  	[tilespmem:s0+$0xD970] =	vst v4;
	v4 =	vld [tilespmem:s0+$0x19E0];
	v0 =	vmul.f32 $1.131370830e+01, v0  }
0x1c3: {  	[tilespmem:s0+$0xD980] =	vst v6;
	v6 =	vld [tilespmem:s0+$0x19F0];
	v1 =	vmul.f32 $1.131370830e+01, v1  }
0x1c4: {  	[tilespmem:s0+$0xD990] =	vst v0;
	v0 =	vld [tilespmem:s0+$0x1A00];
	v2 =	vmul.f32 $1.131370830e+01, v2  }
0x1c5: {  	[tilespmem:s0+$0xD9A0] =	vst v1;
	v1 =	vld [tilespmem:s0+$0x1A10];
	v3 =	vmul.f32 $1.131370830e+01, v3  }
0x1c6: {  	[tilespmem:s0+$0xD9B0] =	vst v2;
	v2 =	vld [tilespmem:s0+$0x1A20];
	v5 =	vmul.f32 $1.131370830e+01, v5  }
0x1c7: {  	[tilespmem:s0+$0xD9C0] =	vst v3;
	v3 =	vld [tilespmem:s0+$0x1A30];
	v4 =	vmul.f32 $1.131370830e+01, v4  }
0x1c8: {  	[tilespmem:s0+$0xD9D0] =	vst v5;
	v5 =	vld [tilespmem:s0+$0x1A40];
	v6 =	vmul.f32 $1.131370830e+01, v6  }
0x1c9: {  	[tilespmem:s0+$0xD9E0] =	vst v4;
	v4 =	vld [tilespmem:s0+$0x1A50];
	v0 =	vmul.f32 $1.131370830e+01, v0  }
0x1ca: {  	[tilespmem:s0+$0xD9F0] =	vst v6;
	v6 =	vld [tilespmem:s0+$0x1A60];
	v1 =	vmul.f32 $1.131370830e+01, v1  }
0x1cb: {  	[tilespmem:s0+$0xDA00] =	vst v0;
	v0 =	vld [tilespmem:s0+$0x1A70];
	v2 =	vmul.f32 $1.131370830e+01, v2  }
0x1cc: {  	[tilespmem:s0+$0xDA10] =	vst v1;
	v1 =	vld [tilespmem:s0+$0x1A80];
	v3 =	vmul.f32 $1.131370830e+01, v3  }
0x1cd: {  	[tilespmem:s0+$0xDA20] =	vst v2;
	v2 =	vld [tilespmem:s0+$0x1A90];
	v5 =	vmul.f32 $1.131370830e+01, v5  }
0x1ce: {  	[tilespmem:s0+$0xDA30] =	vst v3;
	v3 =	vld [tilespmem:s0+$0x1AA0];
	v4 =	vmul.f32 $1.131370830e+01, v4  }
0x1cf: {  	[tilespmem:s0+$0xDA40] =	vst v5;
	v5 =	vld [tilespmem:s0+$0x1AB0];
	v6 =	vmul.f32 $1.131370830e+01, v6  }
0x1d0: {  	[tilespmem:s0+$0xDA50] =	vst v4;
	v4 =	vld [tilespmem:s0+$0x1AC0];
	v0 =	vmul.f32 $1.131370830e+01, v0  }
0x1d1: {  	[tilespmem:s0+$0xDA60] =	vst v6;
	v6 =	vld [tilespmem:s0+$0x1AD0];
	v1 =	vmul.f32 $1.131370830e+01, v1  }
0x1d2: {  	[tilespmem:s0+$0xDA70] =	vst v0;
	v0 =	vmul.f32 $1.131370830e+01, v2;
	v2 =	vld [tilespmem:s0+$0x1AE0]  }
0x1d3: {  	[tilespmem:s0+$0xDA80] =	vst v1;
	v1 =	vmul.f32 $1.131370830e+01, v3  }
0x1d4: {  	[tilespmem:s0+$0xDA90] =	vst v0;
	v0 =	vmul.f32 $1.131370830e+01, v5  }
0x1d5: {  	[tilespmem:s0+$0xDAA0] =	vst v1;
	v1 =	vmul.f32 $1.131370830e+01, v4  }
0x1d6: {  	[tilespmem:s0+$0xDAB0] =	vst v0;
	v0 =	vmul.f32 $1.131370830e+01, v6  }
0x1d7: {  	[tilespmem:s0+$0xDAC0] =	vst v1;
	v1 =	vmul.f32 $1.131370830e+01, v2  }
0x1d8: {  	[tilespmem:s0+$0xDAD0] =	vst v0  }
0x1d9: {  	s31 =	simm.s32 $0x0;
	[tilespmem:s0+$0xDAE0] =	vst v1  }
0x1da: {  	[hbm4b:s9+s31] =	stream.linear.scatter [tilespmem:s19], [sflag:$0x4], $0x4000, $0x38;
	[tilespmem:$0x19900] =	vst v63  }
0x1db: {  	_ =	swait.ge [sflag:s20], $0x4000  }
0x1dc: {  	[sflag:s20] =	ssyncset.done $0x0  }
0x1dd: {  	[sflag:s20] =	ssyncadd.s32 $0xFFFFC000  }
0x1de: {  	_ =	swait.ge [sflag:s25], $0x4000  }
0x1df: {  	[sflag:s25] =	ssyncset.done $0x0  }
0x1e0: {  	s1 =	simm.s32 $0x0;
	[sflag:s25] =	ssyncadd.s32 $0xFFFFC000  }
0x1e1: {  	v0 =	vld [tilespmem:s1+$0x5AF0]  }
0x1e2: {  	v1 =	vld [tilespmem:s1+$0x5900];
	_ =	sdelay $0x1  }
0x1e3: {  	v2 =	vld [tilespmem:s1+$0x5910]  }
0x1e4: {  	v3 =	vld [tilespmem:s1+$0x5920]  }
0x1e5: {  	v4 =	vld [tilespmem:s1+$0x5930];
	v0 =	vmul.f32 $1.131370830e+01, v0  }
0x1e6: {  	v5 =	vld [tilespmem:s1+$0x5940];
	v1 =	vmul.f32 $1.131370830e+01, v1  }
0x1e7: {  	v6 =	vld [tilespmem:s1+$0x5950];
	[tilespmem:s1+$0x11AF0] =	vst v0  }
0x1e8: {  	v0 =	vmul.f32 $1.131370830e+01, v2;
	[tilespmem:s1+$0x11900] =	vst v1;
	v1 =	vld [tilespmem:s1+$0x5970]  }
0x1e9: {  	v7 =	vld [tilespmem:s1+$0x5960];
	v2 =	vmul.f32 $1.131370830e+01, v3  }
0x1ea: {  	v3 =	vmul.f32 $1.131370830e+01, v4;
	[tilespmem:s1+$0x11910] =	vst v0;
	v0 =	vld [tilespmem:s1+$0x5980]  }
0x1eb: {  	v4 =	vmul.f32 $1.131370830e+01, v5;
	[tilespmem:s1+$0x11920] =	vst v2;
	v2 =	vld [tilespmem:s1+$0x5990]  }
0x1ec: {  	v5 =	vmul.f32 $1.131370830e+01, v6;
	[tilespmem:s1+$0x11930] =	vst v3;
	v3 =	vld [tilespmem:s1+$0x59A0]  }
0x1ed: {  	[tilespmem:s1+$0x11940] =	vst v4;
	v4 =	vld [tilespmem:s1+$0x59B0];
	v1 =	vmul.f32 $1.131370830e+01, v1  }
0x1ee: {  	v6 =	vmul.f32 $1.131370830e+01, v7;
	[tilespmem:s1+$0x11950] =	vst v5;
	v5 =	vld [tilespmem:s1+$0x59C0]  }
0x1ef: {  	v0 =	vmul.f32 $1.131370830e+01, v0;
	[tilespmem:s1+$0x11970] =	vst v1;
	v1 =	vld [tilespmem:s1+$0x59E0]  }
0x1f0: {  	[tilespmem:s1+$0x11960] =	vst v6;
	v6 =	vld [tilespmem:s1+$0x59D0];
	v2 =	vmul.f32 $1.131370830e+01, v2  }
0x1f1: {  	v3 =	vmul.f32 $1.131370830e+01, v3;
	[tilespmem:s1+$0x11980] =	vst v0;
	v0 =	vld [tilespmem:s1+$0x59F0]  }
0x1f2: {  	v4 =	vmul.f32 $1.131370830e+01, v4;
	[tilespmem:s1+$0x11990] =	vst v2;
	v2 =	vld [tilespmem:s1+$0x5A00]  }
0x1f3: {  	v5 =	vmul.f32 $1.131370830e+01, v5;
	[tilespmem:s1+$0x119A0] =	vst v3;
	v3 =	vld [tilespmem:s1+$0x5A10]  }
0x1f4: {  	[tilespmem:s1+$0x119B0] =	vst v4;
	v4 =	vld [tilespmem:s1+$0x5A20];
	v1 =	vmul.f32 $1.131370830e+01, v1  }
0x1f5: {  	v6 =	vmul.f32 $1.131370830e+01, v6;
	[tilespmem:s1+$0x119C0] =	vst v5;
	v5 =	vld [tilespmem:s1+$0x5A30]  }
0x1f6: {  	v0 =	vmul.f32 $1.131370830e+01, v0;
	[tilespmem:s1+$0x119E0] =	vst v1;
	v1 =	vld [tilespmem:s1+$0x5A50]  }
0x1f7: {  	[tilespmem:s1+$0x119D0] =	vst v6;
	v6 =	vld [tilespmem:s1+$0x5A40];
	v2 =	vmul.f32 $1.131370830e+01, v2  }
0x1f8: {  	[tilespmem:s1+$0x119F0] =	vst v0;
	v0 =	vmul.f32 $1.131370830e+01, v3;
	v3 =	vld [tilespmem:s1+$0x5A70]  }
0x1f9: {  	v7 =	vld [tilespmem:s1+$0x5A60];
	[tilespmem:s1+$0x11A00] =	vst v2;
	v2 =	vmul.f32 $1.131370830e+01, v4  }
0x1fa: {  	v4 =	vld [tilespmem:s1+$0x5A80];
	[tilespmem:s1+$0x11A10] =	vst v0;
	v0 =	vmul.f32 $1.131370830e+01, v5  }
0x1fb: {  	v8 =	vld [tilespmem:s1+$0x5A90];
	[tilespmem:s1+$0x11A20] =	vst v2;
	v5 =	vmul.f32 $1.131370830e+01, v1  }
0x1fc: {  	v2 =	vmul.f32 $1.131370830e+01, v6;
	[tilespmem:s1+$0x11A30] =	vst v0;
	v0 =	vld [tilespmem:s1+$0x5AA0]  }
0x1fd: {  	v1 =	vld [tilespmem:s1+$0x5AB0];
	[tilespmem:s1+$0x11A50] =	vst v5;
	v5 =	vmul.f32 $1.131370830e+01, v3  }
0x1fe: {  	v6 =	vmul.f32 $1.131370830e+01, v7;
	[tilespmem:s1+$0x11A40] =	vst v2;
	v2 =	vld [tilespmem:s1+$0x5AC0]  }
0x1ff: {  	v3 =	vld [tilespmem:s1+$0x5AD0];
	[tilespmem:s1+$0x11A70] =	vst v5;
	v5 =	vmul.f32 $1.131370830e+01, v4  }
0x200: {  	s16 =	simm.s32 $0x1000;
	s0 =	simm.s32 $0x200;
	[tilespmem:s1+$0x11A60] =	vst v6;
	v6 =	vmul.f32 $1.131370830e+01, v8;
	v4 =	vld [tilespmem:s1+$0x5AE0]  }
.LBB2_12:
0x201: {  	p0 =	sne.s32 s16, $0xF800;
	v7 =	vld [tilespmem:s0+$0x5AF0];
	[tilespmem:s1+$0x11A80] =	vst v5;
	v0 =	vmul.f32 $1.131370830e+01, v0  }
0x202: {  	v5 =	vld [tilespmem:s0+$0x5900];
	[tilespmem:s1+$0x11A90] =	vst v6;
	v1 =	vmul.f32 $1.131370830e+01, v1  }
0x203: {  	v6 =	vld [tilespmem:s0+$0x5910];
	[tilespmem:s1+$0x11AA0] =	vst v0;
	v0 =	vmul.f32 $1.131370830e+01, v2  }
0x204: {  	v2 =	vld [tilespmem:s0+$0x5920];
	[tilespmem:s1+$0x11AB0] =	vst v1;
	v1 =	vmul.f32 $1.131370830e+01, v3  }
0x205: {  	v3 =	vld [tilespmem:s0+$0x5930];
	[tilespmem:s1+$0x11AC0] =	vst v0;
	v0 =	vmul.f32 $1.131370830e+01, v4  }
0x206: {  	v4 =	vld [tilespmem:s0+$0x5940];
	v7 =	vmul.f32 $1.131370830e+01, v7;
	[tilespmem:s1+$0x11AD0] =	vst v1  }
0x207: {  	v1 =	vmul.f32 $1.131370830e+01, v5;
	v5 =	vld [tilespmem:s0+$0x5950];
	[tilespmem:s1+$0x11AE0] =	vst v0;
	s1 =	smov.u32 s0  }
0x208: {  	v0 =	vmul.f32 $1.131370830e+01, v6;
	v6 =	vld [tilespmem:s1+$0x5960];
	[tilespmem:s1+$0x11AF0] =	vst v7  }
0x209: {  	[tilespmem:s1+$0x11900] =	vst v1;
	v1 =	vmul.f32 $1.131370830e+01, v2;
	v2 =	vld [tilespmem:s1+$0x5970]  }
0x20a: {  	[tilespmem:s1+$0x11910] =	vst v0;
	v0 =	vmul.f32 $1.131370830e+01, v3;
	v3 =	vld [tilespmem:s1+$0x5980]  }
0x20b: {  	[tilespmem:s1+$0x11920] =	vst v1;
	v1 =	vmul.f32 $1.131370830e+01, v4;
	v4 =	vld [tilespmem:s1+$0x5990]  }
0x20c: {  	[tilespmem:s1+$0x11930] =	vst v0;
	v0 =	vmul.f32 $1.131370830e+01, v5;
	v5 =	vld [tilespmem:s1+$0x59A0]  }
0x20d: {  	[tilespmem:s1+$0x11940] =	vst v1;
	v1 =	vmul.f32 $1.131370830e+01, v6;
	v6 =	vld [tilespmem:s1+$0x59B0]  }
0x20e: {  	[tilespmem:s1+$0x11950] =	vst v0;
	v0 =	vmul.f32 $1.131370830e+01, v2;
	v2 =	vld [tilespmem:s1+$0x59C0]  }
0x20f: {  	[tilespmem:s1+$0x11960] =	vst v1;
	v1 =	vmul.f32 $1.131370830e+01, v3;
	v3 =	vld [tilespmem:s1+$0x59D0]  }
0x210: {  	[tilespmem:s1+$0x11970] =	vst v0;
	v0 =	vmul.f32 $1.131370830e+01, v4;
	v4 =	vld [tilespmem:s1+$0x59E0]  }
0x211: {  	[tilespmem:s1+$0x11980] =	vst v1;
	v1 =	vmul.f32 $1.131370830e+01, v5;
	v5 =	vld [tilespmem:s1+$0x59F0]  }
0x212: {  	[tilespmem:s1+$0x11990] =	vst v0;
	v0 =	vmul.f32 $1.131370830e+01, v6;
	v6 =	vld [tilespmem:s1+$0x5A00]  }
0x213: {  	[tilespmem:s1+$0x119A0] =	vst v1;
	v1 =	vmul.f32 $1.131370830e+01, v2;
	v2 =	vld [tilespmem:s1+$0x5A10]  }
0x214: {  	[tilespmem:s1+$0x119B0] =	vst v0;
	v0 =	vmul.f32 $1.131370830e+01, v3;
	v3 =	vld [tilespmem:s1+$0x5A20]  }
0x215: {  	[tilespmem:s1+$0x119C0] =	vst v1;
	v1 =	vmul.f32 $1.131370830e+01, v4;
	v4 =	vld [tilespmem:s1+$0x5A30]  }
0x216: {  	[tilespmem:s1+$0x119D0] =	vst v0;
	v0 =	vmul.f32 $1.131370830e+01, v5;
	v5 =	vld [tilespmem:s1+$0x5A40]  }
0x217: {  	[tilespmem:s1+$0x119E0] =	vst v1;
	v1 =	vmul.f32 $1.131370830e+01, v6;
	v6 =	vld [tilespmem:s1+$0x5A50]  }
0x218: {  	[tilespmem:s1+$0x119F0] =	vst v0;
	v0 =	vmul.f32 $1.131370830e+01, v2;
	v2 =	vld [tilespmem:s1+$0x5A60]  }
0x219: {  	[tilespmem:s1+$0x11A00] =	vst v1;
	v1 =	vmul.f32 $1.131370830e+01, v3;
	v3 =	vld [tilespmem:s1+$0x5A70]  }
0x21a: {  	[tilespmem:s1+$0x11A10] =	vst v0;
	v0 =	vmul.f32 $1.131370830e+01, v4;
	v4 =	vld [tilespmem:s1+$0x5A80]  }
0x21b: {  	[tilespmem:s1+$0x11A20] =	vst v1;
	v1 =	vmul.f32 $1.131370830e+01, v5;
	v7 =	vld [tilespmem:s1+$0x5A90]  }
.Ltmp5:
0x21c: {  	[tilespmem:s1+$0x11A30] =	vst v0;
	v5 =	vmul.f32 $1.131370830e+01, v6;
	v0 =	vld [tilespmem:s1+$0x5AA0];
	(pc) =	sbr.rel @p0 .LBB2_12-.Ltmp5, $4  }
0x21d: {  	[tilespmem:s1+$0x11A40] =	vst v1;
	v6 =	vmul.f32 $1.131370830e+01, v2;
	v1 =	vld [tilespmem:s1+$0x5AB0]  }
0x21e: {  	[tilespmem:s1+$0x11A50] =	vst v5;
	v8 =	vmul.f32 $1.131370830e+01, v3;
	v2 =	vld [tilespmem:s1+$0x5AC0]  }
0x21f: {  	[tilespmem:s1+$0x11A60] =	vst v6;
	v5 =	vmul.f32 $1.131370830e+01, v4;
	v3 =	vld [tilespmem:s1+$0x5AD0]  }
0x220: {  	s0 =	sshra.s32 s16, $0x2;
	s16 =	sadd.s32 $0x800, s16;
	[tilespmem:s1+$0x11A70] =	vst v8;
	v6 =	vmul.f32 $1.131370830e+01, v7;
	v4 =	vld [tilespmem:s1+$0x5AE0]  }
0x221: {  	v7 =	vld [tilespmem:s0+$0x5AF0];
	[tilespmem:s1+$0x11A80] =	vst v5;
	v0 =	vmul.f32 $1.131370830e+01, v0  }
0x222: {  	v5 =	vld [tilespmem:s0+$0x5900];
	[tilespmem:s1+$0x11A90] =	vst v6;
	v1 =	vmul.f32 $1.131370830e+01, v1  }
0x223: {  	v6 =	vld [tilespmem:s0+$0x5910];
	[tilespmem:s1+$0x11AA0] =	vst v0;
	v2 =	vmul.f32 $1.131370830e+01, v2  }
0x224: {  	v0 =	vld [tilespmem:s0+$0x5920];
	[tilespmem:s1+$0x11AB0] =	vst v1;
	v3 =	vmul.f32 $1.131370830e+01, v3  }
0x225: {  	v1 =	vld [tilespmem:s0+$0x5930];
	[tilespmem:s1+$0x11AC0] =	vst v2;
	v4 =	vmul.f32 $1.131370830e+01, v4  }
0x226: {  	v2 =	vld [tilespmem:s0+$0x5940];
	[tilespmem:s1+$0x11AD0] =	vst v3;
	v7 =	vmul.f32 $1.131370830e+01, v7  }
0x227: {  	v3 =	vld [tilespmem:s0+$0x5950];
	[tilespmem:s1+$0x11AE0] =	vst v4;
	v32 =	vmul.f32 $1.131370830e+01, v5  }
0x228: {  	v33 =	vld [tilespmem:s0+$0x5960];
	[tilespmem:s0+$0x11AF0] =	vst v7;
	v6 =	vmul.f32 $1.131370830e+01, v6  }
0x229: {  	v34 =	vld [tilespmem:s0+$0x5970];
	[tilespmem:s0+$0x11900] =	vst v32;
	v0 =	vmul.f32 $1.131370830e+01, v0  }
0x22a: {  	v35 =	vld [tilespmem:s0+$0x5980];
	[tilespmem:s0+$0x11910] =	vst v6;
	v1 =	vmul.f32 $1.131370830e+01, v1  }
0x22b: {  	v36 =	vld [tilespmem:s0+$0x5990];
	[tilespmem:s0+$0x11920] =	vst v0;
	v2 =	vmul.f32 $1.131370830e+01, v2  }
0x22c: {  	v37 =	vld [tilespmem:s0+$0x59A0];
	[tilespmem:s0+$0x11930] =	vst v1;
	v3 =	vmul.f32 $1.131370830e+01, v3  }
0x22d: {  	v38 =	vld [tilespmem:s0+$0x59B0];
	[tilespmem:s0+$0x11940] =	vst v2;
	v5 =	vmul.f32 $1.131370830e+01, v33  }
0x22e: {  	v52 =	vld [tilespmem:s0+$0x5A90];
	v4 =	vmul.f32 $1.131370830e+01, v34;
	[tilespmem:s0+$0x11950] =	vst v3  }
0x22f: {  	v53 =	vld [tilespmem:s0+$0x5AA0];
	v6 =	vmul.f32 $1.131370830e+01, v35;
	[tilespmem:s0+$0x11960] =	vst v5  }
0x230: {  	v54 =	vld [tilespmem:s0+$0x5AB0];
	v0 =	vmul.f32 $1.131370830e+01, v36;
	[tilespmem:s0+$0x11970] =	vst v4  }
0x231: {  	v55 =	vld [tilespmem:s0+$0x5AC0];
	v1 =	vmul.f32 $1.131370830e+01, v37;
	[tilespmem:s0+$0x11980] =	vst v6  }
0x232: {  	v56 =	vld [tilespmem:s0+$0x5AD0];
	v2 =	vmul.f32 $1.131370830e+01, v38;
	[tilespmem:s0+$0x11990] =	vst v0  }
0x233: {  	v58 =	vld [tilespmem:s0+$0x5AE0];
	v57 =	vmul.f32 $1.131370830e+01, v52;
	[tilespmem:s0+$0x119A0] =	vst v1  }
0x234: {  	v39 =	vld [tilespmem:s0+$0x59C0];
	v59 =	vmul.f32 $1.131370830e+01, v53;
	[tilespmem:s0+$0x119B0] =	vst v2  }
0x235: {  	v40 =	vld [tilespmem:s0+$0x59D0];
	v60 =	vmul.f32 $1.131370830e+01, v54;
	[tilespmem:s0+$0x11A90] =	vst v57  }
0x236: {  	v41 =	vld [tilespmem:s0+$0x59E0];
	v61 =	vmul.f32 $1.131370830e+01, v55;
	[tilespmem:s0+$0x11AA0] =	vst v59  }
0x237: {  	v42 =	vld [tilespmem:s0+$0x59F0];
	v62 =	vmul.f32 $1.131370830e+01, v56;
	[tilespmem:s0+$0x11AB0] =	vst v60  }
0x238: {  	v43 =	vld [tilespmem:s0+$0x5A00];
	v63 =	vmul.f32 $1.131370830e+01, v58;
	[tilespmem:s0+$0x11AC0] =	vst v61  }
0x239: {  	v44 =	vld [tilespmem:s0+$0x5A10];
	v3 =	vmul.f32 $1.131370830e+01, v39;
	[tilespmem:s0+$0x11AD0] =	vst v62  }
0x23a: {  	v45 =	vld [tilespmem:s0+$0x5A20];
	v5 =	vmul.f32 $1.131370830e+01, v40;
	[tilespmem:s0+$0x11AE0] =	vst v63  }
0x23b: {  	v46 =	vld [tilespmem:s0+$0x5A30];
	v4 =	vmul.f32 $1.131370830e+01, v41;
	[tilespmem:s0+$0x119C0] =	vst v3  }
0x23c: {  	v47 =	vld [tilespmem:s0+$0x5A40];
	v6 =	vmul.f32 $1.131370830e+01, v42;
	[tilespmem:s0+$0x119D0] =	vst v5  }
0x23d: {  	v48 =	vld [tilespmem:s0+$0x5A50];
	v0 =	vmul.f32 $1.131370830e+01, v43;
	[tilespmem:s0+$0x119E0] =	vst v4  }
0x23e: {  	v49 =	vld [tilespmem:s0+$0x5A60];
	v1 =	vmul.f32 $1.131370830e+01, v44;
	[tilespmem:s0+$0x119F0] =	vst v6  }
0x23f: {  	v50 =	vld [tilespmem:s0+$0x5A70];
	v2 =	vmul.f32 $1.131370830e+01, v45;
	[tilespmem:s0+$0x11A00] =	vst v0  }
0x240: {  	v51 =	vld [tilespmem:s0+$0x5A80];
	v3 =	vmul.f32 $1.131370830e+01, v46;
	[tilespmem:s0+$0x11A10] =	vst v1  }
0x241: {  	[tilespmem:s0+$0x11A20] =	vst v2;
	v5 =	vmul.f32 $1.131370830e+01, v47  }
0x242: {  	v4 =	vmul.f32 $1.131370830e+01, v48;
	[tilespmem:s0+$0x11A30] =	vst v3  }
0x243: {  	v6 =	vmul.f32 $1.131370830e+01, v49;
	[tilespmem:s0+$0x11A40] =	vst v5  }
0x244: {  	v0 =	vmul.f32 $1.131370830e+01, v50;
	[tilespmem:s0+$0x11A50] =	vst v4  }
0x245: {  	v1 =	vmul.f32 $1.131370830e+01, v51;
	[tilespmem:s0+$0x11A60] =	vst v6  }
0x246: {  	[tilespmem:s0+$0x11A70] =	vst v0  }
0x247: {  	[tilespmem:s0+$0x11A80] =	vst v1  }
0x248: {  	[hbm4b:s10+s4] =	stream.linear.scatter [tilespmem:s21], [sflag:$0x5], $0x4000, $0x38;
	[tilespmem:$0x19900] =	vst v63  }
0x249: {  	_ =	swait.ge [sflag:s26], $0x4000  }
0x24a: {  	[sflag:s26] =	ssyncset.done $0x0  }
0x24b: {  	s28 =	sadd.s32 $0x1, s28;
	[sflag:s26] =	ssyncadd.s32 $0xFFFFC000  }
0x24c: {  	p0 =	sne.s32 s28, s11;
	_ =	swait.ge [sflag:s24], $0x4000  }
.Ltmp6:
0x24d: {  	[sflag:s24] =	ssyncset.done $0x0;
	(pc) =	sbr.rel @p0 .LBB2_1-.Ltmp6, $4  }
0x24e: {  	[sflag:s24] =	ssyncadd.s32 $0xFFFFC000  }
0x24f: {  	_ =	swait.ge [sflag:s25], $0x4000  }
0x250: {  	[sflag:s25] =	ssyncset.done $0x0  }
0x251: {  	[sflag:s25] =	ssyncadd.s32 $0xFFFFC000  }
0x252: {  	_ =	sfence.sel $0x180000  }
0x253: {  	[bflag:$0x0] =	sbarrier.arrive $0xFFFF  }
0x254: {  	_ =	strace $0x90000047  }
0x255: {  	s0 =	stileid.u32;
	[bflag:$0x2] =	sbarrier.arrive $0xFFFF  }
0x256: {  	p0 =	sne.s32 s0, $0x0;
	s0 =	rddreg [dreg:$0x3]  }
0x257: {  	s0 =	sadd.s32 @!p0 $0x100000, s0  }
0x258: {  	[sflag:s0] =	ssyncadd.tile.s32 @!p0 $0x1;
	_ =	shalt  }
.Lfunc_end2:
_tile_overlayer_lowered:
.L_overlay_start_2:
0x259: {  	(tag) =	ssettag $0x2  }
0x25a: {  	s0 =	rddreg [dreg:$0x0];
	s2 =	stileid.u32  }
0x25b: {  	s1 =	rddreg [dreg:$0x1];
	p0 =	sne.s32 s2, $0x0  }
0x25c: {  	s3 =	rddreg [dreg:$0x2];
	[bflag:$0x3] =	sbarrier.arrive $0xFFFF;
	s2 =	simm.s32 @!p0 $0x1C07  }
0x25d: {  	[timem:s3], [sflag:s2] =	dma.local @!p0 [hbm:s0], s1  }
0x25e: {  	s0 =	simm.s32 @!p0 $0x7  }
0x25f: {  	_ =	swait.ge @!p0 [sflag:s0], s1  }
0x260: {  	s1 =	ssub.s32 @!p0 $0x0, s1;
	[sflag:s0] =	ssyncset.done @!p0 $0x0  }
0x261: {  	[sflag:s0] =	ssyncadd.s32 @!p0 s1  }
0x262: {  	[bflag:$0x3] =	sbarrier.arrive $0xFFFF  }
0x263: {  	_ =	shalt  }

</sc_bundles>
